<compile_context>
chip_gen: v7x
topology: tpu7x:2x2x1
jax: 0.10.2.dev20260603
libtpu: 0.0.44.dev20260713+nightly
codegen_flags: <defaults>
</compile_context>

<pallas_src>
import functools

import jax
import jax.numpy as jnp
from jax import lax
from jax.experimental import pallas as pl
from jax.experimental.pallas import tpu as pltpu
from jax.experimental.pallas import tpu_sc as plsc

N = 10000
HID = 64
NC = 2
NS = 16
L = 16
NW = NC * NS
CB = 128
N_ACC = 10240
N_TC = 10240
RPT = N_ACC // NS


def _mesh():
    return plsc.VectorSubcoreMesh(core_axis_name="c", subcore_axis_name="s")


_SC_PARAMS = pltpu.CompilerParams(use_tc_tiling_on_sc=False)


def _fill(ref, rows, cols, val):
    @pl.loop(0, rows)
    def _(i):
        @pl.loop(0, cols, step=L)
        def _(j):
            ref.at[pl.ds(i, 1), pl.ds(j, L)][...] = jnp.full((1, L), val, jnp.float32)


def _sc_deg(ei3):
    chn = ei3.shape[2]

    @functools.partial(
        pl.kernel,
        out_type=jax.ShapeDtypeStruct((NC, N_ACC, L), jnp.float32),
        mesh=_mesh(),
        scratch_types=[
            pltpu.VMEM((chn, CB), jnp.int32),
            pltpu.VMEM((CB, L), jnp.float32),
            pltpu.VMEM((CB, L), jnp.float32),
            pltpu.VMEM_SHARED((N_ACC, L), jnp.float32),
            pltpu.SemaphoreType.DMA,
        ],
        compiler_params=_SC_PARAMS,
    )
    def k(ei_hbm, out_hbm, dst_v, ones_v, zb_v, acc_sh, sem):
        c = lax.axis_index("c")
        s = lax.axis_index("s")
        w = s * NC + c
        _fill(ones_v, CB, L, 1.0)
        _fill(zb_v, CB, L, 0.0)
        i1 = pltpu.async_copy(ei_hbm.at[1, w], dst_v, sem)

        @pl.loop(0, RPT, step=CB)
        def _(r):
            pltpu.sync_copy(zb_v, acc_sh.at[pl.ds(s * RPT + r, CB)])

        i1.wait()
        plsc.subcore_barrier()

        @pl.loop(0, chn, step=8)
        def _(j):
            for b in range(8):
                pltpu.async_copy(ones_v, acc_sh.at[dst_v.at[j + b]], sem, add=True)
            for b in range(8):
                pltpu.make_async_copy(ones_v, acc_sh.at[dst_v.at[j + b]], sem).wait()

        plsc.subcore_barrier()
        pltpu.sync_copy(acc_sh.at[pl.ds(s * RPT, RPT)],
                        out_hbm.at[c, pl.ds(s * RPT, RPT)])

    return k(ei3)


def _sc_agg(y, ei3, d):
    chn = ei3.shape[2]
    npt = N_TC // NS

    @functools.partial(
        pl.kernel,
        out_type=jax.ShapeDtypeStruct((NC, N_ACC, d), jnp.float32),
        mesh=_mesh(),
        scratch_types=[
            pltpu.VMEM((chn, CB), jnp.int32),
            pltpu.VMEM((chn, CB), jnp.int32),
            pltpu.VMEM((CB, d), jnp.float32),
            pltpu.VMEM((CB, d), jnp.float32),
            pltpu.VMEM((CB, d), jnp.float32),
            pltpu.VMEM_SHARED((N_TC, d), jnp.float32),
            pltpu.VMEM_SHARED((N_ACC, d), jnp.float32),
        ] + [pltpu.SemaphoreType.DMA] * 2,
        compiler_params=_SC_PARAMS,
    )
    def k(y_hbm, ei_hbm, out_hbm,
          src_v, dst_v, rows0, rows1, zb_v, y_sh, acc_sh, g0, g1):
        c = lax.axis_index("c")
        s = lax.axis_index("s")
        w = s * NC + c
        _fill(zb_v, CB, d, 0.0)
        st = pltpu.async_copy(y_hbm.at[pl.ds(s * npt, npt)],
                              y_sh.at[pl.ds(s * npt, npt)], g0)
        i0 = pltpu.async_copy(ei_hbm.at[0, w], src_v, g1)
        i1 = pltpu.async_copy(ei_hbm.at[1, w], dst_v, g1)

        @pl.loop(0, RPT, step=CB)
        def _(r):
            pltpu.sync_copy(zb_v, acc_sh.at[pl.ds(s * RPT + r, CB)])

        st.wait()
        i0.wait()
        i1.wait()
        plsc.subcore_barrier()

        pltpu.async_copy(y_sh.at[src_v.at[0]], rows0, g0)

        @pl.loop(0, chn, step=2)
        def _(j):
            a1 = pltpu.async_copy(y_sh.at[src_v.at[j + 1]], rows1, g1)
            pltpu.make_async_copy(y_sh.at[src_v.at[j]], rows0, g0).wait()
            pltpu.sync_copy(rows0, acc_sh.at[dst_v.at[j]], add=True)

            @pl.when(j + 2 < chn)
            def _():
                pltpu.async_copy(y_sh.at[src_v.at[j + 2]], rows0, g0)

            a1.wait()
            pltpu.sync_copy(rows1, acc_sh.at[dst_v.at[j + 1]], add=True)

        plsc.subcore_barrier()
        pltpu.sync_copy(acc_sh.at[pl.ds(s * RPT, RPT)],
                        out_hbm.at[c, pl.ds(s * RPT, RPT)])

    return k(y, ei3)


R = 2048
RQ = R * L // 128
RH = 1024
RHQ = RH * L // 128
NH = N_TC // 2


def _iota2(shape, dim):
    return lax.broadcasted_iota(jnp.int32, shape, dim)


def _pad0(pid, shape, pad):
    sel = (_iota2(shape, 0) == 0)
    if shape[1] == 128:
        sel = sel & (_iota2(shape, 1) < L)
    return jnp.where(sel & (pid == 0), float(pad), 0.0)


def _dinv_nodes(degq_ref, pid, pad, width, rows):
    rq = rows * L // 128
    degP = degq_ref[0] + degq_ref[1] + 1.0 - _pad0(pid, (rq, 128), pad)
    S = (_iota2((128, 8), 0) == _iota2((128, 8), 1) * L).astype(jnp.float32)
    dinv8 = lax.rsqrt(jnp.dot(degP, S, preferred_element_type=jnp.float32))
    T = (_iota2((rows, rq), 1) == _iota2((rows, rq), 0) // 8).astype(jnp.float32)
    Z = jnp.dot(T, dinv8, preferred_element_type=jnp.float32)
    M = (_iota2((rows, 8), 1) == _iota2((rows, 8), 0) % 8).astype(jnp.float32)
    return jnp.dot(Z * M, jnp.ones((8, width), jnp.float32),
                   preferred_element_type=jnp.float32)


def _pack16(v16, rows):
    vw = jnp.dot(v16, jnp.full((L, 128), 1.0 / L, jnp.float32),
                 preferred_element_type=jnp.float32)
    M128 = (_iota2((rows, 128), 1) // L == _iota2((rows, 128), 0) % 8).astype(jnp.float32)
    Tt = (_iota2((rows * L // 128, rows), 0) == _iota2((rows * L // 128, rows), 1) // 8).astype(jnp.float32)
    return jnp.dot(Tt, vw * M128, preferred_element_type=jnp.float32)


def _tc1(x, W1, degq, pad):
    def body(xa_ref, xb_ref, w_ref, dqa_ref, dqb_ref, y_ref):
        pid = pl.program_id(0)
        da = _dinv_nodes(dqa_ref, pid, pad, HID, RH)
        db = _dinv_nodes(dqb_ref, pid, 0.0, HID, RH)
        ya = jnp.dot(xa_ref[...], w_ref[...], preferred_element_type=jnp.float32) * da
        yb = jnp.dot(xb_ref[...], w_ref[...], preferred_element_type=jnp.float32) * db
        y_ref[...] = jnp.concatenate([ya, yb], axis=1)

    nb = NH // RH
    return pl.pallas_call(
        body,
        grid=(nb,),
        in_specs=[
            pl.BlockSpec((RH, 128), lambda i: (i, 0)),
            pl.BlockSpec((RH, 128), lambda i, nb=nb: (i + nb, 0)),
            pl.BlockSpec((128, HID), lambda i: (0, 0)),
            pl.BlockSpec((NC, RHQ, 128), lambda i: (0, i, 0)),
            pl.BlockSpec((NC, RHQ, 128), lambda i, nb=nb: (0, i + nb, 0)),
        ],
        out_specs=pl.BlockSpec((RH, 128), lambda i: (i, 0)),
        out_shape=jax.ShapeDtypeStruct((NH, 128), jnp.float32),
    )(x, x, W1, degq, degq)


def _tc2(a1p, y1, degq, b1, W2, pad):
    a1q = a1p.reshape(NC, NH, 128)

    def body(a1q_ref, y1_ref, dqa_ref, dqb_ref, b1_ref, w2_ref, o_ref):
        pid = pl.program_id(0)
        da = _dinv_nodes(dqa_ref, pid, pad, HID, RH)
        db = _dinv_nodes(dqb_ref, pid, 0.0, HID, RH)
        corr = 1.0 - _pad0(pid, (RH, 1), pad)
        B = a1q_ref[0] + a1q_ref[1]
        w2b = jnp.broadcast_to(w2_ref[...], (HID, L))
        ha = jnp.maximum(da * (B[:, :HID] + y1_ref[:, :HID] * corr) + b1_ref[...], 0.0)
        hb = jnp.maximum(db * (B[:, HID:] + y1_ref[:, HID:]) + b1_ref[...], 0.0)
        y2a = da[:, :L] * jnp.dot(ha, w2b, preferred_element_type=jnp.float32)
        y2b = db[:, :L] * jnp.dot(hb, w2b, preferred_element_type=jnp.float32)
        o_ref[...] = jnp.stack([_pack16(y2a, RH), _pack16(y2b, RH)])

    nb = NH // RH
    return pl.pallas_call(
        body,
        grid=(nb,),
        in_specs=[
            pl.BlockSpec((NC, RH, 128), lambda i: (0, i, 0)),
            pl.BlockSpec((RH, 128), lambda i: (i, 0)),
            pl.BlockSpec((NC, RHQ, 128), lambda i: (0, i, 0)),
            pl.BlockSpec((NC, RHQ, 128), lambda i, nb=nb: (0, i + nb, 0)),
            pl.BlockSpec((HID,), lambda i: (0,)),
            pl.BlockSpec((HID, 1), lambda i: (0, 0)),
        ],
        out_specs=pl.BlockSpec((2, RHQ, 128), lambda i: (0, i, 0)),
        out_shape=jax.ShapeDtypeStruct((2, NH * L // 128, 128), jnp.float32),
    )(a1q, y1, degq, degq, b1, W2)


def _tc3(a2q, y2q, degq, b2, pad):
    def body(a2q_ref, y2q_ref, degq_ref, b2_ref, o_ref):
        pid = pl.program_id(0)
        degP = degq_ref[0] + degq_ref[1] + 1.0 - _pad0(pid, (RQ, 128), pad)
        dinvP = lax.rsqrt(degP)
        corrP = 1.0 - _pad0(pid, (RQ, 128), pad)
        a2 = a2q_ref[0] + y2q_ref[...] * corrP + a2q_ref[1]
        o_ref[...] = jax.nn.sigmoid(dinvP * a2 + b2_ref[...])

    return pl.pallas_call(
        body,
        grid=(N_TC // R,),
        in_specs=[
            pl.BlockSpec((NC, RQ, 128), lambda i: (0, i, 0)),
            pl.BlockSpec((RQ, 128), lambda i: (i, 0)),
            pl.BlockSpec((NC, RQ, 128), lambda i: (0, i, 0)),
            pl.BlockSpec((1,), lambda i: (0,)),
        ],
        out_specs=pl.BlockSpec((RQ, 128), lambda i: (i, 0)),
        out_shape=jax.ShapeDtypeStruct((N_TC * L // 128, 128), jnp.float32),
    )(a2q, y2q, degq, b2)


def kernel(x, edge_index, W1, b1, W2, b2):
    e = edge_index.shape[1]
    grain = NW * CB * 4
    chn = 4 * (-(-e // grain))
    e_pad = chn * NW * CB
    pad = e_pad - e
    ei = jnp.pad(edge_index.astype(jnp.int32), ((0, 0), (0, pad)))
    ei3 = ei.reshape(2, NW, chn, CB)
    eip3 = jnp.where(ei < NH, 2 * ei, 2 * (ei - NH) + 1).reshape(2, NW, chn, CB)
    x_p = jnp.pad(x, ((0, N_TC - N), (0, 0)))

    degp = _sc_deg(ei3)
    degq = degp.reshape(NC, N_ACC * L // 128, 128)
    y1 = _tc1(x_p, W1, degq, pad)
    a1p = _sc_agg(y1.reshape(N_TC, HID), eip3, HID)
    y2q = _tc2(a1p, y1, degq, b1, W2, pad)
    y2p = y2q.reshape(N_TC, L)
    a2p = _sc_agg(y2p, ei3, L)
    a2q = a2p.reshape(NC, N_ACC * L // 128, 128)
    outq = _tc3(a2q, y2q.reshape(N_TC * L // 128, 128), degq, b2, pad)
    return outq.reshape(N_TC, L)[:N, :1]

# --- scband reference (transcript-rebuilt; emitter-appended) ---
"""Pipeline reference for scband-gnnbotnet-detector-70446053589555 (READ-ONLY COPY).

The authoritative reference and input builder live on the scoring server;
editing this copy changes nothing except your own understanding.
"""

import jax, jax.numpy as jnp
import numpy as np

N_NODES = 10000
N_EDGES = 320000
IN_DIM = 128
HID_DIM = 64


def gcn_conv(x, edge_index, W, b):
    # Faithful PyG GCNConv: add self-loops, symmetric normalization, then aggregate.
    N = x.shape[0]
    loop = jnp.arange(N, dtype=edge_index.dtype)
    ei = jnp.concatenate([edge_index, jnp.stack([loop, loop], axis=0)], axis=1)
    src, dst = ei[0], ei[1]
    xw = x @ W
    ones = jnp.ones(ei.shape[1], dtype=x.dtype)
    deg = jax.ops.segment_sum(ones, dst, num_segments=N)
    deg_inv_sqrt = jnp.where(deg > 0, jax.lax.rsqrt(jnp.maximum(deg, 1e-12)), 0.0)
    norm = deg_inv_sqrt[src] * deg_inv_sqrt[dst]
    msgs = xw[src] * norm[:, None]
    out = jax.ops.segment_sum(msgs, dst, num_segments=N)
    return out + b


def setup_inputs(seed: int = 0) -> dict:
    key = jax.random.key(seed)
    k1, k2, k3, k4, k5, k6 = jax.random.split(key, 6)
    x = jax.random.normal(k1, (N_NODES, IN_DIM), dtype=jnp.float32)
    edge_index = jax.random.randint(k2, (2, N_EDGES), 0, N_NODES, dtype=jnp.int64)
    # Glorot-style init for GCN weights
    s1 = float(np.sqrt(6.0 / (IN_DIM + HID_DIM)))
    W1 = jax.random.uniform(k3, (IN_DIM, HID_DIM), dtype=jnp.float32, minval=-s1, maxval=s1)
    b1 = jnp.zeros((HID_DIM,), dtype=jnp.float32)
    s2 = float(np.sqrt(6.0 / (HID_DIM + 1)))
    W2 = jax.random.uniform(k4, (HID_DIM, 1), dtype=jnp.float32, minval=-s2, maxval=s2)
    b2 = jnp.zeros((1,), dtype=jnp.float32)
    return {"x": x, "edge_index": edge_index, "W1": W1, "b1": b1, "W2": W2, "b2": b2}


def reference(x, edge_index, W1, b1, W2, b2):
    h = jax.nn.relu(gcn_conv(x, edge_index, W1, b1))
    out = gcn_conv(h, edge_index, W2, b2)
    return jax.nn.sigmoid(out)

if __name__ == "__main__":
    import jax
    _d = setup_inputs()
    print(jax.jit(kernel)(*tuple(_d.values())))

</pallas_src>

<mosaic_0001>
#map = affine_map<(d0, d1) -> (0, 0, 0, 0)>
#map1 = affine_map<(d0, d1) -> (0, 0, 0)>
module attributes {stable_mosaic.version = 14 : i64} {
  func.func @k(%arg0: i32, %arg1: i32, %arg2: memref<2x32x80x128xi32, #tpu.memory_space<hbm>>, %arg3: memref<2x10240x16xf32, #tpu.memory_space<hbm>>, %arg4: memref<80x128xi32, #tpu.memory_space<vmem>>, %arg5: memref<128x16xf32, #tpu.memory_space<vmem>>, %arg6: memref<128x16xf32, #tpu.memory_space<vmem>>, %arg7: memref<10240x16xf32, #tpu.memory_space<vmem_shared>>, %arg8: memref<!tpu.dma_semaphore, #tpu.memory_space<semaphore_mem>>) attributes {dimension_semantics = [#tpu.dimension_semantics<core_parallel>, #tpu.dimension_semantics<subcore_parallel>], iteration_bounds = array<i64: 2, 16>, scalar_prefetch = 0 : i64, scratch_operands = 5 : i64, tpu.core_type = #tpu.core_type<sc_vector_subcore>, window_params = [{transform_indices = #map}, {transform_indices = #map1}]} {
    %mul3A = arith.constant 2 : i32
    %mul3A_0 = arith.muli %arg1, %mul3A : i32
    %add3A = arith.addi %mul3A_0, %arg0 : i32
    %scan3A = arith.constant 0 : i32
    %scan3A_1 = arith.constant 128 : i32
    %scan3A_2 = arith.addi %scan3A, %scan3A_1 : i32
    %scan3A_3 = arith.constant 1 : i32
    scf.for %scan3A_41 = %scan3A to %scan3A_2 step %scan3A_3  : i32 {
      %mul3A_42 = arith.constant 1 : i32
      %mul3A_43 = arith.muli %scan3A_41, %mul3A_42 : i32
      %add3A_44 = arith.constant 0 : i32
      %add3A_45 = arith.addi %add3A_44, %mul3A_43 : i32
      %scan3A_46 = arith.constant 0 : i32
      %mul3A_47 = arith.constant 16 : i32
      %mul3A_48 = arith.muli %scan3A_46, %mul3A_47 : i32
      %add3A_49 = arith.constant 0 : i32
      %add3A_50 = arith.addi %add3A_49, %mul3A_48 : i32
      %broadcast_in_dim3A = arith.constant 1.000000e+00 : f32
      %broadcast_in_dim3A_51 = vector.broadcast %broadcast_in_dim3A : f32 to vector<1x16xf32>
      %swap3A = arith.index_cast %add3A_45 : i32 to index
      %swap3A_52 = arith.index_cast %add3A_50 : i32 to index
      %swap3A_53 = tpu.vector_load %arg5[%swap3A, %swap3A_52] {strides = array<i32>} : memref<128x16xf32, #tpu.memory_space<vmem>>, vector<1x16xf32>,
      %swap3A_54 = vector.shape_cast %swap3A_53 : vector<1x16xf32> to vector<1x16xf32>
      %swap3A_55 = vector.shape_cast %broadcast_in_dim3A_51 : vector<1x16xf32> to vector<1x16xf32>
      tpu.vector_store %arg5[%swap3A, %swap3A_52], %swap3A_55 {strides = array<i32>} : memref<128x16xf32, #tpu.memory_space<vmem>>, vector<1x16xf32>,
      %scan3A_56 = arith.constant 1 : i32
    }
    %scan3A_4 = arith.constant 128 : i32
    %scan3A_5 = arith.constant 0 : i32
    %scan3A_6 = arith.constant 128 : i32
    %scan3A_7 = arith.addi %scan3A_5, %scan3A_6 : i32
    %scan3A_8 = arith.constant 1 : i32
    scf.for %scan3A_41 = %scan3A_5 to %scan3A_7 step %scan3A_8  : i32 {
      %mul3A_42 = arith.constant 1 : i32
      %mul3A_43 = arith.muli %scan3A_41, %mul3A_42 : i32
      %add3A_44 = arith.constant 0 : i32
      %add3A_45 = arith.addi %add3A_44, %mul3A_43 : i32
      %scan3A_46 = arith.constant 0 : i32
      %mul3A_47 = arith.constant 16 : i32
      %mul3A_48 = arith.muli %scan3A_46, %mul3A_47 : i32
      %add3A_49 = arith.constant 0 : i32
      %add3A_50 = arith.addi %add3A_49, %mul3A_48 : i32
      %broadcast_in_dim3A = arith.constant 0.000000e+00 : f32
      %broadcast_in_dim3A_51 = vector.broadcast %broadcast_in_dim3A : f32 to vector<1x16xf32>
      %swap3A = arith.index_cast %add3A_45 : i32 to index
      %swap3A_52 = arith.index_cast %add3A_50 : i32 to index
      %swap3A_53 = tpu.vector_load %arg6[%swap3A, %swap3A_52] {strides = array<i32>} : memref<128x16xf32, #tpu.memory_space<vmem>>, vector<1x16xf32>,
      %swap3A_54 = vector.shape_cast %swap3A_53 : vector<1x16xf32> to vector<1x16xf32>
      %swap3A_55 = vector.shape_cast %broadcast_in_dim3A_51 : vector<1x16xf32> to vector<1x16xf32>
      tpu.vector_store %arg6[%swap3A, %swap3A_52], %swap3A_55 {strides = array<i32>} : memref<128x16xf32, #tpu.memory_space<vmem>>, vector<1x16xf32>,
      %scan3A_56 = arith.constant 1 : i32
    }
    %scan3A_9 = arith.constant 128 : i32
    %dma_start3A = arith.constant 1 : i32
    %dma_start3A_10 = arith.constant 0 : i32
    %dma_start3A_11 = arith.constant 0 : i32
    %dma_start3A_12 = tpu.memref_slice %arg2[%dma_start3A, %add3A, %dma_start3A_10, %dma_start3A_11] : memref<2x32x80x128xi32, #tpu.memory_space<hbm>> -> memref<1x1x80x128xi32, #tpu.memory_space<hbm>>
    %dma_start3A_13 = tpu.memref_squeeze %dma_start3A_12 : memref<1x1x80x128xi32, #tpu.memory_space<hbm>> -> memref<80x128xi32, #tpu.memory_space<hbm>>
    %dma_start3A_14 = arith.constant 0 : i32
    %dma_start3A_15 = arith.constant 0 : i32
    %dma_start3A_16 = tpu.memref_slice %arg2[%dma_start3A, %add3A, %dma_start3A_14, %dma_start3A_15] : memref<2x32x80x128xi32, #tpu.memory_space<hbm>> -> memref<1x1x80x128xi32, #tpu.memory_space<hbm>>
    %dma_start3A_17 = tpu.memref_squeeze %dma_start3A_16 : memref<1x1x80x128xi32, #tpu.memory_space<hbm>> -> memref<80x128xi32, #tpu.memory_space<hbm>>
    tpu.enqueue_dma source(%dma_start3A_17 : memref<80x128xi32, #tpu.memory_space<hbm>>) target(%arg4 : memref<80x128xi32, #tpu.memory_space<vmem>>) target_semaphore(%arg8 : memref<!tpu.dma_semaphore, #tpu.memory_space<semaphore_mem>>)
    %scan3A_18 = arith.constant 0 : i32
    %scan3A_19 = arith.constant 5 : i32
    %scan3A_20 = arith.addi %scan3A_18, %scan3A_19 : i32
    %scan3A_21 = arith.constant 1 : i32
    scf.for %scan3A_41 = %scan3A_18 to %scan3A_20 step %scan3A_21  : i32 {
      %mul3A_42 = arith.constant 128 : i32
      %mul3A_43 = arith.muli %scan3A_41, %mul3A_42 : i32
      %add3A_44 = arith.constant 0 : i32
      %add3A_45 = arith.addi %add3A_44, %mul3A_43 : i32
      %mul3A_46 = arith.constant 640 : i32
      %mul3A_47 = arith.muli %arg1, %mul3A_46 : i32
      %add3A_48 = arith.addi %mul3A_47, %add3A_45 : i32
      "tpu.region"() ({
        %run_scoped3A = tpu.sem_alloc : memref<!tpu.dma_semaphore, #tpu.memory_space<semaphore_mem>>
        %dma_start3A_49 = arith.constant 0 : i32
        %dma_start3A_50 = tpu.memref_slice %arg7[%add3A_48, %dma_start3A_49] : memref<10240x16xf32, #tpu.memory_space<vmem_shared>> -> memref<128x16xf32, #tpu.memory_space<vmem_shared>>
        %dma_start3A_51 = arith.constant 0 : i32
        %dma_start3A_52 = tpu.memref_slice %arg7[%add3A_48, %dma_start3A_51] : memref<10240x16xf32, #tpu.memory_space<vmem_shared>> -> memref<128x16xf32, #tpu.memory_space<vmem_shared>>
        tpu.enqueue_dma source(%arg6 : memref<128x16xf32, #tpu.memory_space<vmem>>) target(%dma_start3A_52 : memref<128x16xf32, #tpu.memory_space<vmem_shared>>) target_semaphore(%run_scoped3A : memref<!tpu.dma_semaphore, #tpu.memory_space<semaphore_mem>>)
        %dma_wait3A_53 = arith.constant 0 : i32
        %dma_wait3A_54 = tpu.memref_slice %arg7[%add3A_48, %dma_wait3A_53] : memref<10240x16xf32, #tpu.memory_space<vmem_shared>> -> memref<128x16xf32, #tpu.memory_space<vmem_shared>>
        %dma_wait3A_55 = arith.constant 0 : i32
        %dma_wait3A_56 = tpu.memref_slice %arg7[%add3A_48, %dma_wait3A_55] : memref<10240x16xf32, #tpu.memory_space<vmem_shared>> -> memref<128x16xf32, #tpu.memory_space<vmem_shared>>
        tpu.wait_dma2 semaphore(%run_scoped3A : memref<!tpu.dma_semaphore, #tpu.memory_space<semaphore_mem>>) src(%arg6 : memref<128x16xf32, #tpu.memory_space<vmem>>) dst(%dma_wait3A_56 : memref<128x16xf32, #tpu.memory_space<vmem_shared>>)
        tpu.yield
      }) : () -> ()
    }
    %scan3A_22 = arith.constant 5 : i32
    %dma_wait3A = arith.constant 1 : i32
    %dma_wait3A_23 = arith.constant 0 : i32
    %dma_wait3A_24 = arith.constant 0 : i32
    %dma_wait3A_25 = tpu.memref_slice %arg2[%dma_wait3A, %add3A, %dma_wait3A_23, %dma_wait3A_24] : memref<2x32x80x128xi32, #tpu.memory_space<hbm>> -> memref<1x1x80x128xi32, #tpu.memory_space<hbm>>
    %dma_wait3A_26 = tpu.memref_squeeze %dma_wait3A_25 : memref<1x1x80x128xi32, #tpu.memory_space<hbm>> -> memref<80x128xi32, #tpu.memory_space<hbm>>
    %dma_wait3A_27 = arith.constant 0 : i32
    %dma_wait3A_28 = arith.constant 0 : i32
    %dma_wait3A_29 = tpu.memref_slice %arg2[%dma_wait3A, %add3A, %dma_wait3A_27, %dma_wait3A_28] : memref<2x32x80x128xi32, #tpu.memory_space<hbm>> -> memref<1x1x80x128xi32, #tpu.memory_space<hbm>>
    %dma_wait3A_30 = tpu.memref_squeeze %dma_wait3A_29 : memref<1x1x80x128xi32, #tpu.memory_space<hbm>> -> memref<80x128xi32, #tpu.memory_space<hbm>>
    tpu.wait_dma2 semaphore(%arg8 : memref<!tpu.dma_semaphore, #tpu.memory_space<semaphore_mem>>) src(%dma_wait3A_30 : memref<80x128xi32, #tpu.memory_space<hbm>>) dst(%arg4 : memref<80x128xi32, #tpu.memory_space<vmem>>)
    %barrier3A = arith.constant 0 : index
    tpu.barrier barrier_id(%barrier3A)
    %scan3A_31 = arith.constant 0 : i32
    %scan3A_32 = arith.constant 10 : i32
    %scan3A_33 = arith.addi %scan3A_31, %scan3A_32 : i32
    %scan3A_34 = arith.constant 1 : i32
    scf.for %scan3A_41 = %scan3A_31 to %scan3A_33 step %scan3A_34  : i32 {
      %mul3A_42 = arith.constant 8 : i32
      %mul3A_43 = arith.muli %scan3A_41, %mul3A_42 : i32
      %add3A_44 = arith.constant 0 : i32
      %add3A_45 = arith.addi %add3A_44, %mul3A_43 : i32
      %add3A_46 = arith.constant 0 : i32
      %add3A_47 = arith.addi %add3A_45, %add3A_46 : i32
      %dma_start3A_48 = arith.constant 0 : i32
      %dma_start3A_49 = tpu.memref_slice %arg4[%add3A_47, %dma_start3A_48] : memref<80x128xi32, #tpu.memory_space<vmem>> -> memref<1x128xi32, #tpu.memory_space<vmem>>
      %dma_start3A_50 = tpu.memref_squeeze %dma_start3A_49 : memref<1x128xi32, #tpu.memory_space<vmem>> -> memref<128xi32, #tpu.memory_space<vmem>>
      %dma_start3A_51 = arith.constant 0 : i32
      %dma_start3A_52 = arith.constant 0 : i32
      %dma_start3A_53 = tpu.memref_slice %arg7[%dma_start3A_51, %dma_start3A_52] : memref<10240x16xf32, #tpu.memory_space<vmem_shared>> -> memref<10240x16xf32, #tpu.memory_space<vmem_shared>>
      tpu.enqueue_indirect_dma source(%arg5 : memref<128x16xf32, #tpu.memory_space<vmem>>) target(%dma_start3A_53 : memref<10240x16xf32, #tpu.memory_space<vmem_shared>>) offsets(%dma_start3A_50 : memref<128xi32, #tpu.memory_space<vmem>>) semaphore(%arg8 : memref<!tpu.dma_semaphore, #tpu.memory_space<semaphore_mem>>) {add = true}
      %add3A_54 = arith.constant 1 : i32
      %add3A_55 = arith.addi %add3A_45, %add3A_54 : i32
      %dma_start3A_56 = arith.constant 0 : i32
      %dma_start3A_57 = tpu.memref_slice %arg4[%add3A_55, %dma_start3A_56] : memref<80x128xi32, #tpu.memory_space<vmem>> -> memref<1x128xi32, #tpu.memory_space<vmem>>
      %dma_start3A_58 = tpu.memref_squeeze %dma_start3A_57 : memref<1x128xi32, #tpu.memory_space<vmem>> -> memref<128xi32, #tpu.memory_space<vmem>>
      %dma_start3A_59 = arith.constant 0 : i32
      %dma_start3A_60 = arith.constant 0 : i32
      %dma_start3A_61 = tpu.memref_slice %arg7[%dma_start3A_59, %dma_start3A_60] : memref<10240x16xf32, #tpu.memory_space<vmem_shared>> -> memref<10240x16xf32, #tpu.memory_space<vmem_shared>>
      tpu.enqueue_indirect_dma source(%arg5 : memref<128x16xf32, #tpu.memory_space<vmem>>) target(%dma_start3A_61 : memref<10240x16xf32, #tpu.memory_space<vmem_shared>>) offsets(%dma_start3A_58 : memref<128xi32, #tpu.memory_space<vmem>>) semaphore(%arg8 : memref<!tpu.dma_semaphore, #tpu.memory_space<semaphore_mem>>) {add = true}
      %add3A_62 = arith.constant 2 : i32
      %add3A_63 = arith.addi %add3A_45, %add3A_62 : i32
      %dma_start3A_64 = arith.constant 0 : i32
      %dma_start3A_65 = tpu.memref_slice %arg4[%add3A_63, %dma_start3A_64] : memref<80x128xi32, #tpu.memory_space<vmem>> -> memref<1x128xi32, #tpu.memory_space<vmem>>
      %dma_start3A_66 = tpu.memref_squeeze %dma_start3A_65 : memref<1x128xi32, #tpu.memory_space<vmem>> -> memref<128xi32, #tpu.memory_space<vmem>>
      %dma_start3A_67 = arith.constant 0 : i32
      %dma_start3A_68 = arith.constant 0 : i32
      %dma_start3A_69 = tpu.memref_slice %arg7[%dma_start3A_67, %dma_start3A_68] : memref<10240x16xf32, #tpu.memory_space<vmem_shared>> -> memref<10240x16xf32, #tpu.memory_space<vmem_shared>>
      tpu.enqueue_indirect_dma source(%arg5 : memref<128x16xf32, #tpu.memory_space<vmem>>) target(%dma_start3A_69 : memref<10240x16xf32, #tpu.memory_space<vmem_shared>>) offsets(%dma_start3A_66 : memref<128xi32, #tpu.memory_space<vmem>>) semaphore(%arg8 : memref<!tpu.dma_semaphore, #tpu.memory_space<semaphore_mem>>) {add = true}
      %add3A_70 = arith.constant 3 : i32
      %add3A_71 = arith.addi %add3A_45, %add3A_70 : i32
      %dma_start3A_72 = arith.constant 0 : i32
      %dma_start3A_73 = tpu.memref_slice %arg4[%add3A_71, %dma_start3A_72] : memref<80x128xi32, #tpu.memory_space<vmem>> -> memref<1x128xi32, #tpu.memory_space<vmem>>
      %dma_start3A_74 = tpu.memref_squeeze %dma_start3A_73 : memref<1x128xi32, #tpu.memory_space<vmem>> -> memref<128xi32, #tpu.memory_space<vmem>>
      %dma_start3A_75 = arith.constant 0 : i32
      %dma_start3A_76 = arith.constant 0 : i32
      %dma_start3A_77 = tpu.memref_slice %arg7[%dma_start3A_75, %dma_start3A_76] : memref<10240x16xf32, #tpu.memory_space<vmem_shared>> -> memref<10240x16xf32, #tpu.memory_space<vmem_shared>>
      tpu.enqueue_indirect_dma source(%arg5 : memref<128x16xf32, #tpu.memory_space<vmem>>) target(%dma_start3A_77 : memref<10240x16xf32, #tpu.memory_space<vmem_shared>>) offsets(%dma_start3A_74 : memref<128xi32, #tpu.memory_space<vmem>>) semaphore(%arg8 : memref<!tpu.dma_semaphore, #tpu.memory_space<semaphore_mem>>) {add = true}
      %add3A_78 = arith.constant 4 : i32
      %add3A_79 = arith.addi %add3A_45, %add3A_78 : i32
      %dma_start3A_80 = arith.constant 0 : i32
      %dma_start3A_81 = tpu.memref_slice %arg4[%add3A_79, %dma_start3A_80] : memref<80x128xi32, #tpu.memory_space<vmem>> -> memref<1x128xi32, #tpu.memory_space<vmem>>
      %dma_start3A_82 = tpu.memref_squeeze %dma_start3A_81 : memref<1x128xi32, #tpu.memory_space<vmem>> -> memref<128xi32, #tpu.memory_space<vmem>>
      %dma_start3A_83 = arith.constant 0 : i32
      %dma_start3A_84 = arith.constant 0 : i32
      %dma_start3A_85 = tpu.memref_slice %arg7[%dma_start3A_83, %dma_start3A_84] : memref<10240x16xf32, #tpu.memory_space<vmem_shared>> -> memref<10240x16xf32, #tpu.memory_space<vmem_shared>>
      tpu.enqueue_indirect_dma source(%arg5 : memref<128x16xf32, #tpu.memory_space<vmem>>) target(%dma_start3A_85 : memref<10240x16xf32, #tpu.memory_space<vmem_shared>>) offsets(%dma_start3A_82 : memref<128xi32, #tpu.memory_space<vmem>>) semaphore(%arg8 : memref<!tpu.dma_semaphore, #tpu.memory_space<semaphore_mem>>) {add = true}
      %add3A_86 = arith.constant 5 : i32
      %add3A_87 = arith.addi %add3A_45, %add3A_86 : i32
      %dma_start3A_88 = arith.constant 0 : i32
      %dma_start3A_89 = tpu.memref_slice %arg4[%add3A_87, %dma_start3A_88] : memref<80x128xi32, #tpu.memory_space<vmem>> -> memref<1x128xi32, #tpu.memory_space<vmem>>
      %dma_start3A_90 = tpu.memref_squeeze %dma_start3A_89 : memref<1x128xi32, #tpu.memory_space<vmem>> -> memref<128xi32, #tpu.memory_space<vmem>>
      %dma_start3A_91 = arith.constant 0 : i32
      %dma_start3A_92 = arith.constant 0 : i32
      %dma_start3A_93 = tpu.memref_slice %arg7[%dma_start3A_91, %dma_start3A_92] : memref<10240x16xf32, #tpu.memory_space<vmem_shared>> -> memref<10240x16xf32, #tpu.memory_space<vmem_shared>>
      tpu.enqueue_indirect_dma source(%arg5 : memref<128x16xf32, #tpu.memory_space<vmem>>) target(%dma_start3A_93 : memref<10240x16xf32, #tpu.memory_space<vmem_shared>>) offsets(%dma_start3A_90 : memref<128xi32, #tpu.memory_space<vmem>>) semaphore(%arg8 : memref<!tpu.dma_semaphore, #tpu.memory_space<semaphore_mem>>) {add = true}
      %add3A_94 = arith.constant 6 : i32
      %add3A_95 = arith.addi %add3A_45, %add3A_94 : i32
      %dma_start3A_96 = arith.constant 0 : i32
      %dma_start3A_97 = tpu.memref_slice %arg4[%add3A_95, %dma_start3A_96] : memref<80x128xi32, #tpu.memory_space<vmem>> -> memref<1x128xi32, #tpu.memory_space<vmem>>
      %dma_start3A_98 = tpu.memref_squeeze %dma_start3A_97 : memref<1x128xi32, #tpu.memory_space<vmem>> -> memref<128xi32, #tpu.memory_space<vmem>>
      %dma_start3A_99 = arith.constant 0 : i32
      %dma_start3A_100 = arith.constant 0 : i32
      %dma_start3A_101 = tpu.memref_slice %arg7[%dma_start3A_99, %dma_start3A_100] : memref<10240x16xf32, #tpu.memory_space<vmem_shared>> -> memref<10240x16xf32, #tpu.memory_space<vmem_shared>>
      tpu.enqueue_indirect_dma source(%arg5 : memref<128x16xf32, #tpu.memory_space<vmem>>) target(%dma_start3A_101 : memref<10240x16xf32, #tpu.memory_space<vmem_shared>>) offsets(%dma_start3A_98 : memref<128xi32, #tpu.memory_space<vmem>>) semaphore(%arg8 : memref<!tpu.dma_semaphore, #tpu.memory_space<semaphore_mem>>) {add = true}
      %add3A_102 = arith.constant 7 : i32
      %add3A_103 = arith.addi %add3A_45, %add3A_102 : i32
      %dma_start3A_104 = arith.constant 0 : i32
      %dma_start3A_105 = tpu.memref_slice %arg4[%add3A_103, %dma_start3A_104] : memref<80x128xi32, #tpu.memory_space<vmem>> -> memref<1x128xi32, #tpu.memory_space<vmem>>
      %dma_start3A_106 = tpu.memref_squeeze %dma_start3A_105 : memref<1x128xi32, #tpu.memory_space<vmem>> -> memref<128xi32, #tpu.memory_space<vmem>>
      %dma_start3A_107 = arith.constant 0 : i32
      %dma_start3A_108 = arith.constant 0 : i32
      %dma_start3A_109 = tpu.memref_slice %arg7[%dma_start3A_107, %dma_start3A_108] : memref<10240x16xf32, #tpu.memory_space<vmem_shared>> -> memref<10240x16xf32, #tpu.memory_space<vmem_shared>>
      tpu.enqueue_indirect_dma source(%arg5 : memref<128x16xf32, #tpu.memory_space<vmem>>) target(%dma_start3A_109 : memref<10240x16xf32, #tpu.memory_space<vmem_shared>>) offsets(%dma_start3A_106 : memref<128xi32, #tpu.memory_space<vmem>>) semaphore(%arg8 : memref<!tpu.dma_semaphore, #tpu.memory_space<semaphore_mem>>) {add = true}
      %add3A_110 = arith.constant 0 : i32
      %add3A_111 = arith.addi %add3A_45, %add3A_110 : i32
      %dma_wait3A_112 = arith.constant 0 : i32
      %dma_wait3A_113 = tpu.memref_slice %arg4[%add3A_111, %dma_wait3A_112] : memref<80x128xi32, #tpu.memory_space<vmem>> -> memref<1x128xi32, #tpu.memory_space<vmem>>
      %dma_wait3A_114 = tpu.memref_squeeze %dma_wait3A_113 : memref<1x128xi32, #tpu.memory_space<vmem>> -> memref<128xi32, #tpu.memory_space<vmem>>
      %dma_wait3A_115 = arith.constant 0 : i32
      %dma_wait3A_116 = arith.constant 0 : i32
      %dma_wait3A_117 = tpu.memref_slice %arg7[%dma_wait3A_115, %dma_wait3A_116] : memref<10240x16xf32, #tpu.memory_space<vmem_shared>> -> memref<10240x16xf32, #tpu.memory_space<vmem_shared>>
      tpu.wait_indirect_dma semaphore(%arg8 : memref<!tpu.dma_semaphore, #tpu.memory_space<semaphore_mem>>) src(%arg5 : memref<128x16xf32, #tpu.memory_space<vmem>>) dst(%dma_wait3A_117 : memref<10240x16xf32, #tpu.memory_space<vmem_shared>>)
      %add3A_118 = arith.constant 1 : i32
      %add3A_119 = arith.addi %add3A_45, %add3A_118 : i32
      %dma_wait3A_120 = arith.constant 0 : i32
      %dma_wait3A_121 = tpu.memref_slice %arg4[%add3A_119, %dma_wait3A_120] : memref<80x128xi32, #tpu.memory_space<vmem>> -> memref<1x128xi32, #tpu.memory_space<vmem>>
      %dma_wait3A_122 = tpu.memref_squeeze %dma_wait3A_121 : memref<1x128xi32, #tpu.memory_space<vmem>> -> memref<128xi32, #tpu.memory_space<vmem>>
      %dma_wait3A_123 = arith.constant 0 : i32
      %dma_wait3A_124 = arith.constant 0 : i32
      %dma_wait3A_125 = tpu.memref_slice %arg7[%dma_wait3A_123, %dma_wait3A_124] : memref<10240x16xf32, #tpu.memory_space<vmem_shared>> -> memref<10240x16xf32, #tpu.memory_space<vmem_shared>>
      tpu.wait_indirect_dma semaphore(%arg8 : memref<!tpu.dma_semaphore, #tpu.memory_space<semaphore_mem>>) src(%arg5 : memref<128x16xf32, #tpu.memory_space<vmem>>) dst(%dma_wait3A_125 : memref<10240x16xf32, #tpu.memory_space<vmem_shared>>)
      %add3A_126 = arith.constant 2 : i32
      %add3A_127 = arith.addi %add3A_45, %add3A_126 : i32
      %dma_wait3A_128 = arith.constant 0 : i32
      %dma_wait3A_129 = tpu.memref_slice %arg4[%add3A_127, %dma_wait3A_128] : memref<80x128xi32, #tpu.memory_space<vmem>> -> memref<1x128xi32, #tpu.memory_space<vmem>>
      %dma_wait3A_130 = tpu.memref_squeeze %dma_wait3A_129 : memref<1x128xi32, #tpu.memory_space<vmem>> -> memref<128xi32, #tpu.memory_space<vmem>>
      %dma_wait3A_131 = arith.constant 0 : i32
      %dma_wait3A_132 = arith.constant 0 : i32
      %dma_wait3A_133 = tpu.memref_slice %arg7[%dma_wait3A_131, %dma_wait3A_132] : memref<10240x16xf32, #tpu.memory_space<vmem_shared>> -> memref<10240x16xf32, #tpu.memory_space<vmem_shared>>
      tpu.wait_indirect_dma semaphore(%arg8 : memref<!tpu.dma_semaphore, #tpu.memory_space<semaphore_mem>>) src(%arg5 : memref<128x16xf32, #tpu.memory_space<vmem>>) dst(%dma_wait3A_133 : memref<10240x16xf32, #tpu.memory_space<vmem_shared>>)
      %add3A_134 = arith.constant 3 : i32
      %add3A_135 = arith.addi %add3A_45, %add3A_134 : i32
      %dma_wait3A_136 = arith.constant 0 : i32
      %dma_wait3A_137 = tpu.memref_slice %arg4[%add3A_135, %dma_wait3A_136] : memref<80x128xi32, #tpu.memory_space<vmem>> -> memref<1x128xi32, #tpu.memory_space<vmem>>
      %dma_wait3A_138 = tpu.memref_squeeze %dma_wait3A_137 : memref<1x128xi32, #tpu.memory_space<vmem>> -> memref<128xi32, #tpu.memory_space<vmem>>
      %dma_wait3A_139 = arith.constant 0 : i32
      %dma_wait3A_140 = arith.constant 0 : i32
      %dma_wait3A_141 = tpu.memref_slice %arg7[%dma_wait3A_139, %dma_wait3A_140] : memref<10240x16xf32, #tpu.memory_space<vmem_shared>> -> memref<10240x16xf32, #tpu.memory_space<vmem_shared>>
      tpu.wait_indirect_dma semaphore(%arg8 : memref<!tpu.dma_semaphore, #tpu.memory_space<semaphore_mem>>) src(%arg5 : memref<128x16xf32, #tpu.memory_space<vmem>>) dst(%dma_wait3A_141 : memref<10240x16xf32, #tpu.memory_space<vmem_shared>>)
      %add3A_142 = arith.constant 4 : i32
      %add3A_143 = arith.addi %add3A_45, %add3A_142 : i32
      %dma_wait3A_144 = arith.constant 0 : i32
      %dma_wait3A_145 = tpu.memref_slice %arg4[%add3A_143, %dma_wait3A_144] : memref<80x128xi32, #tpu.memory_space<vmem>> -> memref<1x128xi32, #tpu.memory_space<vmem>>
      %dma_wait3A_146 = tpu.memref_squeeze %dma_wait3A_145 : memref<1x128xi32, #tpu.memory_space<vmem>> -> memref<128xi32, #tpu.memory_space<vmem>>
      %dma_wait3A_147 = arith.constant 0 : i32
      %dma_wait3A_148 = arith.constant 0 : i32
      %dma_wait3A_149 = tpu.memref_slice %arg7[%dma_wait3A_147, %dma_wait3A_148] : memref<10240x16xf32, #tpu.memory_space<vmem_shared>> -> memref<10240x16xf32, #tpu.memory_space<vmem_shared>>
      tpu.wait_indirect_dma semaphore(%arg8 : memref<!tpu.dma_semaphore, #tpu.memory_space<semaphore_mem>>) src(%arg5 : memref<128x16xf32, #tpu.memory_space<vmem>>) dst(%dma_wait3A_149 : memref<10240x16xf32, #tpu.memory_space<vmem_shared>>)
      %add3A_150 = arith.constant 5 : i32
      %add3A_151 = arith.addi %add3A_45, %add3A_150 : i32
      %dma_wait3A_152 = arith.constant 0 : i32
      %dma_wait3A_153 = tpu.memref_slice %arg4[%add3A_151, %dma_wait3A_152] : memref<80x128xi32, #tpu.memory_space<vmem>> -> memref<1x128xi32, #tpu.memory_space<vmem>>
      %dma_wait3A_154 = tpu.memref_squeeze %dma_wait3A_153 : memref<1x128xi32, #tpu.memory_space<vmem>> -> memref<128xi32, #tpu.memory_space<vmem>>
      %dma_wait3A_155 = arith.constant 0 : i32
      %dma_wait3A_156 = arith.constant 0 : i32
      %dma_wait3A_157 = tpu.memref_slice %arg7[%dma_wait3A_155, %dma_wait3A_156] : memref<10240x16xf32, #tpu.memory_space<vmem_shared>> -> memref<10240x16xf32, #tpu.memory_space<vmem_shared>>
      tpu.wait_indirect_dma semaphore(%arg8 : memref<!tpu.dma_semaphore, #tpu.memory_space<semaphore_mem>>) src(%arg5 : memref<128x16xf32, #tpu.memory_space<vmem>>) dst(%dma_wait3A_157 : memref<10240x16xf32, #tpu.memory_space<vmem_shared>>)
      %add3A_158 = arith.constant 6 : i32
      %add3A_159 = arith.addi %add3A_45, %add3A_158 : i32
      %dma_wait3A_160 = arith.constant 0 : i32
      %dma_wait3A_161 = tpu.memref_slice %arg4[%add3A_159, %dma_wait3A_160] : memref<80x128xi32, #tpu.memory_space<vmem>> -> memref<1x128xi32, #tpu.memory_space<vmem>>
      %dma_wait3A_162 = tpu.memref_squeeze %dma_wait3A_161 : memref<1x128xi32, #tpu.memory_space<vmem>> -> memref<128xi32, #tpu.memory_space<vmem>>
      %dma_wait3A_163 = arith.constant 0 : i32
      %dma_wait3A_164 = arith.constant 0 : i32
      %dma_wait3A_165 = tpu.memref_slice %arg7[%dma_wait3A_163, %dma_wait3A_164] : memref<10240x16xf32, #tpu.memory_space<vmem_shared>> -> memref<10240x16xf32, #tpu.memory_space<vmem_shared>>
      tpu.wait_indirect_dma semaphore(%arg8 : memref<!tpu.dma_semaphore, #tpu.memory_space<semaphore_mem>>) src(%arg5 : memref<128x16xf32, #tpu.memory_space<vmem>>) dst(%dma_wait3A_165 : memref<10240x16xf32, #tpu.memory_space<vmem_shared>>)
      %add3A_166 = arith.constant 7 : i32
      %add3A_167 = arith.addi %add3A_45, %add3A_166 : i32
      %dma_wait3A_168 = arith.constant 0 : i32
      %dma_wait3A_169 = tpu.memref_slice %arg4[%add3A_167, %dma_wait3A_168] : memref<80x128xi32, #tpu.memory_space<vmem>> -> memref<1x128xi32, #tpu.memory_space<vmem>>
      %dma_wait3A_170 = tpu.memref_squeeze %dma_wait3A_169 : memref<1x128xi32, #tpu.memory_space<vmem>> -> memref<128xi32, #tpu.memory_space<vmem>>
      %dma_wait3A_171 = arith.constant 0 : i32
      %dma_wait3A_172 = arith.constant 0 : i32
      %dma_wait3A_173 = tpu.memref_slice %arg7[%dma_wait3A_171, %dma_wait3A_172] : memref<10240x16xf32, #tpu.memory_space<vmem_shared>> -> memref<10240x16xf32, #tpu.memory_space<vmem_shared>>
      tpu.wait_indirect_dma semaphore(%arg8 : memref<!tpu.dma_semaphore, #tpu.memory_space<semaphore_mem>>) src(%arg5 : memref<128x16xf32, #tpu.memory_space<vmem>>) dst(%dma_wait3A_173 : memref<10240x16xf32, #tpu.memory_space<vmem_shared>>)
    }
    %scan3A_35 = arith.constant 10 : i32
    %barrier3A_36 = arith.constant 0 : index
    tpu.barrier barrier_id(%barrier3A_36)
    %mul3A_37 = arith.constant 640 : i32
    %mul3A_38 = arith.muli %arg1, %mul3A_37 : i32
    %mul3A_39 = arith.constant 640 : i32
    %mul3A_40 = arith.muli %arg1, %mul3A_39 : i32
    "tpu.region"() ({
      %run_scoped3A = tpu.sem_alloc : memref<!tpu.dma_semaphore, #tpu.memory_space<semaphore_mem>>
      %dma_start3A_41 = arith.constant 0 : i32
      %dma_start3A_42 = tpu.memref_slice %arg3[%arg0, %mul3A_40, %dma_start3A_41] : memref<2x10240x16xf32, #tpu.memory_space<hbm>> -> memref<1x640x16xf32, #tpu.memory_space<hbm>>
      %dma_start3A_43 = tpu.memref_squeeze %dma_start3A_42 : memref<1x640x16xf32, #tpu.memory_space<hbm>> -> memref<640x16xf32, #tpu.memory_space<hbm>>
      %dma_start3A_44 = arith.constant 0 : i32
      %dma_start3A_45 = tpu.memref_slice %arg7[%mul3A_38, %dma_start3A_44] : memref<10240x16xf32, #tpu.memory_space<vmem_shared>> -> memref<640x16xf32, #tpu.memory_space<vmem_shared>>
      tpu.enqueue_dma source(%dma_start3A_45 : memref<640x16xf32, #tpu.memory_space<vmem_shared>>) target(%dma_start3A_43 : memref<640x16xf32, #tpu.memory_space<hbm>>) target_semaphore(%run_scoped3A : memref<!tpu.dma_semaphore, #tpu.memory_space<semaphore_mem>>)
      %dma_wait3A_46 = arith.constant 0 : i32
      %dma_wait3A_47 = tpu.memref_slice %arg3[%arg0, %mul3A_40, %dma_wait3A_46] : memref<2x10240x16xf32, #tpu.memory_space<hbm>> -> memref<1x640x16xf32, #tpu.memory_space<hbm>>
      %dma_wait3A_48 = tpu.memref_squeeze %dma_wait3A_47 : memref<1x640x16xf32, #tpu.memory_space<hbm>> -> memref<640x16xf32, #tpu.memory_space<hbm>>
      %dma_wait3A_49 = arith.constant 0 : i32
      %dma_wait3A_50 = tpu.memref_slice %arg7[%mul3A_38, %dma_wait3A_49] : memref<10240x16xf32, #tpu.memory_space<vmem_shared>> -> memref<640x16xf32, #tpu.memory_space<vmem_shared>>
      tpu.wait_dma2 semaphore(%run_scoped3A : memref<!tpu.dma_semaphore, #tpu.memory_space<semaphore_mem>>) src(%dma_wait3A_50 : memref<640x16xf32, #tpu.memory_space<vmem_shared>>) dst(%dma_wait3A_48 : memref<640x16xf32, #tpu.memory_space<hbm>>)
      tpu.yield
    }) : () -> ()
    return
  }
}

#map = affine_map<(d0, d1) -> (0, 0)>
#map1 = affine_map<(d0, d1) -> (0, 0, 0, 0)>
#map2 = affine_map<(d0, d1) -> (0, 0, 0)>
module attributes {stable_mosaic.version = 14 : i64} {
  func.func @k(%arg0: i32, %arg1: i32, %arg2: memref<10240x64xf32, #tpu.memory_space<hbm>>, %arg3: memref<2x32x80x128xi32, #tpu.memory_space<hbm>>, %arg4: memref<2x10240x64xf32, #tpu.memory_space<hbm>>, %arg5: memref<80x128xi32, #tpu.memory_space<vmem>>, %arg6: memref<80x128xi32, #tpu.memory_space<vmem>>, %arg7: memref<128x64xf32, #tpu.memory_space<vmem>>, %arg8: memref<128x64xf32, #tpu.memory_space<vmem>>, %arg9: memref<128x64xf32, #tpu.memory_space<vmem>>, %arg10: memref<10240x64xf32, #tpu.memory_space<vmem_shared>>, %arg11: memref<10240x64xf32, #tpu.memory_space<vmem_shared>>, %arg12: memref<!tpu.dma_semaphore, #tpu.memory_space<semaphore_mem>>, %arg13: memref<!tpu.dma_semaphore, #tpu.memory_space<semaphore_mem>>) attributes {dimension_semantics = [#tpu.dimension_semantics<core_parallel>, #tpu.dimension_semantics<subcore_parallel>], iteration_bounds = array<i64: 2, 16>, scalar_prefetch = 0 : i64, scratch_operands = 9 : i64, tpu.core_type = #tpu.core_type<sc_vector_subcore>, window_params = [{transform_indices = #map}, {transform_indices = #map1}, {transform_indices = #map2}]} {
    %mul3A = arith.constant 2 : i32
    %mul3A_0 = arith.muli %arg1, %mul3A : i32
    %add3A = arith.addi %mul3A_0, %arg0 : i32
    %scan3A = arith.constant 0 : i32
    %scan3A_1 = arith.constant 128 : i32
    %scan3A_2 = arith.addi %scan3A, %scan3A_1 : i32
    %scan3A_3 = arith.constant 1 : i32
    scf.for %scan3A_73 = %scan3A to %scan3A_2 step %scan3A_3  : i32 {
      %mul3A_74 = arith.constant 1 : i32
      %mul3A_75 = arith.muli %scan3A_73, %mul3A_74 : i32
      %add3A_76 = arith.constant 0 : i32
      %add3A_77 = arith.addi %add3A_76, %mul3A_75 : i32
      %scan3A_78 = arith.constant 0 : i32
      %scan3A_79 = arith.constant 4 : i32
      %scan3A_80 = arith.addi %scan3A_78, %scan3A_79 : i32
      %scan3A_81 = arith.constant 1 : i32
      scf.for %scan3A_83 = %scan3A_78 to %scan3A_80 step %scan3A_81  : i32 {
        %mul3A_84 = arith.constant 16 : i32
        %mul3A_85 = arith.muli %scan3A_83, %mul3A_84 : i32
        %add3A_86 = arith.constant 0 : i32
        %add3A_87 = arith.addi %add3A_86, %mul3A_85 : i32
        %broadcast_in_dim3A = arith.constant 0.000000e+00 : f32
        %broadcast_in_dim3A_88 = vector.broadcast %broadcast_in_dim3A : f32 to vector<1x16xf32>
        %swap3A = arith.index_cast %add3A_77 : i32 to index
        %swap3A_89 = arith.index_cast %add3A_87 : i32 to index
        %swap3A_90 = tpu.vector_load %arg9[%swap3A, %swap3A_89] {strides = array<i32>} : memref<128x64xf32, #tpu.memory_space<vmem>>, vector<1x16xf32>,
        %swap3A_91 = vector.shape_cast %swap3A_90 : vector<1x16xf32> to vector<1x16xf32>
        %swap3A_92 = vector.shape_cast %broadcast_in_dim3A_88 : vector<1x16xf32> to vector<1x16xf32>
        tpu.vector_store %arg9[%swap3A, %swap3A_89], %swap3A_92 {strides = array<i32>} : memref<128x64xf32, #tpu.memory_space<vmem>>, vector<1x16xf32>,
      }
      %scan3A_82 = arith.constant 4 : i32
    }
    %scan3A_4 = arith.constant 128 : i32
    %mul3A_5 = arith.constant 640 : i32
    %mul3A_6 = arith.muli %arg1, %mul3A_5 : i32
    %mul3A_7 = arith.constant 640 : i32
    %mul3A_8 = arith.muli %arg1, %mul3A_7 : i32
    %dma_start3A = arith.constant 0 : i32
    %dma_start3A_9 = tpu.memref_slice %arg10[%mul3A_8, %dma_start3A] : memref<10240x64xf32, #tpu.memory_space<vmem_shared>> -> memref<640x64xf32, #tpu.memory_space<vmem_shared>>
    %dma_start3A_10 = arith.constant 0 : i32
    %dma_start3A_11 = tpu.memref_slice %arg2[%mul3A_6, %dma_start3A_10] : memref<10240x64xf32, #tpu.memory_space<hbm>> -> memref<640x64xf32, #tpu.memory_space<hbm>>
    tpu.enqueue_dma source(%dma_start3A_11 : memref<640x64xf32, #tpu.memory_space<hbm>>) target(%dma_start3A_9 : memref<640x64xf32, #tpu.memory_space<vmem_shared>>) target_semaphore(%arg12 : memref<!tpu.dma_semaphore, #tpu.memory_space<semaphore_mem>>)
    %dma_start3A_12 = arith.constant 0 : i32
    %dma_start3A_13 = arith.constant 0 : i32
    %dma_start3A_14 = arith.constant 0 : i32
    %dma_start3A_15 = tpu.memref_slice %arg3[%dma_start3A_12, %add3A, %dma_start3A_13, %dma_start3A_14] : memref<2x32x80x128xi32, #tpu.memory_space<hbm>> -> memref<1x1x80x128xi32, #tpu.memory_space<hbm>>
    %dma_start3A_16 = tpu.memref_squeeze %dma_start3A_15 : memref<1x1x80x128xi32, #tpu.memory_space<hbm>> -> memref<80x128xi32, #tpu.memory_space<hbm>>
    %dma_start3A_17 = arith.constant 0 : i32
    %dma_start3A_18 = arith.constant 0 : i32
    %dma_start3A_19 = tpu.memref_slice %arg3[%dma_start3A_12, %add3A, %dma_start3A_17, %dma_start3A_18] : memref<2x32x80x128xi32, #tpu.memory_space<hbm>> -> memref<1x1x80x128xi32, #tpu.memory_space<hbm>>
    %dma_start3A_20 = tpu.memref_squeeze %dma_start3A_19 : memref<1x1x80x128xi32, #tpu.memory_space<hbm>> -> memref<80x128xi32, #tpu.memory_space<hbm>>
    tpu.enqueue_dma source(%dma_start3A_20 : memref<80x128xi32, #tpu.memory_space<hbm>>) target(%arg5 : memref<80x128xi32, #tpu.memory_space<vmem>>) target_semaphore(%arg13 : memref<!tpu.dma_semaphore, #tpu.memory_space<semaphore_mem>>)
    %dma_start3A_21 = arith.constant 1 : i32
    %dma_start3A_22 = arith.constant 0 : i32
    %dma_start3A_23 = arith.constant 0 : i32
    %dma_start3A_24 = tpu.memref_slice %arg3[%dma_start3A_21, %add3A, %dma_start3A_22, %dma_start3A_23] : memref<2x32x80x128xi32, #tpu.memory_space<hbm>> -> memref<1x1x80x128xi32, #tpu.memory_space<hbm>>
    %dma_start3A_25 = tpu.memref_squeeze %dma_start3A_24 : memref<1x1x80x128xi32, #tpu.memory_space<hbm>> -> memref<80x128xi32, #tpu.memory_space<hbm>>
    %dma_start3A_26 = arith.constant 0 : i32
    %dma_start3A_27 = arith.constant 0 : i32
    %dma_start3A_28 = tpu.memref_slice %arg3[%dma_start3A_21, %add3A, %dma_start3A_26, %dma_start3A_27] : memref<2x32x80x128xi32, #tpu.memory_space<hbm>> -> memref<1x1x80x128xi32, #tpu.memory_space<hbm>>
    %dma_start3A_29 = tpu.memref_squeeze %dma_start3A_28 : memref<1x1x80x128xi32, #tpu.memory_space<hbm>> -> memref<80x128xi32, #tpu.memory_space<hbm>>
    tpu.enqueue_dma source(%dma_start3A_29 : memref<80x128xi32, #tpu.memory_space<hbm>>) target(%arg6 : memref<80x128xi32, #tpu.memory_space<vmem>>) target_semaphore(%arg13 : memref<!tpu.dma_semaphore, #tpu.memory_space<semaphore_mem>>)
    %scan3A_30 = arith.constant 0 : i32
    %scan3A_31 = arith.constant 5 : i32
    %scan3A_32 = arith.addi %scan3A_30, %scan3A_31 : i32
    %scan3A_33 = arith.constant 1 : i32
    scf.for %scan3A_73 = %scan3A_30 to %scan3A_32 step %scan3A_33  : i32 {
      %mul3A_74 = arith.constant 128 : i32
      %mul3A_75 = arith.muli %scan3A_73, %mul3A_74 : i32
      %add3A_76 = arith.constant 0 : i32
      %add3A_77 = arith.addi %add3A_76, %mul3A_75 : i32
      %mul3A_78 = arith.constant 640 : i32
      %mul3A_79 = arith.muli %arg1, %mul3A_78 : i32
      %add3A_80 = arith.addi %mul3A_79, %add3A_77 : i32
      "tpu.region"() ({
        %run_scoped3A = tpu.sem_alloc : memref<!tpu.dma_semaphore, #tpu.memory_space<semaphore_mem>>
        %dma_start3A_81 = arith.constant 0 : i32
        %dma_start3A_82 = tpu.memref_slice %arg11[%add3A_80, %dma_start3A_81] : memref<10240x64xf32, #tpu.memory_space<vmem_shared>> -> memref<128x64xf32, #tpu.memory_space<vmem_shared>>
        %dma_start3A_83 = arith.constant 0 : i32
        %dma_start3A_84 = tpu.memref_slice %arg11[%add3A_80, %dma_start3A_83] : memref<10240x64xf32, #tpu.memory_space<vmem_shared>> -> memref<128x64xf32, #tpu.memory_space<vmem_shared>>
        tpu.enqueue_dma source(%arg9 : memref<128x64xf32, #tpu.memory_space<vmem>>) target(%dma_start3A_84 : memref<128x64xf32, #tpu.memory_space<vmem_shared>>) target_semaphore(%run_scoped3A : memref<!tpu.dma_semaphore, #tpu.memory_space<semaphore_mem>>)
        %dma_wait3A_85 = arith.constant 0 : i32
        %dma_wait3A_86 = tpu.memref_slice %arg11[%add3A_80, %dma_wait3A_85] : memref<10240x64xf32, #tpu.memory_space<vmem_shared>> -> memref<128x64xf32, #tpu.memory_space<vmem_shared>>
        %dma_wait3A_87 = arith.constant 0 : i32
        %dma_wait3A_88 = tpu.memref_slice %arg11[%add3A_80, %dma_wait3A_87] : memref<10240x64xf32, #tpu.memory_space<vmem_shared>> -> memref<128x64xf32, #tpu.memory_space<vmem_shared>>
        tpu.wait_dma2 semaphore(%run_scoped3A : memref<!tpu.dma_semaphore, #tpu.memory_space<semaphore_mem>>) src(%arg9 : memref<128x64xf32, #tpu.memory_space<vmem>>) dst(%dma_wait3A_88 : memref<128x64xf32, #tpu.memory_space<vmem_shared>>)
        tpu.yield
      }) : () -> ()
    }
    %scan3A_34 = arith.constant 5 : i32
    %dma_wait3A = arith.constant 0 : i32
    %dma_wait3A_35 = tpu.memref_slice %arg10[%mul3A_8, %dma_wait3A] : memref<10240x64xf32, #tpu.memory_space<vmem_shared>> -> memref<640x64xf32, #tpu.memory_space<vmem_shared>>
    %dma_wait3A_36 = arith.constant 0 : i32
    %dma_wait3A_37 = tpu.memref_slice %arg2[%mul3A_6, %dma_wait3A_36] : memref<10240x64xf32, #tpu.memory_space<hbm>> -> memref<640x64xf32, #tpu.memory_space<hbm>>
    tpu.wait_dma2 semaphore(%arg12 : memref<!tpu.dma_semaphore, #tpu.memory_space<semaphore_mem>>) src(%dma_wait3A_37 : memref<640x64xf32, #tpu.memory_space<hbm>>) dst(%dma_wait3A_35 : memref<640x64xf32, #tpu.memory_space<vmem_shared>>)
    %dma_wait3A_38 = arith.constant 0 : i32
    %dma_wait3A_39 = arith.constant 0 : i32
    %dma_wait3A_40 = arith.constant 0 : i32
    %dma_wait3A_41 = tpu.memref_slice %arg3[%dma_wait3A_38, %add3A, %dma_wait3A_39, %dma_wait3A_40] : memref<2x32x80x128xi32, #tpu.memory_space<hbm>> -> memref<1x1x80x128xi32, #tpu.memory_space<hbm>>
    %dma_wait3A_42 = tpu.memref_squeeze %dma_wait3A_41 : memref<1x1x80x128xi32, #tpu.memory_space<hbm>> -> memref<80x128xi32, #tpu.memory_space<hbm>>
    %dma_wait3A_43 = arith.constant 0 : i32
    %dma_wait3A_44 = arith.constant 0 : i32
    %dma_wait3A_45 = tpu.memref_slice %arg3[%dma_wait3A_38, %add3A, %dma_wait3A_43, %dma_wait3A_44] : memref<2x32x80x128xi32, #tpu.memory_space<hbm>> -> memref<1x1x80x128xi32, #tpu.memory_space<hbm>>
    %dma_wait3A_46 = tpu.memref_squeeze %dma_wait3A_45 : memref<1x1x80x128xi32, #tpu.memory_space<hbm>> -> memref<80x128xi32, #tpu.memory_space<hbm>>
    tpu.wait_dma2 semaphore(%arg13 : memref<!tpu.dma_semaphore, #tpu.memory_space<semaphore_mem>>) src(%dma_wait3A_46 : memref<80x128xi32, #tpu.memory_space<hbm>>) dst(%arg5 : memref<80x128xi32, #tpu.memory_space<vmem>>)
    %dma_wait3A_47 = arith.constant 1 : i32
    %dma_wait3A_48 = arith.constant 0 : i32
    %dma_wait3A_49 = arith.constant 0 : i32
    %dma_wait3A_50 = tpu.memref_slice %arg3[%dma_wait3A_47, %add3A, %dma_wait3A_48, %dma_wait3A_49] : memref<2x32x80x128xi32, #tpu.memory_space<hbm>> -> memref<1x1x80x128xi32, #tpu.memory_space<hbm>>
    %dma_wait3A_51 = tpu.memref_squeeze %dma_wait3A_50 : memref<1x1x80x128xi32, #tpu.memory_space<hbm>> -> memref<80x128xi32, #tpu.memory_space<hbm>>
    %dma_wait3A_52 = arith.constant 0 : i32
    %dma_wait3A_53 = arith.constant 0 : i32
    %dma_wait3A_54 = tpu.memref_slice %arg3[%dma_wait3A_47, %add3A, %dma_wait3A_52, %dma_wait3A_53] : memref<2x32x80x128xi32, #tpu.memory_space<hbm>> -> memref<1x1x80x128xi32, #tpu.memory_space<hbm>>
    %dma_wait3A_55 = tpu.memref_squeeze %dma_wait3A_54 : memref<1x1x80x128xi32, #tpu.memory_space<hbm>> -> memref<80x128xi32, #tpu.memory_space<hbm>>
    tpu.wait_dma2 semaphore(%arg13 : memref<!tpu.dma_semaphore, #tpu.memory_space<semaphore_mem>>) src(%dma_wait3A_55 : memref<80x128xi32, #tpu.memory_space<hbm>>) dst(%arg6 : memref<80x128xi32, #tpu.memory_space<vmem>>)
    %barrier3A = arith.constant 0 : index
    tpu.barrier barrier_id(%barrier3A)
    %dma_start3A_56 = arith.constant 0 : i32
    %dma_start3A_57 = arith.constant 0 : i32
    %dma_start3A_58 = tpu.memref_slice %arg5[%dma_start3A_56, %dma_start3A_57] : memref<80x128xi32, #tpu.memory_space<vmem>> -> memref<1x128xi32, #tpu.memory_space<vmem>>
    %dma_start3A_59 = tpu.memref_squeeze %dma_start3A_58 : memref<1x128xi32, #tpu.memory_space<vmem>> -> memref<128xi32, #tpu.memory_space<vmem>>
    %dma_start3A_60 = arith.constant 0 : i32
    %dma_start3A_61 = arith.constant 0 : i32
    %dma_start3A_62 = tpu.memref_slice %arg10[%dma_start3A_60, %dma_start3A_61] : memref<10240x64xf32, #tpu.memory_space<vmem_shared>> -> memref<10240x64xf32, #tpu.memory_space<vmem_shared>>
    tpu.enqueue_indirect_dma source(%dma_start3A_62 : memref<10240x64xf32, #tpu.memory_space<vmem_shared>>) target(%arg7 : memref<128x64xf32, #tpu.memory_space<vmem>>) offsets(%dma_start3A_59 : memref<128xi32, #tpu.memory_space<vmem>>) semaphore(%arg12 : memref<!tpu.dma_semaphore, #tpu.memory_space<semaphore_mem>>)
    %scan3A_63 = arith.constant 0 : i32
    %scan3A_64 = arith.constant 40 : i32
    %scan3A_65 = arith.addi %scan3A_63, %scan3A_64 : i32
    %scan3A_66 = arith.constant 1 : i32
    scf.for %scan3A_73 = %scan3A_63 to %scan3A_65 step %scan3A_66  : i32 {
      %mul3A_74 = arith.constant 2 : i32
      %mul3A_75 = arith.muli %scan3A_73, %mul3A_74 : i32
      %add3A_76 = arith.constant 0 : i32
      %add3A_77 = arith.addi %add3A_76, %mul3A_75 : i32
      %add3A_78 = arith.constant 1 : i32
      %add3A_79 = arith.addi %add3A_77, %add3A_78 : i32
      %dma_start3A_80 = arith.constant 0 : i32
      %dma_start3A_81 = tpu.memref_slice %arg5[%add3A_79, %dma_start3A_80] : memref<80x128xi32, #tpu.memory_space<vmem>> -> memref<1x128xi32, #tpu.memory_space<vmem>>
      %dma_start3A_82 = tpu.memref_squeeze %dma_start3A_81 : memref<1x128xi32, #tpu.memory_space<vmem>> -> memref<128xi32, #tpu.memory_space<vmem>>
      %dma_start3A_83 = arith.constant 0 : i32
      %dma_start3A_84 = arith.constant 0 : i32
      %dma_start3A_85 = tpu.memref_slice %arg10[%dma_start3A_83, %dma_start3A_84] : memref<10240x64xf32, #tpu.memory_space<vmem_shared>> -> memref<10240x64xf32, #tpu.memory_space<vmem_shared>>
      tpu.enqueue_indirect_dma source(%dma_start3A_85 : memref<10240x64xf32, #tpu.memory_space<vmem_shared>>) target(%arg8 : memref<128x64xf32, #tpu.memory_space<vmem>>) offsets(%dma_start3A_82 : memref<128xi32, #tpu.memory_space<vmem>>) semaphore(%arg13 : memref<!tpu.dma_semaphore, #tpu.memory_space<semaphore_mem>>)
      %dma_wait3A_86 = arith.constant 0 : i32
      %dma_wait3A_87 = tpu.memref_slice %arg5[%add3A_77, %dma_wait3A_86] : memref<80x128xi32, #tpu.memory_space<vmem>> -> memref<1x128xi32, #tpu.memory_space<vmem>>
      %dma_wait3A_88 = tpu.memref_squeeze %dma_wait3A_87 : memref<1x128xi32, #tpu.memory_space<vmem>> -> memref<128xi32, #tpu.memory_space<vmem>>
      %dma_wait3A_89 = arith.constant 0 : i32
      %dma_wait3A_90 = arith.constant 0 : i32
      %dma_wait3A_91 = tpu.memref_slice %arg10[%dma_wait3A_89, %dma_wait3A_90] : memref<10240x64xf32, #tpu.memory_space<vmem_shared>> -> memref<10240x64xf32, #tpu.memory_space<vmem_shared>>
      tpu.wait_indirect_dma semaphore(%arg12 : memref<!tpu.dma_semaphore, #tpu.memory_space<semaphore_mem>>) src(%dma_wait3A_91 : memref<10240x64xf32, #tpu.memory_space<vmem_shared>>) dst(%arg7 : memref<128x64xf32, #tpu.memory_space<vmem>>)
      "tpu.region"() ({
        %run_scoped3A = tpu.sem_alloc : memref<!tpu.dma_semaphore, #tpu.memory_space<semaphore_mem>>
        %dma_start3A_104 = arith.constant 0 : i32
        %dma_start3A_105 = tpu.memref_slice %arg6[%add3A_77, %dma_start3A_104] : memref<80x128xi32, #tpu.memory_space<vmem>> -> memref<1x128xi32, #tpu.memory_space<vmem>>
        %dma_start3A_106 = tpu.memref_squeeze %dma_start3A_105 : memref<1x128xi32, #tpu.memory_space<vmem>> -> memref<128xi32, #tpu.memory_space<vmem>>
        %dma_start3A_107 = arith.constant 0 : i32
        %dma_start3A_108 = arith.constant 0 : i32
        %dma_start3A_109 = tpu.memref_slice %arg11[%dma_start3A_107, %dma_start3A_108] : memref<10240x64xf32, #tpu.memory_space<vmem_shared>> -> memref<10240x64xf32, #tpu.memory_space<vmem_shared>>
        tpu.enqueue_indirect_dma source(%arg7 : memref<128x64xf32, #tpu.memory_space<vmem>>) target(%dma_start3A_109 : memref<10240x64xf32, #tpu.memory_space<vmem_shared>>) offsets(%dma_start3A_106 : memref<128xi32, #tpu.memory_space<vmem>>) semaphore(%run_scoped3A : memref<!tpu.dma_semaphore, #tpu.memory_space<semaphore_mem>>) {add = true}
        %dma_wait3A_110 = arith.constant 0 : i32
        %dma_wait3A_111 = tpu.memref_slice %arg6[%add3A_77, %dma_wait3A_110] : memref<80x128xi32, #tpu.memory_space<vmem>> -> memref<1x128xi32, #tpu.memory_space<vmem>>
        %dma_wait3A_112 = tpu.memref_squeeze %dma_wait3A_111 : memref<1x128xi32, #tpu.memory_space<vmem>> -> memref<128xi32, #tpu.memory_space<vmem>>
        %dma_wait3A_113 = arith.constant 0 : i32
        %dma_wait3A_114 = arith.constant 0 : i32
        %dma_wait3A_115 = tpu.memref_slice %arg11[%dma_wait3A_113, %dma_wait3A_114] : memref<10240x64xf32, #tpu.memory_space<vmem_shared>> -> memref<10240x64xf32, #tpu.memory_space<vmem_shared>>
        tpu.wait_indirect_dma semaphore(%run_scoped3A : memref<!tpu.dma_semaphore, #tpu.memory_space<semaphore_mem>>) src(%arg7 : memref<128x64xf32, #tpu.memory_space<vmem>>) dst(%dma_wait3A_115 : memref<10240x64xf32, #tpu.memory_space<vmem_shared>>)
        tpu.yield
      }) : () -> ()
      %add3A_92 = arith.constant 2 : i32
      %add3A_93 = arith.addi %add3A_77, %add3A_92 : i32
      %lt3A = arith.constant 80 : i32
      %lt3A_94 = arith.cmpi slt, %add3A_93, %lt3A : i32
      %convert_element_type3A = arith.extui %lt3A_94 : i1 to i32
      %cond3A = arith.constant 0 : i32
      %cond3A_95 = arith.cmpi ne, %convert_element_type3A, %cond3A : i32
      scf.if %cond3A_95 {
        %add3A_104 = arith.constant 2 : i32
        %add3A_105 = arith.addi %add3A_77, %add3A_104 : i32
        %dma_start3A_106 = arith.constant 0 : i32
        %dma_start3A_107 = tpu.memref_slice %arg5[%add3A_105, %dma_start3A_106] : memref<80x128xi32, #tpu.memory_space<vmem>> -> memref<1x128xi32, #tpu.memory_space<vmem>>
        %dma_start3A_108 = tpu.memref_squeeze %dma_start3A_107 : memref<1x128xi32, #tpu.memory_space<vmem>> -> memref<128xi32, #tpu.memory_space<vmem>>
        %dma_start3A_109 = arith.constant 0 : i32
        %dma_start3A_110 = arith.constant 0 : i32
        %dma_start3A_111 = tpu.memref_slice %arg10[%dma_start3A_109, %dma_start3A_110] : memref<10240x64xf32, #tpu.memory_space<vmem_shared>> -> memref<10240x64xf32, #tpu.memory_space<vmem_shared>>
        tpu.enqueue_indirect_dma source(%dma_start3A_111 : memref<10240x64xf32, #tpu.memory_space<vmem_shared>>) target(%arg7 : memref<128x64xf32, #tpu.memory_space<vmem>>) offsets(%dma_start3A_108 : memref<128xi32, #tpu.memory_space<vmem>>) semaphore(%arg12 : memref<!tpu.dma_semaphore, #tpu.memory_space<semaphore_mem>>)
      } else {
      }
      %dma_wait3A_96 = arith.constant 0 : i32
      %dma_wait3A_97 = tpu.memref_slice %arg5[%add3A_79, %dma_wait3A_96] : memref<80x128xi32, #tpu.memory_space<vmem>> -> memref<1x128xi32, #tpu.memory_space<vmem>>
      %dma_wait3A_98 = tpu.memref_squeeze %dma_wait3A_97 : memref<1x128xi32, #tpu.memory_space<vmem>> -> memref<128xi32, #tpu.memory_space<vmem>>
      %dma_wait3A_99 = arith.constant 0 : i32
      %dma_wait3A_100 = arith.constant 0 : i32
      %dma_wait3A_101 = tpu.memref_slice %arg10[%dma_wait3A_99, %dma_wait3A_100] : memref<10240x64xf32, #tpu.memory_space<vmem_shared>> -> memref<10240x64xf32, #tpu.memory_space<vmem_shared>>
      tpu.wait_indirect_dma semaphore(%arg13 : memref<!tpu.dma_semaphore, #tpu.memory_space<semaphore_mem>>) src(%dma_wait3A_101 : memref<10240x64xf32, #tpu.memory_space<vmem_shared>>) dst(%arg8 : memref<128x64xf32, #tpu.memory_space<vmem>>)
      %add3A_102 = arith.constant 1 : i32
      %add3A_103 = arith.addi %add3A_77, %add3A_102 : i32
      "tpu.region"() ({
        %run_scoped3A = tpu.sem_alloc : memref<!tpu.dma_semaphore, #tpu.memory_space<semaphore_mem>>
        %dma_start3A_104 = arith.constant 0 : i32
        %dma_start3A_105 = tpu.memref_slice %arg6[%add3A_103, %dma_start3A_104] : memref<80x128xi32, #tpu.memory_space<vmem>> -> memref<1x128xi32, #tpu.memory_space<vmem>>
        %dma_start3A_106 = tpu.memref_squeeze %dma_start3A_105 : memref<1x128xi32, #tpu.memory_space<vmem>> -> memref<128xi32, #tpu.memory_space<vmem>>
        %dma_start3A_107 = arith.constant 0 : i32
        %dma_start3A_108 = arith.constant 0 : i32
        %dma_start3A_109 = tpu.memref_slice %arg11[%dma_start3A_107, %dma_start3A_108] : memref<10240x64xf32, #tpu.memory_space<vmem_shared>> -> memref<10240x64xf32, #tpu.memory_space<vmem_shared>>
        tpu.enqueue_indirect_dma source(%arg8 : memref<128x64xf32, #tpu.memory_space<vmem>>) target(%dma_start3A_109 : memref<10240x64xf32, #tpu.memory_space<vmem_shared>>) offsets(%dma_start3A_106 : memref<128xi32, #tpu.memory_space<vmem>>) semaphore(%run_scoped3A : memref<!tpu.dma_semaphore, #tpu.memory_space<semaphore_mem>>) {add = true}
        %dma_wait3A_110 = arith.constant 0 : i32
        %dma_wait3A_111 = tpu.memref_slice %arg6[%add3A_103, %dma_wait3A_110] : memref<80x128xi32, #tpu.memory_space<vmem>> -> memref<1x128xi32, #tpu.memory_space<vmem>>
        %dma_wait3A_112 = tpu.memref_squeeze %dma_wait3A_111 : memref<1x128xi32, #tpu.memory_space<vmem>> -> memref<128xi32, #tpu.memory_space<vmem>>
        %dma_wait3A_113 = arith.constant 0 : i32
        %dma_wait3A_114 = arith.constant 0 : i32
        %dma_wait3A_115 = tpu.memref_slice %arg11[%dma_wait3A_113, %dma_wait3A_114] : memref<10240x64xf32, #tpu.memory_space<vmem_shared>> -> memref<10240x64xf32, #tpu.memory_space<vmem_shared>>
        tpu.wait_indirect_dma semaphore(%run_scoped3A : memref<!tpu.dma_semaphore, #tpu.memory_space<semaphore_mem>>) src(%arg8 : memref<128x64xf32, #tpu.memory_space<vmem>>) dst(%dma_wait3A_115 : memref<10240x64xf32, #tpu.memory_space<vmem_shared>>)
        tpu.yield
      }) : () -> ()
    }
    %scan3A_67 = arith.constant 40 : i32
    %barrier3A_68 = arith.constant 0 : index
    tpu.barrier barrier_id(%barrier3A_68)
    %mul3A_69 = arith.constant 640 : i32
    %mul3A_70 = arith.muli %arg1, %mul3A_69 : i32
    %mul3A_71 = arith.constant 640 : i32
    %mul3A_72 = arith.muli %arg1, %mul3A_71 : i32
    "tpu.region"() ({
      %run_scoped3A = tpu.sem_alloc : memref<!tpu.dma_semaphore, #tpu.memory_space<semaphore_mem>>
      %dma_start3A_73 = arith.constant 0 : i32
      %dma_start3A_74 = tpu.memref_slice %arg4[%arg0, %mul3A_72, %dma_start3A_73] : memref<2x10240x64xf32, #tpu.memory_space<hbm>> -> memref<1x640x64xf32, #tpu.memory_space<hbm>>
      %dma_start3A_75 = tpu.memref_squeeze %dma_start3A_74 : memref<1x640x64xf32, #tpu.memory_space<hbm>> -> memref<640x64xf32, #tpu.memory_space<hbm>>
      %dma_start3A_76 = arith.constant 0 : i32
      %dma_start3A_77 = tpu.memref_slice %arg11[%mul3A_70, %dma_start3A_76] : memref<10240x64xf32, #tpu.memory_space<vmem_shared>> -> memref<640x64xf32, #tpu.memory_space<vmem_shared>>
      tpu.enqueue_dma source(%dma_start3A_77 : memref<640x64xf32, #tpu.memory_space<vmem_shared>>) target(%dma_start3A_75 : memref<640x64xf32, #tpu.memory_space<hbm>>) target_semaphore(%run_scoped3A : memref<!tpu.dma_semaphore, #tpu.memory_space<semaphore_mem>>)
      %dma_wait3A_78 = arith.constant 0 : i32
      %dma_wait3A_79 = tpu.memref_slice %arg4[%arg0, %mul3A_72, %dma_wait3A_78] : memref<2x10240x64xf32, #tpu.memory_space<hbm>> -> memref<1x640x64xf32, #tpu.memory_space<hbm>>
      %dma_wait3A_80 = tpu.memref_squeeze %dma_wait3A_79 : memref<1x640x64xf32, #tpu.memory_space<hbm>> -> memref<640x64xf32, #tpu.memory_space<hbm>>
      %dma_wait3A_81 = arith.constant 0 : i32
      %dma_wait3A_82 = tpu.memref_slice %arg11[%mul3A_70, %dma_wait3A_81] : memref<10240x64xf32, #tpu.memory_space<vmem_shared>> -> memref<640x64xf32, #tpu.memory_space<vmem_shared>>
      tpu.wait_dma2 semaphore(%run_scoped3A : memref<!tpu.dma_semaphore, #tpu.memory_space<semaphore_mem>>) src(%dma_wait3A_82 : memref<640x64xf32, #tpu.memory_space<vmem_shared>>) dst(%dma_wait3A_80 : memref<640x64xf32, #tpu.memory_space<hbm>>)
      tpu.yield
    }) : () -> ()
    return
  }
}

#map = affine_map<(d0, d1) -> (0, 0)>
#map1 = affine_map<(d0, d1) -> (0, 0, 0, 0)>
#map2 = affine_map<(d0, d1) -> (0, 0, 0)>
module attributes {stable_mosaic.version = 14 : i64} {
  func.func @k(%arg0: i32, %arg1: i32, %arg2: memref<10240x16xf32, #tpu.memory_space<hbm>>, %arg3: memref<2x32x80x128xi32, #tpu.memory_space<hbm>>, %arg4: memref<2x10240x16xf32, #tpu.memory_space<hbm>>, %arg5: memref<80x128xi32, #tpu.memory_space<vmem>>, %arg6: memref<80x128xi32, #tpu.memory_space<vmem>>, %arg7: memref<128x16xf32, #tpu.memory_space<vmem>>, %arg8: memref<128x16xf32, #tpu.memory_space<vmem>>, %arg9: memref<128x16xf32, #tpu.memory_space<vmem>>, %arg10: memref<10240x16xf32, #tpu.memory_space<vmem_shared>>, %arg11: memref<10240x16xf32, #tpu.memory_space<vmem_shared>>, %arg12: memref<!tpu.dma_semaphore, #tpu.memory_space<semaphore_mem>>, %arg13: memref<!tpu.dma_semaphore, #tpu.memory_space<semaphore_mem>>) attributes {dimension_semantics = [#tpu.dimension_semantics<core_parallel>, #tpu.dimension_semantics<subcore_parallel>], iteration_bounds = array<i64: 2, 16>, scalar_prefetch = 0 : i64, scratch_operands = 9 : i64, tpu.core_type = #tpu.core_type<sc_vector_subcore>, window_params = [{transform_indices = #map}, {transform_indices = #map1}, {transform_indices = #map2}]} {
    %mul3A = arith.constant 2 : i32
    %mul3A_0 = arith.muli %arg1, %mul3A : i32
    %add3A = arith.addi %mul3A_0, %arg0 : i32
    %scan3A = arith.constant 0 : i32
    %scan3A_1 = arith.constant 128 : i32
    %scan3A_2 = arith.addi %scan3A, %scan3A_1 : i32
    %scan3A_3 = arith.constant 1 : i32
    scf.for %scan3A_73 = %scan3A to %scan3A_2 step %scan3A_3  : i32 {
      %mul3A_74 = arith.constant 1 : i32
      %mul3A_75 = arith.muli %scan3A_73, %mul3A_74 : i32
      %add3A_76 = arith.constant 0 : i32
      %add3A_77 = arith.addi %add3A_76, %mul3A_75 : i32
      %scan3A_78 = arith.constant 0 : i32
      %mul3A_79 = arith.constant 16 : i32
      %mul3A_80 = arith.muli %scan3A_78, %mul3A_79 : i32
      %add3A_81 = arith.constant 0 : i32
      %add3A_82 = arith.addi %add3A_81, %mul3A_80 : i32
      %broadcast_in_dim3A = arith.constant 0.000000e+00 : f32
      %broadcast_in_dim3A_83 = vector.broadcast %broadcast_in_dim3A : f32 to vector<1x16xf32>
      %swap3A = arith.index_cast %add3A_77 : i32 to index
      %swap3A_84 = arith.index_cast %add3A_82 : i32 to index
      %swap3A_85 = tpu.vector_load %arg9[%swap3A, %swap3A_84] {strides = array<i32>} : memref<128x16xf32, #tpu.memory_space<vmem>>, vector<1x16xf32>,
      %swap3A_86 = vector.shape_cast %swap3A_85 : vector<1x16xf32> to vector<1x16xf32>
      %swap3A_87 = vector.shape_cast %broadcast_in_dim3A_83 : vector<1x16xf32> to vector<1x16xf32>
      tpu.vector_store %arg9[%swap3A, %swap3A_84], %swap3A_87 {strides = array<i32>} : memref<128x16xf32, #tpu.memory_space<vmem>>, vector<1x16xf32>,
      %scan3A_88 = arith.constant 1 : i32
    }
    %scan3A_4 = arith.constant 128 : i32
    %mul3A_5 = arith.constant 640 : i32
    %mul3A_6 = arith.muli %arg1, %mul3A_5 : i32
    %mul3A_7 = arith.constant 640 : i32
    %mul3A_8 = arith.muli %arg1, %mul3A_7 : i32
    %dma_start3A = arith.constant 0 : i32
    %dma_start3A_9 = tpu.memref_slice %arg10[%mul3A_8, %dma_start3A] : memref<10240x16xf32, #tpu.memory_space<vmem_shared>> -> memref<640x16xf32, #tpu.memory_space<vmem_shared>>
    %dma_start3A_10 = arith.constant 0 : i32
    %dma_start3A_11 = tpu.memref_slice %arg2[%mul3A_6, %dma_start3A_10] : memref<10240x16xf32, #tpu.memory_space<hbm>> -> memref<640x16xf32, #tpu.memory_space<hbm>>
    tpu.enqueue_dma source(%dma_start3A_11 : memref<640x16xf32, #tpu.memory_space<hbm>>) target(%dma_start3A_9 : memref<640x16xf32, #tpu.memory_space<vmem_shared>>) target_semaphore(%arg12 : memref<!tpu.dma_semaphore, #tpu.memory_space<semaphore_mem>>)
    %dma_start3A_12 = arith.constant 0 : i32
    %dma_start3A_13 = arith.constant 0 : i32
    %dma_start3A_14 = arith.constant 0 : i32
    %dma_start3A_15 = tpu.memref_slice %arg3[%dma_start3A_12, %add3A, %dma_start3A_13, %dma_start3A_14] : memref<2x32x80x128xi32, #tpu.memory_space<hbm>> -> memref<1x1x80x128xi32, #tpu.memory_space<hbm>>
    %dma_start3A_16 = tpu.memref_squeeze %dma_start3A_15 : memref<1x1x80x128xi32, #tpu.memory_space<hbm>> -> memref<80x128xi32, #tpu.memory_space<hbm>>
    %dma_start3A_17 = arith.constant 0 : i32
    %dma_start3A_18 = arith.constant 0 : i32
    %dma_start3A_19 = tpu.memref_slice %arg3[%dma_start3A_12, %add3A, %dma_start3A_17, %dma_start3A_18] : memref<2x32x80x128xi32, #tpu.memory_space<hbm>> -> memref<1x1x80x128xi32, #tpu.memory_space<hbm>>
    %dma_start3A_20 = tpu.memref_squeeze %dma_start3A_19 : memref<1x1x80x128xi32, #tpu.memory_space<hbm>> -> memref<80x128xi32, #tpu.memory_space<hbm>>
    tpu.enqueue_dma source(%dma_start3A_20 : memref<80x128xi32, #tpu.memory_space<hbm>>) target(%arg5 : memref<80x128xi32, #tpu.memory_space<vmem>>) target_semaphore(%arg13 : memref<!tpu.dma_semaphore, #tpu.memory_space<semaphore_mem>>)
    %dma_start3A_21 = arith.constant 1 : i32
    %dma_start3A_22 = arith.constant 0 : i32
    %dma_start3A_23 = arith.constant 0 : i32
    %dma_start3A_24 = tpu.memref_slice %arg3[%dma_start3A_21, %add3A, %dma_start3A_22, %dma_start3A_23] : memref<2x32x80x128xi32, #tpu.memory_space<hbm>> -> memref<1x1x80x128xi32, #tpu.memory_space<hbm>>
    %dma_start3A_25 = tpu.memref_squeeze %dma_start3A_24 : memref<1x1x80x128xi32, #tpu.memory_space<hbm>> -> memref<80x128xi32, #tpu.memory_space<hbm>>
    %dma_start3A_26 = arith.constant 0 : i32
    %dma_start3A_27 = arith.constant 0 : i32
    %dma_start3A_28 = tpu.memref_slice %arg3[%dma_start3A_21, %add3A, %dma_start3A_26, %dma_start3A_27] : memref<2x32x80x128xi32, #tpu.memory_space<hbm>> -> memref<1x1x80x128xi32, #tpu.memory_space<hbm>>
    %dma_start3A_29 = tpu.memref_squeeze %dma_start3A_28 : memref<1x1x80x128xi32, #tpu.memory_space<hbm>> -> memref<80x128xi32, #tpu.memory_space<hbm>>
    tpu.enqueue_dma source(%dma_start3A_29 : memref<80x128xi32, #tpu.memory_space<hbm>>) target(%arg6 : memref<80x128xi32, #tpu.memory_space<vmem>>) target_semaphore(%arg13 : memref<!tpu.dma_semaphore, #tpu.memory_space<semaphore_mem>>)
    %scan3A_30 = arith.constant 0 : i32
    %scan3A_31 = arith.constant 5 : i32
    %scan3A_32 = arith.addi %scan3A_30, %scan3A_31 : i32
    %scan3A_33 = arith.constant 1 : i32
    scf.for %scan3A_73 = %scan3A_30 to %scan3A_32 step %scan3A_33  : i32 {
      %mul3A_74 = arith.constant 128 : i32
      %mul3A_75 = arith.muli %scan3A_73, %mul3A_74 : i32
      %add3A_76 = arith.constant 0 : i32
      %add3A_77 = arith.addi %add3A_76, %mul3A_75 : i32
      %mul3A_78 = arith.constant 640 : i32
      %mul3A_79 = arith.muli %arg1, %mul3A_78 : i32
      %add3A_80 = arith.addi %mul3A_79, %add3A_77 : i32
      "tpu.region"() ({
        %run_scoped3A = tpu.sem_alloc : memref<!tpu.dma_semaphore, #tpu.memory_space<semaphore_mem>>
        %dma_start3A_81 = arith.constant 0 : i32
        %dma_start3A_82 = tpu.memref_slice %arg11[%add3A_80, %dma_start3A_81] : memref<10240x16xf32, #tpu.memory_space<vmem_shared>> -> memref<128x16xf32, #tpu.memory_space<vmem_shared>>
        %dma_start3A_83 = arith.constant 0 : i32
        %dma_start3A_84 = tpu.memref_slice %arg11[%add3A_80, %dma_start3A_83] : memref<10240x16xf32, #tpu.memory_space<vmem_shared>> -> memref<128x16xf32, #tpu.memory_space<vmem_shared>>
        tpu.enqueue_dma source(%arg9 : memref<128x16xf32, #tpu.memory_space<vmem>>) target(%dma_start3A_84 : memref<128x16xf32, #tpu.memory_space<vmem_shared>>) target_semaphore(%run_scoped3A : memref<!tpu.dma_semaphore, #tpu.memory_space<semaphore_mem>>)
        %dma_wait3A_85 = arith.constant 0 : i32
        %dma_wait3A_86 = tpu.memref_slice %arg11[%add3A_80, %dma_wait3A_85] : memref<10240x16xf32, #tpu.memory_space<vmem_shared>> -> memref<128x16xf32, #tpu.memory_space<vmem_shared>>
        %dma_wait3A_87 = arith.constant 0 : i32
        %dma_wait3A_88 = tpu.memref_slice %arg11[%add3A_80, %dma_wait3A_87] : memref<10240x16xf32, #tpu.memory_space<vmem_shared>> -> memref<128x16xf32, #tpu.memory_space<vmem_shared>>
        tpu.wait_dma2 semaphore(%run_scoped3A : memref<!tpu.dma_semaphore, #tpu.memory_space<semaphore_mem>>) src(%arg9 : memref<128x16xf32, #tpu.memory_space<vmem>>) dst(%dma_wait3A_88 : memref<128x16xf32, #tpu.memory_space<vmem_shared>>)
        tpu.yield
      }) : () -> ()
    }
    %scan3A_34 = arith.constant 5 : i32
    %dma_wait3A = arith.constant 0 : i32
    %dma_wait3A_35 = tpu.memref_slice %arg10[%mul3A_8, %dma_wait3A] : memref<10240x16xf32, #tpu.memory_space<vmem_shared>> -> memref<640x16xf32, #tpu.memory_space<vmem_shared>>
    %dma_wait3A_36 = arith.constant 0 : i32
    %dma_wait3A_37 = tpu.memref_slice %arg2[%mul3A_6, %dma_wait3A_36] : memref<10240x16xf32, #tpu.memory_space<hbm>> -> memref<640x16xf32, #tpu.memory_space<hbm>>
    tpu.wait_dma2 semaphore(%arg12 : memref<!tpu.dma_semaphore, #tpu.memory_space<semaphore_mem>>) src(%dma_wait3A_37 : memref<640x16xf32, #tpu.memory_space<hbm>>) dst(%dma_wait3A_35 : memref<640x16xf32, #tpu.memory_space<vmem_shared>>)
    %dma_wait3A_38 = arith.constant 0 : i32
    %dma_wait3A_39 = arith.constant 0 : i32
    %dma_wait3A_40 = arith.constant 0 : i32
    %dma_wait3A_41 = tpu.memref_slice %arg3[%dma_wait3A_38, %add3A, %dma_wait3A_39, %dma_wait3A_40] : memref<2x32x80x128xi32, #tpu.memory_space<hbm>> -> memref<1x1x80x128xi32, #tpu.memory_space<hbm>>
    %dma_wait3A_42 = tpu.memref_squeeze %dma_wait3A_41 : memref<1x1x80x128xi32, #tpu.memory_space<hbm>> -> memref<80x128xi32, #tpu.memory_space<hbm>>
    %dma_wait3A_43 = arith.constant 0 : i32
    %dma_wait3A_44 = arith.constant 0 : i32
    %dma_wait3A_45 = tpu.memref_slice %arg3[%dma_wait3A_38, %add3A, %dma_wait3A_43, %dma_wait3A_44] : memref<2x32x80x128xi32, #tpu.memory_space<hbm>> -> memref<1x1x80x128xi32, #tpu.memory_space<hbm>>
    %dma_wait3A_46 = tpu.memref_squeeze %dma_wait3A_45 : memref<1x1x80x128xi32, #tpu.memory_space<hbm>> -> memref<80x128xi32, #tpu.memory_space<hbm>>
    tpu.wait_dma2 semaphore(%arg13 : memref<!tpu.dma_semaphore, #tpu.memory_space<semaphore_mem>>) src(%dma_wait3A_46 : memref<80x128xi32, #tpu.memory_space<hbm>>) dst(%arg5 : memref<80x128xi32, #tpu.memory_space<vmem>>)
    %dma_wait3A_47 = arith.constant 1 : i32
    %dma_wait3A_48 = arith.constant 0 : i32
    %dma_wait3A_49 = arith.constant 0 : i32
    %dma_wait3A_50 = tpu.memref_slice %arg3[%dma_wait3A_47, %add3A, %dma_wait3A_48, %dma_wait3A_49] : memref<2x32x80x128xi32, #tpu.memory_space<hbm>> -> memref<1x1x80x128xi32, #tpu.memory_space<hbm>>
    %dma_wait3A_51 = tpu.memref_squeeze %dma_wait3A_50 : memref<1x1x80x128xi32, #tpu.memory_space<hbm>> -> memref<80x128xi32, #tpu.memory_space<hbm>>
    %dma_wait3A_52 = arith.constant 0 : i32
    %dma_wait3A_53 = arith.constant 0 : i32
    %dma_wait3A_54 = tpu.memref_slice %arg3[%dma_wait3A_47, %add3A, %dma_wait3A_52, %dma_wait3A_53] : memref<2x32x80x128xi32, #tpu.memory_space<hbm>> -> memref<1x1x80x128xi32, #tpu.memory_space<hbm>>
    %dma_wait3A_55 = tpu.memref_squeeze %dma_wait3A_54 : memref<1x1x80x128xi32, #tpu.memory_space<hbm>> -> memref<80x128xi32, #tpu.memory_space<hbm>>
    tpu.wait_dma2 semaphore(%arg13 : memref<!tpu.dma_semaphore, #tpu.memory_space<semaphore_mem>>) src(%dma_wait3A_55 : memref<80x128xi32, #tpu.memory_space<hbm>>) dst(%arg6 : memref<80x128xi32, #tpu.memory_space<vmem>>)
    %barrier3A = arith.constant 0 : index
    tpu.barrier barrier_id(%barrier3A)
    %dma_start3A_56 = arith.constant 0 : i32
    %dma_start3A_57 = arith.constant 0 : i32
    %dma_start3A_58 = tpu.memref_slice %arg5[%dma_start3A_56, %dma_start3A_57] : memref<80x128xi32, #tpu.memory_space<vmem>> -> memref<1x128xi32, #tpu.memory_space<vmem>>
    %dma_start3A_59 = tpu.memref_squeeze %dma_start3A_58 : memref<1x128xi32, #tpu.memory_space<vmem>> -> memref<128xi32, #tpu.memory_space<vmem>>
    %dma_start3A_60 = arith.constant 0 : i32
    %dma_start3A_61 = arith.constant 0 : i32
    %dma_start3A_62 = tpu.memref_slice %arg10[%dma_start3A_60, %dma_start3A_61] : memref<10240x16xf32, #tpu.memory_space<vmem_shared>> -> memref<10240x16xf32, #tpu.memory_space<vmem_shared>>
    tpu.enqueue_indirect_dma source(%dma_start3A_62 : memref<10240x16xf32, #tpu.memory_space<vmem_shared>>) target(%arg7 : memref<128x16xf32, #tpu.memory_space<vmem>>) offsets(%dma_start3A_59 : memref<128xi32, #tpu.memory_space<vmem>>) semaphore(%arg12 : memref<!tpu.dma_semaphore, #tpu.memory_space<semaphore_mem>>)
    %scan3A_63 = arith.constant 0 : i32
    %scan3A_64 = arith.constant 40 : i32
    %scan3A_65 = arith.addi %scan3A_63, %scan3A_64 : i32
    %scan3A_66 = arith.constant 1 : i32
    scf.for %scan3A_73 = %scan3A_63 to %scan3A_65 step %scan3A_66  : i32 {
      %mul3A_74 = arith.constant 2 : i32
      %mul3A_75 = arith.muli %scan3A_73, %mul3A_74 : i32
      %add3A_76 = arith.constant 0 : i32
      %add3A_77 = arith.addi %add3A_76, %mul3A_75 : i32
      %add3A_78 = arith.constant 1 : i32
      %add3A_79 = arith.addi %add3A_77, %add3A_78 : i32
      %dma_start3A_80 = arith.constant 0 : i32
      %dma_start3A_81 = tpu.memref_slice %arg5[%add3A_79, %dma_start3A_80] : memref<80x128xi32, #tpu.memory_space<vmem>> -> memref<1x128xi32, #tpu.memory_space<vmem>>
      %dma_start3A_82 = tpu.memref_squeeze %dma_start3A_81 : memref<1x128xi32, #tpu.memory_space<vmem>> -> memref<128xi32, #tpu.memory_space<vmem>>
      %dma_start3A_83 = arith.constant 0 : i32
      %dma_start3A_84 = arith.constant 0 : i32
      %dma_start3A_85 = tpu.memref_slice %arg10[%dma_start3A_83, %dma_start3A_84] : memref<10240x16xf32, #tpu.memory_space<vmem_shared>> -> memref<10240x16xf32, #tpu.memory_space<vmem_shared>>
      tpu.enqueue_indirect_dma source(%dma_start3A_85 : memref<10240x16xf32, #tpu.memory_space<vmem_shared>>) target(%arg8 : memref<128x16xf32, #tpu.memory_space<vmem>>) offsets(%dma_start3A_82 : memref<128xi32, #tpu.memory_space<vmem>>) semaphore(%arg13 : memref<!tpu.dma_semaphore, #tpu.memory_space<semaphore_mem>>)
      %dma_wait3A_86 = arith.constant 0 : i32
      %dma_wait3A_87 = tpu.memref_slice %arg5[%add3A_77, %dma_wait3A_86] : memref<80x128xi32, #tpu.memory_space<vmem>> -> memref<1x128xi32, #tpu.memory_space<vmem>>
      %dma_wait3A_88 = tpu.memref_squeeze %dma_wait3A_87 : memref<1x128xi32, #tpu.memory_space<vmem>> -> memref<128xi32, #tpu.memory_space<vmem>>
      %dma_wait3A_89 = arith.constant 0 : i32
      %dma_wait3A_90 = arith.constant 0 : i32
      %dma_wait3A_91 = tpu.memref_slice %arg10[%dma_wait3A_89, %dma_wait3A_90] : memref<10240x16xf32, #tpu.memory_space<vmem_shared>> -> memref<10240x16xf32, #tpu.memory_space<vmem_shared>>
      tpu.wait_indirect_dma semaphore(%arg12 : memref<!tpu.dma_semaphore, #tpu.memory_space<semaphore_mem>>) src(%dma_wait3A_91 : memref<10240x16xf32, #tpu.memory_space<vmem_shared>>) dst(%arg7 : memref<128x16xf32, #tpu.memory_space<vmem>>)
      "tpu.region"() ({
        %run_scoped3A = tpu.sem_alloc : memref<!tpu.dma_semaphore, #tpu.memory_space<semaphore_mem>>
        %dma_start3A_104 = arith.constant 0 : i32
        %dma_start3A_105 = tpu.memref_slice %arg6[%add3A_77, %dma_start3A_104] : memref<80x128xi32, #tpu.memory_space<vmem>> -> memref<1x128xi32, #tpu.memory_space<vmem>>
        %dma_start3A_106 = tpu.memref_squeeze %dma_start3A_105 : memref<1x128xi32, #tpu.memory_space<vmem>> -> memref<128xi32, #tpu.memory_space<vmem>>
        %dma_start3A_107 = arith.constant 0 : i32
        %dma_start3A_108 = arith.constant 0 : i32
        %dma_start3A_109 = tpu.memref_slice %arg11[%dma_start3A_107, %dma_start3A_108] : memref<10240x16xf32, #tpu.memory_space<vmem_shared>> -> memref<10240x16xf32, #tpu.memory_space<vmem_shared>>
        tpu.enqueue_indirect_dma source(%arg7 : memref<128x16xf32, #tpu.memory_space<vmem>>) target(%dma_start3A_109 : memref<10240x16xf32, #tpu.memory_space<vmem_shared>>) offsets(%dma_start3A_106 : memref<128xi32, #tpu.memory_space<vmem>>) semaphore(%run_scoped3A : memref<!tpu.dma_semaphore, #tpu.memory_space<semaphore_mem>>) {add = true}
        %dma_wait3A_110 = arith.constant 0 : i32
        %dma_wait3A_111 = tpu.memref_slice %arg6[%add3A_77, %dma_wait3A_110] : memref<80x128xi32, #tpu.memory_space<vmem>> -> memref<1x128xi32, #tpu.memory_space<vmem>>
        %dma_wait3A_112 = tpu.memref_squeeze %dma_wait3A_111 : memref<1x128xi32, #tpu.memory_space<vmem>> -> memref<128xi32, #tpu.memory_space<vmem>>
        %dma_wait3A_113 = arith.constant 0 : i32
        %dma_wait3A_114 = arith.constant 0 : i32
        %dma_wait3A_115 = tpu.memref_slice %arg11[%dma_wait3A_113, %dma_wait3A_114] : memref<10240x16xf32, #tpu.memory_space<vmem_shared>> -> memref<10240x16xf32, #tpu.memory_space<vmem_shared>>
        tpu.wait_indirect_dma semaphore(%run_scoped3A : memref<!tpu.dma_semaphore, #tpu.memory_space<semaphore_mem>>) src(%arg7 : memref<128x16xf32, #tpu.memory_space<vmem>>) dst(%dma_wait3A_115 : memref<10240x16xf32, #tpu.memory_space<vmem_shared>>)
        tpu.yield
      }) : () -> ()
      %add3A_92 = arith.constant 2 : i32
      %add3A_93 = arith.addi %add3A_77, %add3A_92 : i32
      %lt3A = arith.constant 80 : i32
      %lt3A_94 = arith.cmpi slt, %add3A_93, %lt3A : i32
      %convert_element_type3A = arith.extui %lt3A_94 : i1 to i32
      %cond3A = arith.constant 0 : i32
      %cond3A_95 = arith.cmpi ne, %convert_element_type3A, %cond3A : i32
      scf.if %cond3A_95 {
        %add3A_104 = arith.constant 2 : i32
        %add3A_105 = arith.addi %add3A_77, %add3A_104 : i32
        %dma_start3A_106 = arith.constant 0 : i32
        %dma_start3A_107 = tpu.memref_slice %arg5[%add3A_105, %dma_start3A_106] : memref<80x128xi32, #tpu.memory_space<vmem>> -> memref<1x128xi32, #tpu.memory_space<vmem>>
        %dma_start3A_108 = tpu.memref_squeeze %dma_start3A_107 : memref<1x128xi32, #tpu.memory_space<vmem>> -> memref<128xi32, #tpu.memory_space<vmem>>
        %dma_start3A_109 = arith.constant 0 : i32
        %dma_start3A_110 = arith.constant 0 : i32
        %dma_start3A_111 = tpu.memref_slice %arg10[%dma_start3A_109, %dma_start3A_110] : memref<10240x16xf32, #tpu.memory_space<vmem_shared>> -> memref<10240x16xf32, #tpu.memory_space<vmem_shared>>
        tpu.enqueue_indirect_dma source(%dma_start3A_111 : memref<10240x16xf32, #tpu.memory_space<vmem_shared>>) target(%arg7 : memref<128x16xf32, #tpu.memory_space<vmem>>) offsets(%dma_start3A_108 : memref<128xi32, #tpu.memory_space<vmem>>) semaphore(%arg12 : memref<!tpu.dma_semaphore, #tpu.memory_space<semaphore_mem>>)
      } else {
      }
      %dma_wait3A_96 = arith.constant 0 : i32
      %dma_wait3A_97 = tpu.memref_slice %arg5[%add3A_79, %dma_wait3A_96] : memref<80x128xi32, #tpu.memory_space<vmem>> -> memref<1x128xi32, #tpu.memory_space<vmem>>
      %dma_wait3A_98 = tpu.memref_squeeze %dma_wait3A_97 : memref<1x128xi32, #tpu.memory_space<vmem>> -> memref<128xi32, #tpu.memory_space<vmem>>
      %dma_wait3A_99 = arith.constant 0 : i32
      %dma_wait3A_100 = arith.constant 0 : i32
      %dma_wait3A_101 = tpu.memref_slice %arg10[%dma_wait3A_99, %dma_wait3A_100] : memref<10240x16xf32, #tpu.memory_space<vmem_shared>> -> memref<10240x16xf32, #tpu.memory_space<vmem_shared>>
      tpu.wait_indirect_dma semaphore(%arg13 : memref<!tpu.dma_semaphore, #tpu.memory_space<semaphore_mem>>) src(%dma_wait3A_101 : memref<10240x16xf32, #tpu.memory_space<vmem_shared>>) dst(%arg8 : memref<128x16xf32, #tpu.memory_space<vmem>>)
      %add3A_102 = arith.constant 1 : i32
      %add3A_103 = arith.addi %add3A_77, %add3A_102 : i32
      "tpu.region"() ({
        %run_scoped3A = tpu.sem_alloc : memref<!tpu.dma_semaphore, #tpu.memory_space<semaphore_mem>>
        %dma_start3A_104 = arith.constant 0 : i32
        %dma_start3A_105 = tpu.memref_slice %arg6[%add3A_103, %dma_start3A_104] : memref<80x128xi32, #tpu.memory_space<vmem>> -> memref<1x128xi32, #tpu.memory_space<vmem>>
        %dma_start3A_106 = tpu.memref_squeeze %dma_start3A_105 : memref<1x128xi32, #tpu.memory_space<vmem>> -> memref<128xi32, #tpu.memory_space<vmem>>
        %dma_start3A_107 = arith.constant 0 : i32
        %dma_start3A_108 = arith.constant 0 : i32
        %dma_start3A_109 = tpu.memref_slice %arg11[%dma_start3A_107, %dma_start3A_108] : memref<10240x16xf32, #tpu.memory_space<vmem_shared>> -> memref<10240x16xf32, #tpu.memory_space<vmem_shared>>
        tpu.enqueue_indirect_dma source(%arg8 : memref<128x16xf32, #tpu.memory_space<vmem>>) target(%dma_start3A_109 : memref<10240x16xf32, #tpu.memory_space<vmem_shared>>) offsets(%dma_start3A_106 : memref<128xi32, #tpu.memory_space<vmem>>) semaphore(%run_scoped3A : memref<!tpu.dma_semaphore, #tpu.memory_space<semaphore_mem>>) {add = true}
        %dma_wait3A_110 = arith.constant 0 : i32
        %dma_wait3A_111 = tpu.memref_slice %arg6[%add3A_103, %dma_wait3A_110] : memref<80x128xi32, #tpu.memory_space<vmem>> -> memref<1x128xi32, #tpu.memory_space<vmem>>
        %dma_wait3A_112 = tpu.memref_squeeze %dma_wait3A_111 : memref<1x128xi32, #tpu.memory_space<vmem>> -> memref<128xi32, #tpu.memory_space<vmem>>
        %dma_wait3A_113 = arith.constant 0 : i32
        %dma_wait3A_114 = arith.constant 0 : i32
        %dma_wait3A_115 = tpu.memref_slice %arg11[%dma_wait3A_113, %dma_wait3A_114] : memref<10240x16xf32, #tpu.memory_space<vmem_shared>> -> memref<10240x16xf32, #tpu.memory_space<vmem_shared>>
        tpu.wait_indirect_dma semaphore(%run_scoped3A : memref<!tpu.dma_semaphore, #tpu.memory_space<semaphore_mem>>) src(%arg8 : memref<128x16xf32, #tpu.memory_space<vmem>>) dst(%dma_wait3A_115 : memref<10240x16xf32, #tpu.memory_space<vmem_shared>>)
        tpu.yield
      }) : () -> ()
    }
    %scan3A_67 = arith.constant 40 : i32
    %barrier3A_68 = arith.constant 0 : index
    tpu.barrier barrier_id(%barrier3A_68)
    %mul3A_69 = arith.constant 640 : i32
    %mul3A_70 = arith.muli %arg1, %mul3A_69 : i32
    %mul3A_71 = arith.constant 640 : i32
    %mul3A_72 = arith.muli %arg1, %mul3A_71 : i32
    "tpu.region"() ({
      %run_scoped3A = tpu.sem_alloc : memref<!tpu.dma_semaphore, #tpu.memory_space<semaphore_mem>>
      %dma_start3A_73 = arith.constant 0 : i32
      %dma_start3A_74 = tpu.memref_slice %arg4[%arg0, %mul3A_72, %dma_start3A_73] : memref<2x10240x16xf32, #tpu.memory_space<hbm>> -> memref<1x640x16xf32, #tpu.memory_space<hbm>>
      %dma_start3A_75 = tpu.memref_squeeze %dma_start3A_74 : memref<1x640x16xf32, #tpu.memory_space<hbm>> -> memref<640x16xf32, #tpu.memory_space<hbm>>
      %dma_start3A_76 = arith.constant 0 : i32
      %dma_start3A_77 = tpu.memref_slice %arg11[%mul3A_70, %dma_start3A_76] : memref<10240x16xf32, #tpu.memory_space<vmem_shared>> -> memref<640x16xf32, #tpu.memory_space<vmem_shared>>
      tpu.enqueue_dma source(%dma_start3A_77 : memref<640x16xf32, #tpu.memory_space<vmem_shared>>) target(%dma_start3A_75 : memref<640x16xf32, #tpu.memory_space<hbm>>) target_semaphore(%run_scoped3A : memref<!tpu.dma_semaphore, #tpu.memory_space<semaphore_mem>>)
      %dma_wait3A_78 = arith.constant 0 : i32
      %dma_wait3A_79 = tpu.memref_slice %arg4[%arg0, %mul3A_72, %dma_wait3A_78] : memref<2x10240x16xf32, #tpu.memory_space<hbm>> -> memref<1x640x16xf32, #tpu.memory_space<hbm>>
      %dma_wait3A_80 = tpu.memref_squeeze %dma_wait3A_79 : memref<1x640x16xf32, #tpu.memory_space<hbm>> -> memref<640x16xf32, #tpu.memory_space<hbm>>
      %dma_wait3A_81 = arith.constant 0 : i32
      %dma_wait3A_82 = tpu.memref_slice %arg11[%mul3A_70, %dma_wait3A_81] : memref<10240x16xf32, #tpu.memory_space<vmem_shared>> -> memref<640x16xf32, #tpu.memory_space<vmem_shared>>
      tpu.wait_dma2 semaphore(%run_scoped3A : memref<!tpu.dma_semaphore, #tpu.memory_space<semaphore_mem>>) src(%dma_wait3A_82 : memref<640x16xf32, #tpu.memory_space<vmem_shared>>) dst(%dma_wait3A_80 : memref<640x16xf32, #tpu.memory_space<hbm>>)
      tpu.yield
    }) : () -> ()
    return
  }
}

module attributes {stable_mosaic.version = 14 : i64} {
  func.func @body(%arg0: i32, %arg1: memref<1024x128xf32, #tpu.memory_space<vmem>>, %arg2: memref<1024x128xf32, #tpu.memory_space<vmem>>, %arg3: memref<128x64xf32, #tpu.memory_space<vmem>>, %arg4: memref<2x128x128xf32, #tpu.memory_space<vmem>>, %arg5: memref<2x128x128xf32, #tpu.memory_space<vmem>>, %arg6: memref<1024x128xf32, #tpu.memory_space<vmem>>) attributes {dimension_semantics = [#tpu.dimension_semantics<arbitrary>], iteration_bounds = array<i64: 5>, scalar_prefetch = 0 : i64, scratch_operands = 0 : i64, tpu.core_type = #tpu.core_type<tc>, window_params = [{transform_indices = @transform_0, window_bounds = array<i64: 1024, 128>}, {transform_indices = @transform_1, window_bounds = array<i64: 1024, 128>}, {pipeline_mode = #tpu.pipeline_mode<synchronous>, transform_indices = @transform_2, window_bounds = array<i64: 128, 64>}, {transform_indices = @transform_3, window_bounds = array<i64: 2, 128, 128>}, {transform_indices = @transform_4, window_bounds = array<i64: 2, 128, 128>}, {transform_indices = @transform_5, window_bounds = array<i64: 1024, 128>}]} {
    %get3A = arith.constant 0 : index
    %get3A_0 = arith.constant 0 : index
    %get3A_1 = arith.constant 0 : index
    %get3A_2 = vector.load %arg4[%get3A, %get3A_0, %get3A_1] : memref<2x128x128xf32, #tpu.memory_space<vmem>>, vector<1x128x128xf32>
    %get3A_3 = vector.shape_cast %get3A_2 : vector<1x128x128xf32> to vector<128x128xf32>
    %get3A_4 = arith.constant 1 : index
    %get3A_5 = arith.constant 0 : index
    %get3A_6 = arith.constant 0 : index
    %get3A_7 = vector.load %arg4[%get3A_4, %get3A_5, %get3A_6] : memref<2x128x128xf32, #tpu.memory_space<vmem>>, vector<1x128x128xf32>
    %get3A_8 = vector.shape_cast %get3A_7 : vector<1x128x128xf32> to vector<128x128xf32>
    %add3A = arith.addf %get3A_3, %get3A_8 : vector<128x128xf32>
    %add3A_9 = arith.constant 1.000000e+00 : f32
    %add3A_10 = vector.broadcast %add3A_9 : f32 to vector<128x128xf32>
    %add3A_11 = arith.addf %add3A, %add3A_10 : vector<128x128xf32>
    %iota3A = tpu.iota {dimensions = array<i32: 0>} : vector<128x128xi32>
    %eq3A = arith.constant 0 : i32
    %eq3A_12 = vector.broadcast %eq3A : i32 to vector<128x128xi32>
    %eq3A_13 = arith.cmpi eq, %iota3A, %eq3A_12 : vector<128x128xi32>
    %iota3A_14 = tpu.iota {dimensions = array<i32: 1>} : vector<128x128xi32>
    %lt3A = arith.constant 16 : i32
    %lt3A_15 = vector.broadcast %lt3A : i32 to vector<128x128xi32>
    %lt3A_16 = arith.cmpi slt, %iota3A_14, %lt3A_15 : vector<128x128xi32>
    %and3A = arith.andi %eq3A_13, %lt3A_16 : vector<128x128xi1>
    %eq3A_17 = arith.constant 0 : i32
    %eq3A_18 = arith.cmpi eq, %arg0, %eq3A_17 : i32
    %and3A_19 = vector.broadcast %eq3A_18 : i1 to vector<128x128xi1>
    %and3A_20 = arith.andi %and3A, %and3A_19 : vector<128x128xi1>
    %jit3A = arith.constant 7.680000e+03 : f32
    %jit3A_21 = arith.constant 0.000000e+00 : f32
    %broadcast_in_dim3A = vector.broadcast %jit3A : f32 to vector<128x128xf32>
    %broadcast_in_dim3A_22 = vector.broadcast %jit3A_21 : f32 to vector<128x128xf32>
    %select_n3A = arith.select %and3A_20, %broadcast_in_dim3A, %broadcast_in_dim3A_22 : vector<128x128xi1>, vector<128x128xf32>
    %sub3A = arith.subf %add3A_11, %select_n3A : vector<128x128xf32>
    %iota3A_23 = tpu.iota {dimensions = array<i32: 0>} : vector<128x8xi32>
    %iota3A_24 = tpu.iota {dimensions = array<i32: 1>} : vector<128x8xi32>
    %mul3A = arith.constant 16 : i32
    %mul3A_25 = vector.broadcast %mul3A : i32 to vector<128x8xi32>
    %mul3A_26 = arith.muli %iota3A_24, %mul3A_25 : vector<128x8xi32>
    %eq3A_27 = arith.cmpi eq, %iota3A_23, %mul3A_26 : vector<128x8xi32>
    %convert_element_type3A = arith.extui %eq3A_27 : vector<128x8xi1> to vector<128x8xi32>
    %convert_element_type3A_28 = arith.sitofp %convert_element_type3A : vector<128x8xi32> to vector<128x8xf32>
    %dot_general3A = arith.constant dense<0.000000e+00> : vector<128x8xf32>
    %dot_general3A_29 = tpu.matmul %sub3A, %convert_element_type3A_28, %dot_general3A {dimension_numbers = #tpu.dot_dimension_numbers<[1], [0], [0], [1], [0, 0, 1, 1], [], []>, transpose_lhs_hint = false} : vector<128x128xf32>, vector<128x8xf32>, vector<128x8xf32> -> vector<128x8xf32>
    %rsqrt3A = math.rsqrt %dot_general3A_29 : vector<128x8xf32>
    %iota3A_30 = tpu.iota {dimensions = array<i32: 1>} : vector<1024x128xi32>
    %iota3A_31 = tpu.iota {dimensions = array<i32: 0>} : vector<1024x128xi32>
    %jit3A_32 = arith.constant 8 : i32
    %div3A = vector.broadcast %jit3A_32 : i32 to vector<1024x128xi32>
    %div3A_33 = arith.divsi %iota3A_31, %div3A : vector<1024x128xi32>
    %sign3A = arith.constant 0 : i32
    %sign3A_34 = vector.broadcast %sign3A : i32 to vector<1024x128xi32>
    %sign3A_35 = arith.cmpi sgt, %iota3A_31, %sign3A_34 : vector<1024x128xi32>
    %sign3A_36 = arith.extui %sign3A_35 : vector<1024x128xi1> to vector<1024x128xi32>
    %sign3A_37 = arith.constant 0 : i32
    %sign3A_38 = vector.broadcast %sign3A_37 : i32 to vector<1024x128xi32>
    %sign3A_39 = arith.cmpi slt, %iota3A_31, %sign3A_38 : vector<1024x128xi32>
    %sign3A_40 = arith.extui %sign3A_39 : vector<1024x128xi1> to vector<1024x128xi32>
    %sign3A_41 = arith.subi %sign3A_36, %sign3A_40 : vector<1024x128xi32>
    %sign3A_42 = arith.constant 0 : i32
    %sign3A_43 = arith.cmpi sgt, %jit3A_32, %sign3A_42 : i32
    %sign3A_44 = arith.extui %sign3A_43 : i1 to i32
    %sign3A_45 = arith.constant 0 : i32
    %sign3A_46 = arith.cmpi slt, %jit3A_32, %sign3A_45 : i32
    %sign3A_47 = arith.extui %sign3A_46 : i1 to i32
    %sign3A_48 = arith.subi %sign3A_44, %sign3A_47 : i32
    %ne3A = vector.broadcast %sign3A_48 : i32 to vector<1024x128xi32>
    %ne3A_49 = arith.cmpi ne, %sign3A_41, %ne3A : vector<1024x128xi32>
    %rem3A = vector.broadcast %jit3A_32 : i32 to vector<1024x128xi32>
    %rem3A_50 = arith.remsi %iota3A_31, %rem3A : vector<1024x128xi32>
    %ne3A_51 = arith.constant 0 : i32
    %ne3A_52 = vector.broadcast %ne3A_51 : i32 to vector<1024x128xi32>
    %ne3A_53 = arith.cmpi ne, %rem3A_50, %ne3A_52 : vector<1024x128xi32>
    %and3A_54 = arith.andi %ne3A_49, %ne3A_53 : vector<1024x128xi1>
    %sub3A_55 = arith.constant 1 : i32
    %sub3A_56 = vector.broadcast %sub3A_55 : i32 to vector<1024x128xi32>
    %sub3A_57 = arith.subi %div3A_33, %sub3A_56 : vector<1024x128xi32>
    %select_n3A_58 = arith.select %and3A_54, %sub3A_57, %div3A_33 : vector<1024x128xi1>, vector<1024x128xi32>
    %eq3A_59 = arith.cmpi eq, %iota3A_30, %select_n3A_58 : vector<1024x128xi32>
    %convert_element_type3A_60 = arith.extui %eq3A_59 : vector<1024x128xi1> to vector<1024x128xi32>
    %convert_element_type3A_61 = arith.sitofp %convert_element_type3A_60 : vector<1024x128xi32> to vector<1024x128xf32>
    %dot_general3A_62 = arith.constant dense<0.000000e+00> : vector<1024x8xf32>
    %dot_general3A_63 = tpu.matmul %convert_element_type3A_61, %rsqrt3A, %dot_general3A_62 {dimension_numbers = #tpu.dot_dimension_numbers<[1], [0], [0], [1], [0, 0, 1, 1], [], []>, transpose_lhs_hint = false} : vector<1024x128xf32>, vector<128x8xf32>, vector<1024x8xf32> -> vector<1024x8xf32>
    %iota3A_64 = tpu.iota {dimensions = array<i32: 1>} : vector<1024x8xi32>
    %iota3A_65 = tpu.iota {dimensions = array<i32: 0>} : vector<1024x8xi32>
    %jit3A_66 = arith.constant 8 : i32
    %eq3A_67 = arith.constant 0 : i32
    %eq3A_68 = arith.cmpi eq, %jit3A_66, %eq3A_67 : i32
    %jit3A_69 = arith.constant 1 : i32
    %select_n3A_70 = arith.select %eq3A_68, %jit3A_69, %jit3A_66 : i32
    %rem3A_71 = vector.broadcast %select_n3A_70 : i32 to vector<1024x8xi32>
    %rem3A_72 = arith.remsi %iota3A_65, %rem3A_71 : vector<1024x8xi32>
    %ne3A_73 = arith.constant 0 : i32
    %ne3A_74 = vector.broadcast %ne3A_73 : i32 to vector<1024x8xi32>
    %ne3A_75 = arith.cmpi ne, %rem3A_72, %ne3A_74 : vector<1024x8xi32>
    %lt3A_76 = arith.constant 0 : i32
    %lt3A_77 = vector.broadcast %lt3A_76 : i32 to vector<1024x8xi32>
    %lt3A_78 = arith.cmpi slt, %rem3A_72, %lt3A_77 : vector<1024x8xi32>
    %lt3A_79 = arith.constant 0 : i32
    %lt3A_80 = arith.cmpi slt, %select_n3A_70, %lt3A_79 : i32
    %ne3A_81 = vector.broadcast %lt3A_80 : i1 to vector<1024x8xi1>
    %ne3A_82 = vector.broadcast %ne3A_81 : vector<1024x8xi1> to vector<1024x8xi1>
    %ne3A_83 = arith.xori %lt3A_78, %ne3A_82 : vector<1024x8xi1>
    %and3A_84 = arith.andi %ne3A_83, %ne3A_75 : vector<1024x8xi1>
    %add3A_85 = vector.broadcast %select_n3A_70 : i32 to vector<1024x8xi32>
    %add3A_86 = arith.addi %rem3A_72, %add3A_85 : vector<1024x8xi32>
    %select_n3A_87 = arith.select %and3A_84, %add3A_86, %rem3A_72 : vector<1024x8xi1>, vector<1024x8xi32>
    %eq3A_88 = arith.cmpi eq, %iota3A_64, %select_n3A_87 : vector<1024x8xi32>
    %convert_element_type3A_89 = arith.extui %eq3A_88 : vector<1024x8xi1> to vector<1024x8xi32>
    %convert_element_type3A_90 = arith.sitofp %convert_element_type3A_89 : vector<1024x8xi32> to vector<1024x8xf32>
    %mul3A_91 = arith.mulf %dot_general3A_63, %convert_element_type3A_90 : vector<1024x8xf32>
    %broadcast_in_dim3A_92 = arith.constant 1.000000e+00 : f32
    %broadcast_in_dim3A_93 = vector.broadcast %broadcast_in_dim3A_92 : f32 to vector<8x64xf32>
    %dot_general3A_94 = arith.constant dense<0.000000e+00> : vector<1024x64xf32>
    %dot_general3A_95 = tpu.matmul %mul3A_91, %broadcast_in_dim3A_93, %dot_general3A_94 {dimension_numbers = #tpu.dot_dimension_numbers<[1], [0], [0], [1], [0, 0, 1, 1], [], []>, transpose_lhs_hint = false} : vector<1024x8xf32>, vector<8x64xf32>, vector<1024x64xf32> -> vector<1024x64xf32>
    %get3A_96 = arith.constant 0 : index
    %get3A_97 = arith.constant 0 : index
    %get3A_98 = arith.constant 0 : index
    %get3A_99 = vector.load %arg5[%get3A_96, %get3A_97, %get3A_98] : memref<2x128x128xf32, #tpu.memory_space<vmem>>, vector<1x128x128xf32>
    %get3A_100 = vector.shape_cast %get3A_99 : vector<1x128x128xf32> to vector<128x128xf32>
    %get3A_101 = arith.constant 1 : index
    %get3A_102 = arith.constant 0 : index
    %get3A_103 = arith.constant 0 : index
    %get3A_104 = vector.load %arg5[%get3A_101, %get3A_102, %get3A_103] : memref<2x128x128xf32, #tpu.memory_space<vmem>>, vector<1x128x128xf32>
    %get3A_105 = vector.shape_cast %get3A_104 : vector<1x128x128xf32> to vector<128x128xf32>
    %add3A_106 = arith.addf %get3A_100, %get3A_105 : vector<128x128xf32>
    %add3A_107 = arith.constant 1.000000e+00 : f32
    %add3A_108 = vector.broadcast %add3A_107 : f32 to vector<128x128xf32>
    %add3A_109 = arith.addf %add3A_106, %add3A_108 : vector<128x128xf32>
    %iota3A_110 = tpu.iota {dimensions = array<i32: 0>} : vector<128x128xi32>
    %eq3A_111 = arith.constant 0 : i32
    %eq3A_112 = vector.broadcast %eq3A_111 : i32 to vector<128x128xi32>
    %eq3A_113 = arith.cmpi eq, %iota3A_110, %eq3A_112 : vector<128x128xi32>
    %iota3A_114 = tpu.iota {dimensions = array<i32: 1>} : vector<128x128xi32>
    %lt3A_115 = arith.constant 16 : i32
    %lt3A_116 = vector.broadcast %lt3A_115 : i32 to vector<128x128xi32>
    %lt3A_117 = arith.cmpi slt, %iota3A_114, %lt3A_116 : vector<128x128xi32>
    %and3A_118 = arith.andi %eq3A_113, %lt3A_117 : vector<128x128xi1>
    %eq3A_119 = arith.constant 0 : i32
    %eq3A_120 = arith.cmpi eq, %arg0, %eq3A_119 : i32
    %and3A_121 = vector.broadcast %eq3A_120 : i1 to vector<128x128xi1>
    %and3A_122 = arith.andi %and3A_118, %and3A_121 : vector<128x128xi1>
    %jit3A_123 = arith.constant 0.000000e+00 : f32
    %jit3A_124 = arith.constant 0.000000e+00 : f32
    %broadcast_in_dim3A_125 = vector.broadcast %jit3A_123 : f32 to vector<128x128xf32>
    %broadcast_in_dim3A_126 = vector.broadcast %jit3A_124 : f32 to vector<128x128xf32>
    %select_n3A_127 = arith.select %and3A_122, %broadcast_in_dim3A_125, %broadcast_in_dim3A_126 : vector<128x128xi1>, vector<128x128xf32>
    %sub3A_128 = arith.subf %add3A_109, %select_n3A_127 : vector<128x128xf32>
    %iota3A_129 = tpu.iota {dimensions = array<i32: 0>} : vector<128x8xi32>
    %iota3A_130 = tpu.iota {dimensions = array<i32: 1>} : vector<128x8xi32>
    %mul3A_131 = arith.constant 16 : i32
    %mul3A_132 = vector.broadcast %mul3A_131 : i32 to vector<128x8xi32>
    %mul3A_133 = arith.muli %iota3A_130, %mul3A_132 : vector<128x8xi32>
    %eq3A_134 = arith.cmpi eq, %iota3A_129, %mul3A_133 : vector<128x8xi32>
    %convert_element_type3A_135 = arith.extui %eq3A_134 : vector<128x8xi1> to vector<128x8xi32>
    %convert_element_type3A_136 = arith.sitofp %convert_element_type3A_135 : vector<128x8xi32> to vector<128x8xf32>
    %dot_general3A_137 = arith.constant dense<0.000000e+00> : vector<128x8xf32>
    %dot_general3A_138 = tpu.matmul %sub3A_128, %convert_element_type3A_136, %dot_general3A_137 {dimension_numbers = #tpu.dot_dimension_numbers<[1], [0], [0], [1], [0, 0, 1, 1], [], []>, transpose_lhs_hint = false} : vector<128x128xf32>, vector<128x8xf32>, vector<128x8xf32> -> vector<128x8xf32>
    %rsqrt3A_139 = math.rsqrt %dot_general3A_138 : vector<128x8xf32>
    %iota3A_140 = tpu.iota {dimensions = array<i32: 1>} : vector<1024x128xi32>
    %iota3A_141 = tpu.iota {dimensions = array<i32: 0>} : vector<1024x128xi32>
    %jit3A_142 = arith.constant 8 : i32
    %div3A_143 = vector.broadcast %jit3A_142 : i32 to vector<1024x128xi32>
    %div3A_144 = arith.divsi %iota3A_141, %div3A_143 : vector<1024x128xi32>
    %sign3A_145 = arith.constant 0 : i32
    %sign3A_146 = vector.broadcast %sign3A_145 : i32 to vector<1024x128xi32>
    %sign3A_147 = arith.cmpi sgt, %iota3A_141, %sign3A_146 : vector<1024x128xi32>
    %sign3A_148 = arith.extui %sign3A_147 : vector<1024x128xi1> to vector<1024x128xi32>
    %sign3A_149 = arith.constant 0 : i32
    %sign3A_150 = vector.broadcast %sign3A_149 : i32 to vector<1024x128xi32>
    %sign3A_151 = arith.cmpi slt, %iota3A_141, %sign3A_150 : vector<1024x128xi32>
    %sign3A_152 = arith.extui %sign3A_151 : vector<1024x128xi1> to vector<1024x128xi32>
    %sign3A_153 = arith.subi %sign3A_148, %sign3A_152 : vector<1024x128xi32>
    %sign3A_154 = arith.constant 0 : i32
    %sign3A_155 = arith.cmpi sgt, %jit3A_142, %sign3A_154 : i32
    %sign3A_156 = arith.extui %sign3A_155 : i1 to i32
    %sign3A_157 = arith.constant 0 : i32
    %sign3A_158 = arith.cmpi slt, %jit3A_142, %sign3A_157 : i32
    %sign3A_159 = arith.extui %sign3A_158 : i1 to i32
    %sign3A_160 = arith.subi %sign3A_156, %sign3A_159 : i32
    %ne3A_161 = vector.broadcast %sign3A_160 : i32 to vector<1024x128xi32>
    %ne3A_162 = arith.cmpi ne, %sign3A_153, %ne3A_161 : vector<1024x128xi32>
    %rem3A_163 = vector.broadcast %jit3A_142 : i32 to vector<1024x128xi32>
    %rem3A_164 = arith.remsi %iota3A_141, %rem3A_163 : vector<1024x128xi32>
    %ne3A_165 = arith.constant 0 : i32
    %ne3A_166 = vector.broadcast %ne3A_165 : i32 to vector<1024x128xi32>
    %ne3A_167 = arith.cmpi ne, %rem3A_164, %ne3A_166 : vector<1024x128xi32>
    %and3A_168 = arith.andi %ne3A_162, %ne3A_167 : vector<1024x128xi1>
    %sub3A_169 = arith.constant 1 : i32
    %sub3A_170 = vector.broadcast %sub3A_169 : i32 to vector<1024x128xi32>
    %sub3A_171 = arith.subi %div3A_144, %sub3A_170 : vector<1024x128xi32>
    %select_n3A_172 = arith.select %and3A_168, %sub3A_171, %div3A_144 : vector<1024x128xi1>, vector<1024x128xi32>
    %eq3A_173 = arith.cmpi eq, %iota3A_140, %select_n3A_172 : vector<1024x128xi32>
    %convert_element_type3A_174 = arith.extui %eq3A_173 : vector<1024x128xi1> to vector<1024x128xi32>
    %convert_element_type3A_175 = arith.sitofp %convert_element_type3A_174 : vector<1024x128xi32> to vector<1024x128xf32>
    %dot_general3A_176 = arith.constant dense<0.000000e+00> : vector<1024x8xf32>
    %dot_general3A_177 = tpu.matmul %convert_element_type3A_175, %rsqrt3A_139, %dot_general3A_176 {dimension_numbers = #tpu.dot_dimension_numbers<[1], [0], [0], [1], [0, 0, 1, 1], [], []>, transpose_lhs_hint = false} : vector<1024x128xf32>, vector<128x8xf32>, vector<1024x8xf32> -> vector<1024x8xf32>
    %iota3A_178 = tpu.iota {dimensions = array<i32: 1>} : vector<1024x8xi32>
    %iota3A_179 = tpu.iota {dimensions = array<i32: 0>} : vector<1024x8xi32>
    %jit3A_180 = arith.constant 8 : i32
    %eq3A_181 = arith.constant 0 : i32
    %eq3A_182 = arith.cmpi eq, %jit3A_180, %eq3A_181 : i32
    %jit3A_183 = arith.constant 1 : i32
    %select_n3A_184 = arith.select %eq3A_182, %jit3A_183, %jit3A_180 : i32
    %rem3A_185 = vector.broadcast %select_n3A_184 : i32 to vector<1024x8xi32>
    %rem3A_186 = arith.remsi %iota3A_179, %rem3A_185 : vector<1024x8xi32>
    %ne3A_187 = arith.constant 0 : i32
    %ne3A_188 = vector.broadcast %ne3A_187 : i32 to vector<1024x8xi32>
    %ne3A_189 = arith.cmpi ne, %rem3A_186, %ne3A_188 : vector<1024x8xi32>
    %lt3A_190 = arith.constant 0 : i32
    %lt3A_191 = vector.broadcast %lt3A_190 : i32 to vector<1024x8xi32>
    %lt3A_192 = arith.cmpi slt, %rem3A_186, %lt3A_191 : vector<1024x8xi32>
    %lt3A_193 = arith.constant 0 : i32
    %lt3A_194 = arith.cmpi slt, %select_n3A_184, %lt3A_193 : i32
    %ne3A_195 = vector.broadcast %lt3A_194 : i1 to vector<1024x8xi1>
    %ne3A_196 = vector.broadcast %ne3A_195 : vector<1024x8xi1> to vector<1024x8xi1>
    %ne3A_197 = arith.xori %lt3A_192, %ne3A_196 : vector<1024x8xi1>
    %and3A_198 = arith.andi %ne3A_197, %ne3A_189 : vector<1024x8xi1>
    %add3A_199 = vector.broadcast %select_n3A_184 : i32 to vector<1024x8xi32>
    %add3A_200 = arith.addi %rem3A_186, %add3A_199 : vector<1024x8xi32>
    %select_n3A_201 = arith.select %and3A_198, %add3A_200, %rem3A_186 : vector<1024x8xi1>, vector<1024x8xi32>
    %eq3A_202 = arith.cmpi eq, %iota3A_178, %select_n3A_201 : vector<1024x8xi32>
    %convert_element_type3A_203 = arith.extui %eq3A_202 : vector<1024x8xi1> to vector<1024x8xi32>
    %convert_element_type3A_204 = arith.sitofp %convert_element_type3A_203 : vector<1024x8xi32> to vector<1024x8xf32>
    %mul3A_205 = arith.mulf %dot_general3A_177, %convert_element_type3A_204 : vector<1024x8xf32>
    %broadcast_in_dim3A_206 = arith.constant 1.000000e+00 : f32
    %broadcast_in_dim3A_207 = vector.broadcast %broadcast_in_dim3A_206 : f32 to vector<8x64xf32>
    %dot_general3A_208 = arith.constant dense<0.000000e+00> : vector<1024x64xf32>
    %dot_general3A_209 = tpu.matmul %mul3A_205, %broadcast_in_dim3A_207, %dot_general3A_208 {dimension_numbers = #tpu.dot_dimension_numbers<[1], [0], [0], [1], [0, 0, 1, 1], [], []>, transpose_lhs_hint = false} : vector<1024x8xf32>, vector<8x64xf32>, vector<1024x64xf32> -> vector<1024x64xf32>
    %get3A_210 = arith.constant 0 : index
    %get3A_211 = arith.constant 0 : index
    %get3A_212 = vector.load %arg1[%get3A_210, %get3A_211] : memref<1024x128xf32, #tpu.memory_space<vmem>>, vector<1024x128xf32>
    %get3A_213 = arith.constant 0 : index
    %get3A_214 = arith.constant 0 : index
    %get3A_215 = vector.load %arg3[%get3A_213, %get3A_214] : memref<128x64xf32, #tpu.memory_space<vmem>>, vector<128x64xf32>
    %dot_general3A_216 = arith.constant dense<0.000000e+00> : vector<1024x64xf32>
    %dot_general3A_217 = tpu.matmul %get3A_212, %get3A_215, %dot_general3A_216 {dimension_numbers = #tpu.dot_dimension_numbers<[1], [0], [0], [1], [0, 0, 1, 1], [], []>, transpose_lhs_hint = false} : vector<1024x128xf32>, vector<128x64xf32>, vector<1024x64xf32> -> vector<1024x64xf32>
    %mul3A_218 = arith.mulf %dot_general3A_217, %dot_general3A_95 : vector<1024x64xf32>
    %get3A_219 = arith.constant 0 : index
    %get3A_220 = arith.constant 0 : index
    %get3A_221 = vector.load %arg2[%get3A_219, %get3A_220] : memref<1024x128xf32, #tpu.memory_space<vmem>>, vector<1024x128xf32>
    %get3A_222 = arith.constant 0 : index
    %get3A_223 = arith.constant 0 : index
    %get3A_224 = vector.load %arg3[%get3A_222, %get3A_223] : memref<128x64xf32, #tpu.memory_space<vmem>>, vector<128x64xf32>
    %dot_general3A_225 = arith.constant dense<0.000000e+00> : vector<1024x64xf32>
    %dot_general3A_226 = tpu.matmul %get3A_221, %get3A_224, %dot_general3A_225 {dimension_numbers = #tpu.dot_dimension_numbers<[1], [0], [0], [1], [0, 0, 1, 1], [], []>, transpose_lhs_hint = false} : vector<1024x128xf32>, vector<128x64xf32>, vector<1024x64xf32> -> vector<1024x64xf32>
    %mul3A_227 = arith.mulf %dot_general3A_226, %dot_general3A_209 : vector<1024x64xf32>
    %concatenate3A = tpu.concatenate %mul3A_218, %mul3A_227 in 1 : vector<1024x64xf32>, vector<1024x64xf32> -> vector<1024x128xf32>
    %swap3A = arith.constant 0 : index
    %swap3A_228 = arith.constant 0 : index
    %swap3A_229 = vector.load %arg6[%swap3A, %swap3A_228] : memref<1024x128xf32, #tpu.memory_space<vmem>>, vector<1024x128xf32>
    tpu.vector_store %arg6[%swap3A, %swap3A_228], %concatenate3A {strides = array<i32>} : memref<1024x128xf32, #tpu.memory_space<vmem>>, vector<1024x128xf32>,
    return
  }
  func.func @transform_0(%arg0: i32) -> (i32, i32) {
    %c0_i32 = arith.constant 0 : i32
    %c0_i32_0 = arith.constant 0 : i32
    return %arg0, %c0_i32 : i32, i32
  }
  func.func @transform_1(%arg0: i32) -> (i32, i32) {
    %add3A = arith.constant 5 : i32
    %add3A_0 = arith.addi %arg0, %add3A : i32
    %c0_i32 = arith.constant 0 : i32
    %c0_i32_1 = arith.constant 0 : i32
    return %add3A_0, %c0_i32 : i32, i32
  }
  func.func @transform_2(%arg0: i32) -> (i32, i32) {
    %c0_i32 = arith.constant 0 : i32
    %c0_i32_0 = arith.constant 0 : i32
    %c0_i32_1 = arith.constant 0 : i32
    return %c0_i32, %c0_i32_0 : i32, i32
  }
  func.func @transform_3(%arg0: i32) -> (i32, i32, i32) {
    %c0_i32 = arith.constant 0 : i32
    %c0_i32_0 = arith.constant 0 : i32
    %c0_i32_1 = arith.constant 0 : i32
    return %c0_i32, %arg0, %c0_i32_0 : i32, i32, i32
  }
  func.func @transform_4(%arg0: i32) -> (i32, i32, i32) {
    %add3A = arith.constant 5 : i32
    %add3A_0 = arith.addi %arg0, %add3A : i32
    %c0_i32 = arith.constant 0 : i32
    %c0_i32_1 = arith.constant 0 : i32
    %c0_i32_2 = arith.constant 0 : i32
    return %c0_i32, %add3A_0, %c0_i32_1 : i32, i32, i32
  }
  func.func @transform_5(%arg0: i32) -> (i32, i32) {
    %c0_i32 = arith.constant 0 : i32
    %c0_i32_0 = arith.constant 0 : i32
    return %arg0, %c0_i32 : i32, i32
  }
}

module attributes {stable_mosaic.version = 14 : i64} {
  func.func @body(%arg0: i32, %arg1: memref<2x1024x128xf32, #tpu.memory_space<vmem>>, %arg2: memref<1024x128xf32, #tpu.memory_space<vmem>>, %arg3: memref<2x128x128xf32, #tpu.memory_space<vmem>>, %arg4: memref<2x128x128xf32, #tpu.memory_space<vmem>>, %arg5: memref<64xf32, #tpu.memory_space<vmem>>, %arg6: memref<64x1xf32, #tpu.memory_space<vmem>>, %arg7: memref<2x128x128xf32, #tpu.memory_space<vmem>>) attributes {dimension_semantics = [#tpu.dimension_semantics<arbitrary>], iteration_bounds = array<i64: 5>, scalar_prefetch = 0 : i64, scratch_operands = 0 : i64, tpu.core_type = #tpu.core_type<tc>, window_params = [{transform_indices = @transform_0, window_bounds = array<i64: 2, 1024, 128>}, {transform_indices = @transform_1, window_bounds = array<i64: 1024, 128>}, {transform_indices = @transform_2, window_bounds = array<i64: 2, 128, 128>}, {transform_indices = @transform_3, window_bounds = array<i64: 2, 128, 128>}, {pipeline_mode = #tpu.pipeline_mode<synchronous>, transform_indices = @transform_4, window_bounds = array<i64: 64>}, {pipeline_mode = #tpu.pipeline_mode<synchronous>, transform_indices = @transform_5, window_bounds = array<i64: 64, 1>}, {transform_indices = @transform_6, window_bounds = array<i64: 2, 128, 128>}]} {
    %get3A = arith.constant 0 : index
    %get3A_0 = arith.constant 0 : index
    %get3A_1 = arith.constant 0 : index
    %get3A_2 = vector.load %arg3[%get3A, %get3A_0, %get3A_1] : memref<2x128x128xf32, #tpu.memory_space<vmem>>, vector<1x128x128xf32>
    %get3A_3 = vector.shape_cast %get3A_2 : vector<1x128x128xf32> to vector<128x128xf32>
    %get3A_4 = arith.constant 1 : index
    %get3A_5 = arith.constant 0 : index
    %get3A_6 = arith.constant 0 : index
    %get3A_7 = vector.load %arg3[%get3A_4, %get3A_5, %get3A_6] : memref<2x128x128xf32, #tpu.memory_space<vmem>>, vector<1x128x128xf32>
    %get3A_8 = vector.shape_cast %get3A_7 : vector<1x128x128xf32> to vector<128x128xf32>
    %add3A = arith.addf %get3A_3, %get3A_8 : vector<128x128xf32>
    %add3A_9 = arith.constant 1.000000e+00 : f32
    %add3A_10 = vector.broadcast %add3A_9 : f32 to vector<128x128xf32>
    %add3A_11 = arith.addf %add3A, %add3A_10 : vector<128x128xf32>
    %iota3A = tpu.iota {dimensions = array<i32: 0>} : vector<128x128xi32>
    %eq3A = arith.constant 0 : i32
    %eq3A_12 = vector.broadcast %eq3A : i32 to vector<128x128xi32>
    %eq3A_13 = arith.cmpi eq, %iota3A, %eq3A_12 : vector<128x128xi32>
    %iota3A_14 = tpu.iota {dimensions = array<i32: 1>} : vector<128x128xi32>
    %lt3A = arith.constant 16 : i32
    %lt3A_15 = vector.broadcast %lt3A : i32 to vector<128x128xi32>
    %lt3A_16 = arith.cmpi slt, %iota3A_14, %lt3A_15 : vector<128x128xi32>
    %and3A = arith.andi %eq3A_13, %lt3A_16 : vector<128x128xi1>
    %eq3A_17 = arith.constant 0 : i32
    %eq3A_18 = arith.cmpi eq, %arg0, %eq3A_17 : i32
    %and3A_19 = vector.broadcast %eq3A_18 : i1 to vector<128x128xi1>
    %and3A_20 = arith.andi %and3A, %and3A_19 : vector<128x128xi1>
    %jit3A = arith.constant 7.680000e+03 : f32
    %jit3A_21 = arith.constant 0.000000e+00 : f32
    %broadcast_in_dim3A = vector.broadcast %jit3A : f32 to vector<128x128xf32>
    %broadcast_in_dim3A_22 = vector.broadcast %jit3A_21 : f32 to vector<128x128xf32>
    %select_n3A = arith.select %and3A_20, %broadcast_in_dim3A, %broadcast_in_dim3A_22 : vector<128x128xi1>, vector<128x128xf32>
    %sub3A = arith.subf %add3A_11, %select_n3A : vector<128x128xf32>
    %iota3A_23 = tpu.iota {dimensions = array<i32: 0>} : vector<128x8xi32>
    %iota3A_24 = tpu.iota {dimensions = array<i32: 1>} : vector<128x8xi32>
    %mul3A = arith.constant 16 : i32
    %mul3A_25 = vector.broadcast %mul3A : i32 to vector<128x8xi32>
    %mul3A_26 = arith.muli %iota3A_24, %mul3A_25 : vector<128x8xi32>
    %eq3A_27 = arith.cmpi eq, %iota3A_23, %mul3A_26 : vector<128x8xi32>
    %convert_element_type3A = arith.extui %eq3A_27 : vector<128x8xi1> to vector<128x8xi32>
    %convert_element_type3A_28 = arith.sitofp %convert_element_type3A : vector<128x8xi32> to vector<128x8xf32>
    %dot_general3A = arith.constant dense<0.000000e+00> : vector<128x8xf32>
    %dot_general3A_29 = tpu.matmul %sub3A, %convert_element_type3A_28, %dot_general3A {dimension_numbers = #tpu.dot_dimension_numbers<[1], [0], [0], [1], [0, 0, 1, 1], [], []>, transpose_lhs_hint = false} : vector<128x128xf32>, vector<128x8xf32>, vector<128x8xf32> -> vector<128x8xf32>
    %rsqrt3A = math.rsqrt %dot_general3A_29 : vector<128x8xf32>
    %iota3A_30 = tpu.iota {dimensions = array<i32: 1>} : vector<1024x128xi32>
    %iota3A_31 = tpu.iota {dimensions = array<i32: 0>} : vector<1024x128xi32>
    %jit3A_32 = arith.constant 8 : i32
    %div3A = vector.broadcast %jit3A_32 : i32 to vector<1024x128xi32>
    %div3A_33 = arith.divsi %iota3A_31, %div3A : vector<1024x128xi32>
    %sign3A = arith.constant 0 : i32
    %sign3A_34 = vector.broadcast %sign3A : i32 to vector<1024x128xi32>
    %sign3A_35 = arith.cmpi sgt, %iota3A_31, %sign3A_34 : vector<1024x128xi32>
    %sign3A_36 = arith.extui %sign3A_35 : vector<1024x128xi1> to vector<1024x128xi32>
    %sign3A_37 = arith.constant 0 : i32
    %sign3A_38 = vector.broadcast %sign3A_37 : i32 to vector<1024x128xi32>
    %sign3A_39 = arith.cmpi slt, %iota3A_31, %sign3A_38 : vector<1024x128xi32>
    %sign3A_40 = arith.extui %sign3A_39 : vector<1024x128xi1> to vector<1024x128xi32>
    %sign3A_41 = arith.subi %sign3A_36, %sign3A_40 : vector<1024x128xi32>
    %sign3A_42 = arith.constant 0 : i32
    %sign3A_43 = arith.cmpi sgt, %jit3A_32, %sign3A_42 : i32
    %sign3A_44 = arith.extui %sign3A_43 : i1 to i32
    %sign3A_45 = arith.constant 0 : i32
    %sign3A_46 = arith.cmpi slt, %jit3A_32, %sign3A_45 : i32
    %sign3A_47 = arith.extui %sign3A_46 : i1 to i32
    %sign3A_48 = arith.subi %sign3A_44, %sign3A_47 : i32
    %ne3A = vector.broadcast %sign3A_48 : i32 to vector<1024x128xi32>
    %ne3A_49 = arith.cmpi ne, %sign3A_41, %ne3A : vector<1024x128xi32>
    %rem3A = vector.broadcast %jit3A_32 : i32 to vector<1024x128xi32>
    %rem3A_50 = arith.remsi %iota3A_31, %rem3A : vector<1024x128xi32>
    %ne3A_51 = arith.constant 0 : i32
    %ne3A_52 = vector.broadcast %ne3A_51 : i32 to vector<1024x128xi32>
    %ne3A_53 = arith.cmpi ne, %rem3A_50, %ne3A_52 : vector<1024x128xi32>
    %and3A_54 = arith.andi %ne3A_49, %ne3A_53 : vector<1024x128xi1>
    %sub3A_55 = arith.constant 1 : i32
    %sub3A_56 = vector.broadcast %sub3A_55 : i32 to vector<1024x128xi32>
    %sub3A_57 = arith.subi %div3A_33, %sub3A_56 : vector<1024x128xi32>
    %select_n3A_58 = arith.select %and3A_54, %sub3A_57, %div3A_33 : vector<1024x128xi1>, vector<1024x128xi32>
    %eq3A_59 = arith.cmpi eq, %iota3A_30, %select_n3A_58 : vector<1024x128xi32>
    %convert_element_type3A_60 = arith.extui %eq3A_59 : vector<1024x128xi1> to vector<1024x128xi32>
    %convert_element_type3A_61 = arith.sitofp %convert_element_type3A_60 : vector<1024x128xi32> to vector<1024x128xf32>
    %dot_general3A_62 = arith.constant dense<0.000000e+00> : vector<1024x8xf32>
    %dot_general3A_63 = tpu.matmul %convert_element_type3A_61, %rsqrt3A, %dot_general3A_62 {dimension_numbers = #tpu.dot_dimension_numbers<[1], [0], [0], [1], [0, 0, 1, 1], [], []>, transpose_lhs_hint = false} : vector<1024x128xf32>, vector<128x8xf32>, vector<1024x8xf32> -> vector<1024x8xf32>
    %iota3A_64 = tpu.iota {dimensions = array<i32: 1>} : vector<1024x8xi32>
    %iota3A_65 = tpu.iota {dimensions = array<i32: 0>} : vector<1024x8xi32>
    %jit3A_66 = arith.constant 8 : i32
    %eq3A_67 = arith.constant 0 : i32
    %eq3A_68 = arith.cmpi eq, %jit3A_66, %eq3A_67 : i32
    %jit3A_69 = arith.constant 1 : i32
    %select_n3A_70 = arith.select %eq3A_68, %jit3A_69, %jit3A_66 : i32
    %rem3A_71 = vector.broadcast %select_n3A_70 : i32 to vector<1024x8xi32>
    %rem3A_72 = arith.remsi %iota3A_65, %rem3A_71 : vector<1024x8xi32>
    %ne3A_73 = arith.constant 0 : i32
    %ne3A_74 = vector.broadcast %ne3A_73 : i32 to vector<1024x8xi32>
    %ne3A_75 = arith.cmpi ne, %rem3A_72, %ne3A_74 : vector<1024x8xi32>
    %lt3A_76 = arith.constant 0 : i32
    %lt3A_77 = vector.broadcast %lt3A_76 : i32 to vector<1024x8xi32>
    %lt3A_78 = arith.cmpi slt, %rem3A_72, %lt3A_77 : vector<1024x8xi32>
    %lt3A_79 = arith.constant 0 : i32
    %lt3A_80 = arith.cmpi slt, %select_n3A_70, %lt3A_79 : i32
    %ne3A_81 = vector.broadcast %lt3A_80 : i1 to vector<1024x8xi1>
    %ne3A_82 = vector.broadcast %ne3A_81 : vector<1024x8xi1> to vector<1024x8xi1>
    %ne3A_83 = arith.xori %lt3A_78, %ne3A_82 : vector<1024x8xi1>
    %and3A_84 = arith.andi %ne3A_83, %ne3A_75 : vector<1024x8xi1>
    %add3A_85 = vector.broadcast %select_n3A_70 : i32 to vector<1024x8xi32>
    %add3A_86 = arith.addi %rem3A_72, %add3A_85 : vector<1024x8xi32>
    %select_n3A_87 = arith.select %and3A_84, %add3A_86, %rem3A_72 : vector<1024x8xi1>, vector<1024x8xi32>
    %eq3A_88 = arith.cmpi eq, %iota3A_64, %select_n3A_87 : vector<1024x8xi32>
    %convert_element_type3A_89 = arith.extui %eq3A_88 : vector<1024x8xi1> to vector<1024x8xi32>
    %convert_element_type3A_90 = arith.sitofp %convert_element_type3A_89 : vector<1024x8xi32> to vector<1024x8xf32>
    %mul3A_91 = arith.mulf %dot_general3A_63, %convert_element_type3A_90 : vector<1024x8xf32>
    %broadcast_in_dim3A_92 = arith.constant 1.000000e+00 : f32
    %broadcast_in_dim3A_93 = vector.broadcast %broadcast_in_dim3A_92 : f32 to vector<8x64xf32>
    %dot_general3A_94 = arith.constant dense<0.000000e+00> : vector<1024x64xf32>
    %dot_general3A_95 = tpu.matmul %mul3A_91, %broadcast_in_dim3A_93, %dot_general3A_94 {dimension_numbers = #tpu.dot_dimension_numbers<[1], [0], [0], [1], [0, 0, 1, 1], [], []>, transpose_lhs_hint = false} : vector<1024x8xf32>, vector<8x64xf32>, vector<1024x64xf32> -> vector<1024x64xf32>
    %get3A_96 = arith.constant 0 : index
    %get3A_97 = arith.constant 0 : index
    %get3A_98 = arith.constant 0 : index
    %get3A_99 = vector.load %arg4[%get3A_96, %get3A_97, %get3A_98] : memref<2x128x128xf32, #tpu.memory_space<vmem>>, vector<1x128x128xf32>
    %get3A_100 = vector.shape_cast %get3A_99 : vector<1x128x128xf32> to vector<128x128xf32>
    %get3A_101 = arith.constant 1 : index
    %get3A_102 = arith.constant 0 : index
    %get3A_103 = arith.constant 0 : index
    %get3A_104 = vector.load %arg4[%get3A_101, %get3A_102, %get3A_103] : memref<2x128x128xf32, #tpu.memory_space<vmem>>, vector<1x128x128xf32>
    %get3A_105 = vector.shape_cast %get3A_104 : vector<1x128x128xf32> to vector<128x128xf32>
    %add3A_106 = arith.addf %get3A_100, %get3A_105 : vector<128x128xf32>
    %add3A_107 = arith.constant 1.000000e+00 : f32
    %add3A_108 = vector.broadcast %add3A_107 : f32 to vector<128x128xf32>
    %add3A_109 = arith.addf %add3A_106, %add3A_108 : vector<128x128xf32>
    %iota3A_110 = tpu.iota {dimensions = array<i32: 0>} : vector<128x128xi32>
    %eq3A_111 = arith.constant 0 : i32
    %eq3A_112 = vector.broadcast %eq3A_111 : i32 to vector<128x128xi32>
    %eq3A_113 = arith.cmpi eq, %iota3A_110, %eq3A_112 : vector<128x128xi32>
    %iota3A_114 = tpu.iota {dimensions = array<i32: 1>} : vector<128x128xi32>
    %lt3A_115 = arith.constant 16 : i32
    %lt3A_116 = vector.broadcast %lt3A_115 : i32 to vector<128x128xi32>
    %lt3A_117 = arith.cmpi slt, %iota3A_114, %lt3A_116 : vector<128x128xi32>
    %and3A_118 = arith.andi %eq3A_113, %lt3A_117 : vector<128x128xi1>
    %eq3A_119 = arith.constant 0 : i32
    %eq3A_120 = arith.cmpi eq, %arg0, %eq3A_119 : i32
    %and3A_121 = vector.broadcast %eq3A_120 : i1 to vector<128x128xi1>
    %and3A_122 = arith.andi %and3A_118, %and3A_121 : vector<128x128xi1>
    %jit3A_123 = arith.constant 0.000000e+00 : f32
    %jit3A_124 = arith.constant 0.000000e+00 : f32
    %broadcast_in_dim3A_125 = vector.broadcast %jit3A_123 : f32 to vector<128x128xf32>
    %broadcast_in_dim3A_126 = vector.broadcast %jit3A_124 : f32 to vector<128x128xf32>
    %select_n3A_127 = arith.select %and3A_122, %broadcast_in_dim3A_125, %broadcast_in_dim3A_126 : vector<128x128xi1>, vector<128x128xf32>
    %sub3A_128 = arith.subf %add3A_109, %select_n3A_127 : vector<128x128xf32>
    %iota3A_129 = tpu.iota {dimensions = array<i32: 0>} : vector<128x8xi32>
    %iota3A_130 = tpu.iota {dimensions = array<i32: 1>} : vector<128x8xi32>
    %mul3A_131 = arith.constant 16 : i32
    %mul3A_132 = vector.broadcast %mul3A_131 : i32 to vector<128x8xi32>
    %mul3A_133 = arith.muli %iota3A_130, %mul3A_132 : vector<128x8xi32>
    %eq3A_134 = arith.cmpi eq, %iota3A_129, %mul3A_133 : vector<128x8xi32>
    %convert_element_type3A_135 = arith.extui %eq3A_134 : vector<128x8xi1> to vector<128x8xi32>
    %convert_element_type3A_136 = arith.sitofp %convert_element_type3A_135 : vector<128x8xi32> to vector<128x8xf32>
    %dot_general3A_137 = arith.constant dense<0.000000e+00> : vector<128x8xf32>
    %dot_general3A_138 = tpu.matmul %sub3A_128, %convert_element_type3A_136, %dot_general3A_137 {dimension_numbers = #tpu.dot_dimension_numbers<[1], [0], [0], [1], [0, 0, 1, 1], [], []>, transpose_lhs_hint = false} : vector<128x128xf32>, vector<128x8xf32>, vector<128x8xf32> -> vector<128x8xf32>
    %rsqrt3A_139 = math.rsqrt %dot_general3A_138 : vector<128x8xf32>
    %iota3A_140 = tpu.iota {dimensions = array<i32: 1>} : vector<1024x128xi32>
    %iota3A_141 = tpu.iota {dimensions = array<i32: 0>} : vector<1024x128xi32>
    %jit3A_142 = arith.constant 8 : i32
    %div3A_143 = vector.broadcast %jit3A_142 : i32 to vector<1024x128xi32>
    %div3A_144 = arith.divsi %iota3A_141, %div3A_143 : vector<1024x128xi32>
    %sign3A_145 = arith.constant 0 : i32
    %sign3A_146 = vector.broadcast %sign3A_145 : i32 to vector<1024x128xi32>
    %sign3A_147 = arith.cmpi sgt, %iota3A_141, %sign3A_146 : vector<1024x128xi32>
    %sign3A_148 = arith.extui %sign3A_147 : vector<1024x128xi1> to vector<1024x128xi32>
    %sign3A_149 = arith.constant 0 : i32
    %sign3A_150 = vector.broadcast %sign3A_149 : i32 to vector<1024x128xi32>
    %sign3A_151 = arith.cmpi slt, %iota3A_141, %sign3A_150 : vector<1024x128xi32>
    %sign3A_152 = arith.extui %sign3A_151 : vector<1024x128xi1> to vector<1024x128xi32>
    %sign3A_153 = arith.subi %sign3A_148, %sign3A_152 : vector<1024x128xi32>
    %sign3A_154 = arith.constant 0 : i32
    %sign3A_155 = arith.cmpi sgt, %jit3A_142, %sign3A_154 : i32
    %sign3A_156 = arith.extui %sign3A_155 : i1 to i32
    %sign3A_157 = arith.constant 0 : i32
    %sign3A_158 = arith.cmpi slt, %jit3A_142, %sign3A_157 : i32
    %sign3A_159 = arith.extui %sign3A_158 : i1 to i32
    %sign3A_160 = arith.subi %sign3A_156, %sign3A_159 : i32
    %ne3A_161 = vector.broadcast %sign3A_160 : i32 to vector<1024x128xi32>
    %ne3A_162 = arith.cmpi ne, %sign3A_153, %ne3A_161 : vector<1024x128xi32>
    %rem3A_163 = vector.broadcast %jit3A_142 : i32 to vector<1024x128xi32>
    %rem3A_164 = arith.remsi %iota3A_141, %rem3A_163 : vector<1024x128xi32>
    %ne3A_165 = arith.constant 0 : i32
    %ne3A_166 = vector.broadcast %ne3A_165 : i32 to vector<1024x128xi32>
    %ne3A_167 = arith.cmpi ne, %rem3A_164, %ne3A_166 : vector<1024x128xi32>
    %and3A_168 = arith.andi %ne3A_162, %ne3A_167 : vector<1024x128xi1>
    %sub3A_169 = arith.constant 1 : i32
    %sub3A_170 = vector.broadcast %sub3A_169 : i32 to vector<1024x128xi32>
    %sub3A_171 = arith.subi %div3A_144, %sub3A_170 : vector<1024x128xi32>
    %select_n3A_172 = arith.select %and3A_168, %sub3A_171, %div3A_144 : vector<1024x128xi1>, vector<1024x128xi32>
    %eq3A_173 = arith.cmpi eq, %iota3A_140, %select_n3A_172 : vector<1024x128xi32>
    %convert_element_type3A_174 = arith.extui %eq3A_173 : vector<1024x128xi1> to vector<1024x128xi32>
    %convert_element_type3A_175 = arith.sitofp %convert_element_type3A_174 : vector<1024x128xi32> to vector<1024x128xf32>
    %dot_general3A_176 = arith.constant dense<0.000000e+00> : vector<1024x8xf32>
    %dot_general3A_177 = tpu.matmul %convert_element_type3A_175, %rsqrt3A_139, %dot_general3A_176 {dimension_numbers = #tpu.dot_dimension_numbers<[1], [0], [0], [1], [0, 0, 1, 1], [], []>, transpose_lhs_hint = false} : vector<1024x128xf32>, vector<128x8xf32>, vector<1024x8xf32> -> vector<1024x8xf32>
    %iota3A_178 = tpu.iota {dimensions = array<i32: 1>} : vector<1024x8xi32>
    %iota3A_179 = tpu.iota {dimensions = array<i32: 0>} : vector<1024x8xi32>
    %jit3A_180 = arith.constant 8 : i32
    %eq3A_181 = arith.constant 0 : i32
    %eq3A_182 = arith.cmpi eq, %jit3A_180, %eq3A_181 : i32
    %jit3A_183 = arith.constant 1 : i32
    %select_n3A_184 = arith.select %eq3A_182, %jit3A_183, %jit3A_180 : i32
    %rem3A_185 = vector.broadcast %select_n3A_184 : i32 to vector<1024x8xi32>
    %rem3A_186 = arith.remsi %iota3A_179, %rem3A_185 : vector<1024x8xi32>
    %ne3A_187 = arith.constant 0 : i32
    %ne3A_188 = vector.broadcast %ne3A_187 : i32 to vector<1024x8xi32>
    %ne3A_189 = arith.cmpi ne, %rem3A_186, %ne3A_188 : vector<1024x8xi32>
    %lt3A_190 = arith.constant 0 : i32
    %lt3A_191 = vector.broadcast %lt3A_190 : i32 to vector<1024x8xi32>
    %lt3A_192 = arith.cmpi slt, %rem3A_186, %lt3A_191 : vector<1024x8xi32>
    %lt3A_193 = arith.constant 0 : i32
    %lt3A_194 = arith.cmpi slt, %select_n3A_184, %lt3A_193 : i32
    %ne3A_195 = vector.broadcast %lt3A_194 : i1 to vector<1024x8xi1>
    %ne3A_196 = vector.broadcast %ne3A_195 : vector<1024x8xi1> to vector<1024x8xi1>
    %ne3A_197 = arith.xori %lt3A_192, %ne3A_196 : vector<1024x8xi1>
    %and3A_198 = arith.andi %ne3A_197, %ne3A_189 : vector<1024x8xi1>
    %add3A_199 = vector.broadcast %select_n3A_184 : i32 to vector<1024x8xi32>
    %add3A_200 = arith.addi %rem3A_186, %add3A_199 : vector<1024x8xi32>
    %select_n3A_201 = arith.select %and3A_198, %add3A_200, %rem3A_186 : vector<1024x8xi1>, vector<1024x8xi32>
    %eq3A_202 = arith.cmpi eq, %iota3A_178, %select_n3A_201 : vector<1024x8xi32>
    %convert_element_type3A_203 = arith.extui %eq3A_202 : vector<1024x8xi1> to vector<1024x8xi32>
    %convert_element_type3A_204 = arith.sitofp %convert_element_type3A_203 : vector<1024x8xi32> to vector<1024x8xf32>
    %mul3A_205 = arith.mulf %dot_general3A_177, %convert_element_type3A_204 : vector<1024x8xf32>
    %broadcast_in_dim3A_206 = arith.constant 1.000000e+00 : f32
    %broadcast_in_dim3A_207 = vector.broadcast %broadcast_in_dim3A_206 : f32 to vector<8x64xf32>
    %dot_general3A_208 = arith.constant dense<0.000000e+00> : vector<1024x64xf32>
    %dot_general3A_209 = tpu.matmul %mul3A_205, %broadcast_in_dim3A_207, %dot_general3A_208 {dimension_numbers = #tpu.dot_dimension_numbers<[1], [0], [0], [1], [0, 0, 1, 1], [], []>, transpose_lhs_hint = false} : vector<1024x8xf32>, vector<8x64xf32>, vector<1024x64xf32> -> vector<1024x64xf32>
    %iota3A_210 = tpu.iota {dimensions = array<i32: 0>} : vector<1024x1xi32>
    %eq3A_211 = arith.constant 0 : i32
    %eq3A_212 = vector.broadcast %eq3A_211 : i32 to vector<1024x1xi32>
    %eq3A_213 = arith.cmpi eq, %iota3A_210, %eq3A_212 : vector<1024x1xi32>
    %eq3A_214 = arith.constant 0 : i32
    %eq3A_215 = arith.cmpi eq, %arg0, %eq3A_214 : i32
    %and3A_216 = vector.broadcast %eq3A_215 : i1 to vector<1024x1xi1>
    %and3A_217 = arith.andi %eq3A_213, %and3A_216 : vector<1024x1xi1>
    %jit3A_218 = arith.constant 7.680000e+03 : f32
    %jit3A_219 = arith.constant 0.000000e+00 : f32
    %broadcast_in_dim3A_220 = vector.broadcast %jit3A_218 : f32 to vector<1024x1xf32>
    %broadcast_in_dim3A_221 = vector.broadcast %jit3A_219 : f32 to vector<1024x1xf32>
    %select_n3A_222 = arith.select %and3A_217, %broadcast_in_dim3A_220, %broadcast_in_dim3A_221 : vector<1024x1xi1>, vector<1024x1xf32>
    %sub3A_223 = arith.constant 1.000000e+00 : f32
    %sub3A_224 = vector.broadcast %sub3A_223 : f32 to vector<1024x1xf32>
    %sub3A_225 = arith.subf %sub3A_224, %select_n3A_222 : vector<1024x1xf32>
    %get3A_226 = arith.constant 0 : index
    %get3A_227 = arith.constant 0 : index
    %get3A_228 = arith.constant 0 : index
    %get3A_229 = vector.load %arg1[%get3A_226, %get3A_227, %get3A_228] : memref<2x1024x128xf32, #tpu.memory_space<vmem>>, vector<1x1024x128xf32>
    %get3A_230 = vector.shape_cast %get3A_229 : vector<1x1024x128xf32> to vector<1024x128xf32>
    %get3A_231 = arith.constant 1 : index
    %get3A_232 = arith.constant 0 : index
    %get3A_233 = arith.constant 0 : index
    %get3A_234 = vector.load %arg1[%get3A_231, %get3A_232, %get3A_233] : memref<2x1024x128xf32, #tpu.memory_space<vmem>>, vector<1x1024x128xf32>
    %get3A_235 = vector.shape_cast %get3A_234 : vector<1x1024x128xf32> to vector<1024x128xf32>
    %add3A_236 = arith.addf %get3A_230, %get3A_235 : vector<1024x128xf32>
    %get3A_237 = arith.constant 0 : index
    %get3A_238 = arith.constant 0 : index
    %get3A_239 = vector.load %arg6[%get3A_237, %get3A_238] : memref<64x1xf32, #tpu.memory_space<vmem>>, vector<64x1xf32>
    %broadcast_in_dim3A_240 = vector.shape_cast %get3A_239 : vector<64x1xf32> to vector<64x1xf32>
    %broadcast_in_dim3A_241 = vector.broadcast %broadcast_in_dim3A_240 : vector<64x1xf32> to vector<64x16xf32>
    %slice3A = vector.extract_strided_slice %add3A_236 {offsets = [0, 0], sizes = [1024, 64], strides = [1, 1]} : vector<1024x128xf32> to vector<1024x64xf32>
    %get3A_242 = arith.constant 0 : index
    %get3A_243 = arith.constant 0 : index
    %get3A_244 = vector.load %arg2[%get3A_242, %get3A_243] : memref<1024x128xf32, #tpu.memory_space<vmem>>, vector<1024x64xf32>
    %mul3A_245 = vector.broadcast %sub3A_225 : vector<1024x1xf32> to vector<1024x64xf32>
    %mul3A_246 = arith.mulf %get3A_244, %mul3A_245 : vector<1024x64xf32>
    %add3A_247 = arith.addf %slice3A, %mul3A_246 : vector<1024x64xf32>
    %mul3A_248 = arith.mulf %dot_general3A_95, %add3A_247 : vector<1024x64xf32>
    %get3A_249 = arith.constant 0 : index
    %get3A_250 = vector.load %arg5[%get3A_249] : memref<64xf32, #tpu.memory_space<vmem>>, vector<64xf32>
    %broadcast_in_dim3A_251 = vector.shape_cast %get3A_250 : vector<64xf32> to vector<1x64xf32>
    %add3A_252 = vector.broadcast %broadcast_in_dim3A_251 : vector<1x64xf32> to vector<1024x64xf32>
    %add3A_253 = arith.addf %mul3A_248, %add3A_252 : vector<1024x64xf32>
    %max3A = arith.constant 0.000000e+00 : f32
    %max3A_254 = vector.broadcast %max3A : f32 to vector<1024x64xf32>
    %max3A_255 = arith.maximumf %add3A_253, %max3A_254 : vector<1024x64xf32>
    %slice3A_256 = vector.extract_strided_slice %add3A_236 {offsets = [0, 64], sizes = [1024, 64], strides = [1, 1]} : vector<1024x128xf32> to vector<1024x64xf32>
    %get3A_257 = arith.constant 0 : index
    %get3A_258 = arith.constant 64 : index
    %get3A_259 = vector.load %arg2[%get3A_257, %get3A_258] : memref<1024x128xf32, #tpu.memory_space<vmem>>, vector<1024x64xf32>
    %add3A_260 = arith.addf %slice3A_256, %get3A_259 : vector<1024x64xf32>
    %mul3A_261 = arith.mulf %dot_general3A_209, %add3A_260 : vector<1024x64xf32>
    %get3A_262 = arith.constant 0 : index
    %get3A_263 = vector.load %arg5[%get3A_262] : memref<64xf32, #tpu.memory_space<vmem>>, vector<64xf32>
    %broadcast_in_dim3A_264 = vector.shape_cast %get3A_263 : vector<64xf32> to vector<1x64xf32>
    %add3A_265 = vector.broadcast %broadcast_in_dim3A_264 : vector<1x64xf32> to vector<1024x64xf32>
    %add3A_266 = arith.addf %mul3A_261, %add3A_265 : vector<1024x64xf32>
    %max3A_267 = arith.constant 0.000000e+00 : f32
    %max3A_268 = vector.broadcast %max3A_267 : f32 to vector<1024x64xf32>
    %max3A_269 = arith.maximumf %add3A_266, %max3A_268 : vector<1024x64xf32>
    %slice3A_270 = vector.extract_strided_slice %dot_general3A_95 {offsets = [0, 0], sizes = [1024, 16], strides = [1, 1]} : vector<1024x64xf32> to vector<1024x16xf32>
    %dot_general3A_271 = arith.constant dense<0.000000e+00> : vector<1024x16xf32>
    %dot_general3A_272 = tpu.matmul %max3A_255, %broadcast_in_dim3A_241, %dot_general3A_271 {dimension_numbers = #tpu.dot_dimension_numbers<[1], [0], [0], [1], [0, 0, 1, 1], [], []>, transpose_lhs_hint = false} : vector<1024x64xf32>, vector<64x16xf32>, vector<1024x16xf32> -> vector<1024x16xf32>
    %mul3A_273 = arith.mulf %slice3A_270, %dot_general3A_272 : vector<1024x16xf32>
    %slice3A_274 = vector.extract_strided_slice %dot_general3A_209 {offsets = [0, 0], sizes = [1024, 16], strides = [1, 1]} : vector<1024x64xf32> to vector<1024x16xf32>
    %dot_general3A_275 = arith.constant dense<0.000000e+00> : vector<1024x16xf32>
    %dot_general3A_276 = tpu.matmul %max3A_269, %broadcast_in_dim3A_241, %dot_general3A_275 {dimension_numbers = #tpu.dot_dimension_numbers<[1], [0], [0], [1], [0, 0, 1, 1], [], []>, transpose_lhs_hint = false} : vector<1024x64xf32>, vector<64x16xf32>, vector<1024x16xf32> -> vector<1024x16xf32>
    %mul3A_277 = arith.mulf %slice3A_274, %dot_general3A_276 : vector<1024x16xf32>
    %broadcast_in_dim3A_278 = arith.constant 6.250000e-02 : f32
    %broadcast_in_dim3A_279 = vector.broadcast %broadcast_in_dim3A_278 : f32 to vector<16x128xf32>
    %dot_general3A_280 = arith.constant dense<0.000000e+00> : vector<1024x128xf32>
    %dot_general3A_281 = tpu.matmul %mul3A_273, %broadcast_in_dim3A_279, %dot_general3A_280 {dimension_numbers = #tpu.dot_dimension_numbers<[1], [0], [0], [1], [0, 0, 1, 1], [], []>, transpose_lhs_hint = false} : vector<1024x16xf32>, vector<16x128xf32>, vector<1024x128xf32> -> vector<1024x128xf32>
    %iota3A_282 = tpu.iota {dimensions = array<i32: 1>} : vector<1024x128xi32>
    %jit3A_283 = arith.constant 16 : i32
    %div3A_284 = vector.broadcast %jit3A_283 : i32 to vector<1024x128xi32>
    %div3A_285 = arith.divsi %iota3A_282, %div3A_284 : vector<1024x128xi32>
    %sign3A_286 = arith.constant 0 : i32
    %sign3A_287 = vector.broadcast %sign3A_286 : i32 to vector<1024x128xi32>
    %sign3A_288 = arith.cmpi sgt, %iota3A_282, %sign3A_287 : vector<1024x128xi32>
    %sign3A_289 = arith.extui %sign3A_288 : vector<1024x128xi1> to vector<1024x128xi32>
    %sign3A_290 = arith.constant 0 : i32
    %sign3A_291 = vector.broadcast %sign3A_290 : i32 to vector<1024x128xi32>
    %sign3A_292 = arith.cmpi slt, %iota3A_282, %sign3A_291 : vector<1024x128xi32>
    %sign3A_293 = arith.extui %sign3A_292 : vector<1024x128xi1> to vector<1024x128xi32>
    %sign3A_294 = arith.subi %sign3A_289, %sign3A_293 : vector<1024x128xi32>
    %sign3A_295 = arith.constant 0 : i32
    %sign3A_296 = arith.cmpi sgt, %jit3A_283, %sign3A_295 : i32
    %sign3A_297 = arith.extui %sign3A_296 : i1 to i32
    %sign3A_298 = arith.constant 0 : i32
    %sign3A_299 = arith.cmpi slt, %jit3A_283, %sign3A_298 : i32
    %sign3A_300 = arith.extui %sign3A_299 : i1 to i32
    %sign3A_301 = arith.subi %sign3A_297, %sign3A_300 : i32
    %ne3A_302 = vector.broadcast %sign3A_301 : i32 to vector<1024x128xi32>
    %ne3A_303 = arith.cmpi ne, %sign3A_294, %ne3A_302 : vector<1024x128xi32>
    %rem3A_304 = vector.broadcast %jit3A_283 : i32 to vector<1024x128xi32>
    %rem3A_305 = arith.remsi %iota3A_282, %rem3A_304 : vector<1024x128xi32>
    %ne3A_306 = arith.constant 0 : i32
    %ne3A_307 = vector.broadcast %ne3A_306 : i32 to vector<1024x128xi32>
    %ne3A_308 = arith.cmpi ne, %rem3A_305, %ne3A_307 : vector<1024x128xi32>
    %and3A_309 = arith.andi %ne3A_303, %ne3A_308 : vector<1024x128xi1>
    %sub3A_310 = arith.constant 1 : i32
    %sub3A_311 = vector.broadcast %sub3A_310 : i32 to vector<1024x128xi32>
    %sub3A_312 = arith.subi %div3A_285, %sub3A_311 : vector<1024x128xi32>
    %select_n3A_313 = arith.select %and3A_309, %sub3A_312, %div3A_285 : vector<1024x128xi1>, vector<1024x128xi32>
    %iota3A_314 = tpu.iota {dimensions = array<i32: 0>} : vector<1024x128xi32>
    %jit3A_315 = arith.constant 8 : i32
    %eq3A_316 = arith.constant 0 : i32
    %eq3A_317 = arith.cmpi eq, %jit3A_315, %eq3A_316 : i32
    %jit3A_318 = arith.constant 1 : i32
    %select_n3A_319 = arith.select %eq3A_317, %jit3A_318, %jit3A_315 : i32
    %rem3A_320 = vector.broadcast %select_n3A_319 : i32 to vector<1024x128xi32>
    %rem3A_321 = arith.remsi %iota3A_314, %rem3A_320 : vector<1024x128xi32>
    %ne3A_322 = arith.constant 0 : i32
    %ne3A_323 = vector.broadcast %ne3A_322 : i32 to vector<1024x128xi32>
    %ne3A_324 = arith.cmpi ne, %rem3A_321, %ne3A_323 : vector<1024x128xi32>
    %lt3A_325 = arith.constant 0 : i32
    %lt3A_326 = vector.broadcast %lt3A_325 : i32 to vector<1024x128xi32>
    %lt3A_327 = arith.cmpi slt, %rem3A_321, %lt3A_326 : vector<1024x128xi32>
    %lt3A_328 = arith.constant 0 : i32
    %lt3A_329 = arith.cmpi slt, %select_n3A_319, %lt3A_328 : i32
    %ne3A_330 = vector.broadcast %lt3A_329 : i1 to vector<1024x128xi1>
    %ne3A_331 = vector.broadcast %ne3A_330 : vector<1024x128xi1> to vector<1024x128xi1>
    %ne3A_332 = arith.xori %lt3A_327, %ne3A_331 : vector<1024x128xi1>
    %and3A_333 = arith.andi %ne3A_332, %ne3A_324 : vector<1024x128xi1>
    %add3A_334 = vector.broadcast %select_n3A_319 : i32 to vector<1024x128xi32>
    %add3A_335 = arith.addi %rem3A_321, %add3A_334 : vector<1024x128xi32>
    %select_n3A_336 = arith.select %and3A_333, %add3A_335, %rem3A_321 : vector<1024x128xi1>, vector<1024x128xi32>
    %eq3A_337 = arith.cmpi eq, %select_n3A_313, %select_n3A_336 : vector<1024x128xi32>
    %convert_element_type3A_338 = arith.extui %eq3A_337 : vector<1024x128xi1> to vector<1024x128xi32>
    %convert_element_type3A_339 = arith.sitofp %convert_element_type3A_338 : vector<1024x128xi32> to vector<1024x128xf32>
    %iota3A_340 = tpu.iota {dimensions = array<i32: 0>} : vector<128x1024xi32>
    %iota3A_341 = tpu.iota {dimensions = array<i32: 1>} : vector<128x1024xi32>
    %jit3A_342 = arith.constant 8 : i32
    %div3A_343 = vector.broadcast %jit3A_342 : i32 to vector<128x1024xi32>
    %div3A_344 = arith.divsi %iota3A_341, %div3A_343 : vector<128x1024xi32>
    %sign3A_345 = arith.constant 0 : i32
    %sign3A_346 = vector.broadcast %sign3A_345 : i32 to vector<128x1024xi32>
    %sign3A_347 = arith.cmpi sgt, %iota3A_341, %sign3A_346 : vector<128x1024xi32>
    %sign3A_348 = arith.extui %sign3A_347 : vector<128x1024xi1> to vector<128x1024xi32>
    %sign3A_349 = arith.constant 0 : i32
    %sign3A_350 = vector.broadcast %sign3A_349 : i32 to vector<128x1024xi32>
    %sign3A_351 = arith.cmpi slt, %iota3A_341, %sign3A_350 : vector<128x1024xi32>
    %sign3A_352 = arith.extui %sign3A_351 : vector<128x1024xi1> to vector<128x1024xi32>
    %sign3A_353 = arith.subi %sign3A_348, %sign3A_352 : vector<128x1024xi32>
    %sign3A_354 = arith.constant 0 : i32
    %sign3A_355 = arith.cmpi sgt, %jit3A_342, %sign3A_354 : i32
    %sign3A_356 = arith.extui %sign3A_355 : i1 to i32
    %sign3A_357 = arith.constant 0 : i32
    %sign3A_358 = arith.cmpi slt, %jit3A_342, %sign3A_357 : i32
    %sign3A_359 = arith.extui %sign3A_358 : i1 to i32
    %sign3A_360 = arith.subi %sign3A_356, %sign3A_359 : i32
    %ne3A_361 = vector.broadcast %sign3A_360 : i32 to vector<128x1024xi32>
    %ne3A_362 = arith.cmpi ne, %sign3A_353, %ne3A_361 : vector<128x1024xi32>
    %rem3A_363 = vector.broadcast %jit3A_342 : i32 to vector<128x1024xi32>
    %rem3A_364 = arith.remsi %iota3A_341, %rem3A_363 : vector<128x1024xi32>
    %ne3A_365 = arith.constant 0 : i32
    %ne3A_366 = vector.broadcast %ne3A_365 : i32 to vector<128x1024xi32>
    %ne3A_367 = arith.cmpi ne, %rem3A_364, %ne3A_366 : vector<128x1024xi32>
    %and3A_368 = arith.andi %ne3A_362, %ne3A_367 : vector<128x1024xi1>
    %sub3A_369 = arith.constant 1 : i32
    %sub3A_370 = vector.broadcast %sub3A_369 : i32 to vector<128x1024xi32>
    %sub3A_371 = arith.subi %div3A_344, %sub3A_370 : vector<128x1024xi32>
    %select_n3A_372 = arith.select %and3A_368, %sub3A_371, %div3A_344 : vector<128x1024xi1>, vector<128x1024xi32>
    %eq3A_373 = arith.cmpi eq, %iota3A_340, %select_n3A_372 : vector<128x1024xi32>
    %convert_element_type3A_374 = arith.extui %eq3A_373 : vector<128x1024xi1> to vector<128x1024xi32>
    %convert_element_type3A_375 = arith.sitofp %convert_element_type3A_374 : vector<128x1024xi32> to vector<128x1024xf32>
    %mul3A_376 = arith.mulf %dot_general3A_281, %convert_element_type3A_339 : vector<1024x128xf32>
    %dot_general3A_377 = arith.constant dense<0.000000e+00> : vector<128x128xf32>
    %dot_general3A_378 = tpu.matmul %convert_element_type3A_375, %mul3A_376, %dot_general3A_377 {dimension_numbers = #tpu.dot_dimension_numbers<[1], [0], [0], [1], [0, 0, 1, 1], [], []>, transpose_lhs_hint = false} : vector<128x1024xf32>, vector<1024x128xf32>, vector<128x128xf32> -> vector<128x128xf32>
    %broadcast_in_dim3A_379 = arith.constant 6.250000e-02 : f32
    %broadcast_in_dim3A_380 = vector.broadcast %broadcast_in_dim3A_379 : f32 to vector<16x128xf32>
    %dot_general3A_381 = arith.constant dense<0.000000e+00> : vector<1024x128xf32>
    %dot_general3A_382 = tpu.matmul %mul3A_277, %broadcast_in_dim3A_380, %dot_general3A_381 {dimension_numbers = #tpu.dot_dimension_numbers<[1], [0], [0], [1], [0, 0, 1, 1], [], []>, transpose_lhs_hint = false} : vector<1024x16xf32>, vector<16x128xf32>, vector<1024x128xf32> -> vector<1024x128xf32>
    %iota3A_383 = tpu.iota {dimensions = array<i32: 1>} : vector<1024x128xi32>
    %jit3A_384 = arith.constant 16 : i32
    %div3A_385 = vector.broadcast %jit3A_384 : i32 to vector<1024x128xi32>
    %div3A_386 = arith.divsi %iota3A_383, %div3A_385 : vector<1024x128xi32>
    %sign3A_387 = arith.constant 0 : i32
    %sign3A_388 = vector.broadcast %sign3A_387 : i32 to vector<1024x128xi32>
    %sign3A_389 = arith.cmpi sgt, %iota3A_383, %sign3A_388 : vector<1024x128xi32>
    %sign3A_390 = arith.extui %sign3A_389 : vector<1024x128xi1> to vector<1024x128xi32>
    %sign3A_391 = arith.constant 0 : i32
    %sign3A_392 = vector.broadcast %sign3A_391 : i32 to vector<1024x128xi32>
    %sign3A_393 = arith.cmpi slt, %iota3A_383, %sign3A_392 : vector<1024x128xi32>
    %sign3A_394 = arith.extui %sign3A_393 : vector<1024x128xi1> to vector<1024x128xi32>
    %sign3A_395 = arith.subi %sign3A_390, %sign3A_394 : vector<1024x128xi32>
    %sign3A_396 = arith.constant 0 : i32
    %sign3A_397 = arith.cmpi sgt, %jit3A_384, %sign3A_396 : i32
    %sign3A_398 = arith.extui %sign3A_397 : i1 to i32
    %sign3A_399 = arith.constant 0 : i32
    %sign3A_400 = arith.cmpi slt, %jit3A_384, %sign3A_399 : i32
    %sign3A_401 = arith.extui %sign3A_400 : i1 to i32
    %sign3A_402 = arith.subi %sign3A_398, %sign3A_401 : i32
    %ne3A_403 = vector.broadcast %sign3A_402 : i32 to vector<1024x128xi32>
    %ne3A_404 = arith.cmpi ne, %sign3A_395, %ne3A_403 : vector<1024x128xi32>
    %rem3A_405 = vector.broadcast %jit3A_384 : i32 to vector<1024x128xi32>
    %rem3A_406 = arith.remsi %iota3A_383, %rem3A_405 : vector<1024x128xi32>
    %ne3A_407 = arith.constant 0 : i32
    %ne3A_408 = vector.broadcast %ne3A_407 : i32 to vector<1024x128xi32>
    %ne3A_409 = arith.cmpi ne, %rem3A_406, %ne3A_408 : vector<1024x128xi32>
    %and3A_410 = arith.andi %ne3A_404, %ne3A_409 : vector<1024x128xi1>
    %sub3A_411 = arith.constant 1 : i32
    %sub3A_412 = vector.broadcast %sub3A_411 : i32 to vector<1024x128xi32>
    %sub3A_413 = arith.subi %div3A_386, %sub3A_412 : vector<1024x128xi32>
    %select_n3A_414 = arith.select %and3A_410, %sub3A_413, %div3A_386 : vector<1024x128xi1>, vector<1024x128xi32>
    %iota3A_415 = tpu.iota {dimensions = array<i32: 0>} : vector<1024x128xi32>
    %jit3A_416 = arith.constant 8 : i32
    %eq3A_417 = arith.constant 0 : i32
    %eq3A_418 = arith.cmpi eq, %jit3A_416, %eq3A_417 : i32
    %jit3A_419 = arith.constant 1 : i32
    %select_n3A_420 = arith.select %eq3A_418, %jit3A_419, %jit3A_416 : i32
    %rem3A_421 = vector.broadcast %select_n3A_420 : i32 to vector<1024x128xi32>
    %rem3A_422 = arith.remsi %iota3A_415, %rem3A_421 : vector<1024x128xi32>
    %ne3A_423 = arith.constant 0 : i32
    %ne3A_424 = vector.broadcast %ne3A_423 : i32 to vector<1024x128xi32>
    %ne3A_425 = arith.cmpi ne, %rem3A_422, %ne3A_424 : vector<1024x128xi32>
    %lt3A_426 = arith.constant 0 : i32
    %lt3A_427 = vector.broadcast %lt3A_426 : i32 to vector<1024x128xi32>
    %lt3A_428 = arith.cmpi slt, %rem3A_422, %lt3A_427 : vector<1024x128xi32>
    %lt3A_429 = arith.constant 0 : i32
    %lt3A_430 = arith.cmpi slt, %select_n3A_420, %lt3A_429 : i32
    %ne3A_431 = vector.broadcast %lt3A_430 : i1 to vector<1024x128xi1>
    %ne3A_432 = vector.broadcast %ne3A_431 : vector<1024x128xi1> to vector<1024x128xi1>
    %ne3A_433 = arith.xori %lt3A_428, %ne3A_432 : vector<1024x128xi1>
    %and3A_434 = arith.andi %ne3A_433, %ne3A_425 : vector<1024x128xi1>
    %add3A_435 = vector.broadcast %select_n3A_420 : i32 to vector<1024x128xi32>
    %add3A_436 = arith.addi %rem3A_422, %add3A_435 : vector<1024x128xi32>
    %select_n3A_437 = arith.select %and3A_434, %add3A_436, %rem3A_422 : vector<1024x128xi1>, vector<1024x128xi32>
    %eq3A_438 = arith.cmpi eq, %select_n3A_414, %select_n3A_437 : vector<1024x128xi32>
    %convert_element_type3A_439 = arith.extui %eq3A_438 : vector<1024x128xi1> to vector<1024x128xi32>
    %convert_element_type3A_440 = arith.sitofp %convert_element_type3A_439 : vector<1024x128xi32> to vector<1024x128xf32>
    %iota3A_441 = tpu.iota {dimensions = array<i32: 0>} : vector<128x1024xi32>
    %iota3A_442 = tpu.iota {dimensions = array<i32: 1>} : vector<128x1024xi32>
    %jit3A_443 = arith.constant 8 : i32
    %div3A_444 = vector.broadcast %jit3A_443 : i32 to vector<128x1024xi32>
    %div3A_445 = arith.divsi %iota3A_442, %div3A_444 : vector<128x1024xi32>
    %sign3A_446 = arith.constant 0 : i32
    %sign3A_447 = vector.broadcast %sign3A_446 : i32 to vector<128x1024xi32>
    %sign3A_448 = arith.cmpi sgt, %iota3A_442, %sign3A_447 : vector<128x1024xi32>
    %sign3A_449 = arith.extui %sign3A_448 : vector<128x1024xi1> to vector<128x1024xi32>
    %sign3A_450 = arith.constant 0 : i32
    %sign3A_451 = vector.broadcast %sign3A_450 : i32 to vector<128x1024xi32>
    %sign3A_452 = arith.cmpi slt, %iota3A_442, %sign3A_451 : vector<128x1024xi32>
    %sign3A_453 = arith.extui %sign3A_452 : vector<128x1024xi1> to vector<128x1024xi32>
    %sign3A_454 = arith.subi %sign3A_449, %sign3A_453 : vector<128x1024xi32>
    %sign3A_455 = arith.constant 0 : i32
    %sign3A_456 = arith.cmpi sgt, %jit3A_443, %sign3A_455 : i32
    %sign3A_457 = arith.extui %sign3A_456 : i1 to i32
    %sign3A_458 = arith.constant 0 : i32
    %sign3A_459 = arith.cmpi slt, %jit3A_443, %sign3A_458 : i32
    %sign3A_460 = arith.extui %sign3A_459 : i1 to i32
    %sign3A_461 = arith.subi %sign3A_457, %sign3A_460 : i32
    %ne3A_462 = vector.broadcast %sign3A_461 : i32 to vector<128x1024xi32>
    %ne3A_463 = arith.cmpi ne, %sign3A_454, %ne3A_462 : vector<128x1024xi32>
    %rem3A_464 = vector.broadcast %jit3A_443 : i32 to vector<128x1024xi32>
    %rem3A_465 = arith.remsi %iota3A_442, %rem3A_464 : vector<128x1024xi32>
    %ne3A_466 = arith.constant 0 : i32
    %ne3A_467 = vector.broadcast %ne3A_466 : i32 to vector<128x1024xi32>
    %ne3A_468 = arith.cmpi ne, %rem3A_465, %ne3A_467 : vector<128x1024xi32>
    %and3A_469 = arith.andi %ne3A_463, %ne3A_468 : vector<128x1024xi1>
    %sub3A_470 = arith.constant 1 : i32
    %sub3A_471 = vector.broadcast %sub3A_470 : i32 to vector<128x1024xi32>
    %sub3A_472 = arith.subi %div3A_445, %sub3A_471 : vector<128x1024xi32>
    %select_n3A_473 = arith.select %and3A_469, %sub3A_472, %div3A_445 : vector<128x1024xi1>, vector<128x1024xi32>
    %eq3A_474 = arith.cmpi eq, %iota3A_441, %select_n3A_473 : vector<128x1024xi32>
    %convert_element_type3A_475 = arith.extui %eq3A_474 : vector<128x1024xi1> to vector<128x1024xi32>
    %convert_element_type3A_476 = arith.sitofp %convert_element_type3A_475 : vector<128x1024xi32> to vector<128x1024xf32>
    %mul3A_477 = arith.mulf %dot_general3A_382, %convert_element_type3A_440 : vector<1024x128xf32>
    %dot_general3A_478 = arith.constant dense<0.000000e+00> : vector<128x128xf32>
    %dot_general3A_479 = tpu.matmul %convert_element_type3A_476, %mul3A_477, %dot_general3A_478 {dimension_numbers = #tpu.dot_dimension_numbers<[1], [0], [0], [1], [0, 0, 1, 1], [], []>, transpose_lhs_hint = false} : vector<128x1024xf32>, vector<1024x128xf32>, vector<128x128xf32> -> vector<128x128xf32>
    %stack3A = vector.shape_cast %dot_general3A_378 : vector<128x128xf32> to vector<1x128x128xf32>
    %stack3A_480 = vector.shape_cast %dot_general3A_479 : vector<128x128xf32> to vector<1x128x128xf32>
    %stack3A_481 = tpu.concatenate %stack3A, %stack3A_480 in 0 : vector<1x128x128xf32>, vector<1x128x128xf32> -> vector<2x128x128xf32>
    %swap3A = arith.constant 0 : index
    %swap3A_482 = arith.constant 0 : index
    %swap3A_483 = arith.constant 0 : index
    %swap3A_484 = vector.load %arg7[%swap3A, %swap3A_482, %swap3A_483] : memref<2x128x128xf32, #tpu.memory_space<vmem>>, vector<2x128x128xf32>
    tpu.vector_store %arg7[%swap3A, %swap3A_482, %swap3A_483], %stack3A_481 {strides = array<i32>} : memref<2x128x128xf32, #tpu.memory_space<vmem>>, vector<2x128x128xf32>,
    return
  }
  func.func @transform_0(%arg0: i32) -> (i32, i32, i32) {
    %c0_i32 = arith.constant 0 : i32
    %c0_i32_0 = arith.constant 0 : i32
    %c0_i32_1 = arith.constant 0 : i32
    return %c0_i32, %arg0, %c0_i32_0 : i32, i32, i32
  }
  func.func @transform_1(%arg0: i32) -> (i32, i32) {
    %c0_i32 = arith.constant 0 : i32
    %c0_i32_0 = arith.constant 0 : i32
    return %arg0, %c0_i32 : i32, i32
  }
  func.func @transform_2(%arg0: i32) -> (i32, i32, i32) {
    %c0_i32 = arith.constant 0 : i32
    %c0_i32_0 = arith.constant 0 : i32
    %c0_i32_1 = arith.constant 0 : i32
    return %c0_i32, %arg0, %c0_i32_0 : i32, i32, i32
  }
  func.func @transform_3(%arg0: i32) -> (i32, i32, i32) {
    %add3A = arith.constant 5 : i32
    %add3A_0 = arith.addi %arg0, %add3A : i32
    %c0_i32 = arith.constant 0 : i32
    %c0_i32_1 = arith.constant 0 : i32
    %c0_i32_2 = arith.constant 0 : i32
    return %c0_i32, %add3A_0, %c0_i32_1 : i32, i32, i32
  }
  func.func @transform_4(%arg0: i32) -> i32 {
    %c0_i32 = arith.constant 0 : i32
    %c0_i32_0 = arith.constant 0 : i32
    return %c0_i32 : i32
  }
  func.func @transform_5(%arg0: i32) -> (i32, i32) {
    %c0_i32 = arith.constant 0 : i32
    %c0_i32_0 = arith.constant 0 : i32
    %c0_i32_1 = arith.constant 0 : i32
    return %c0_i32, %c0_i32_0 : i32, i32
  }
  func.func @transform_6(%arg0: i32) -> (i32, i32, i32) {
    %c0_i32 = arith.constant 0 : i32
    %c0_i32_0 = arith.constant 0 : i32
    %c0_i32_1 = arith.constant 0 : i32
    return %c0_i32, %arg0, %c0_i32_0 : i32, i32, i32
  }
}

module attributes {stable_mosaic.version = 14 : i64} {
  func.func @body(%arg0: i32, %arg1: memref<2x256x128xf32, #tpu.memory_space<vmem>>, %arg2: memref<256x128xf32, #tpu.memory_space<vmem>>, %arg3: memref<2x256x128xf32, #tpu.memory_space<vmem>>, %arg4: memref<1xf32, #tpu.memory_space<vmem>>, %arg5: memref<256x128xf32, #tpu.memory_space<vmem>>) attributes {dimension_semantics = [#tpu.dimension_semantics<arbitrary>], iteration_bounds = array<i64: 5>, scalar_prefetch = 0 : i64, scratch_operands = 0 : i64, tpu.core_type = #tpu.core_type<tc>, window_params = [{transform_indices = @transform_0, window_bounds = array<i64: 2, 256, 128>}, {transform_indices = @transform_1, window_bounds = array<i64: 256, 128>}, {transform_indices = @transform_2, window_bounds = array<i64: 2, 256, 128>}, {pipeline_mode = #tpu.pipeline_mode<synchronous>, transform_indices = @transform_3, window_bounds = array<i64: 1>}, {transform_indices = @transform_4, window_bounds = array<i64: 256, 128>}]} {
    %get3A = arith.constant 0 : index
    %get3A_0 = arith.constant 0 : index
    %get3A_1 = arith.constant 0 : index
    %get3A_2 = vector.load %arg3[%get3A, %get3A_0, %get3A_1] : memref<2x256x128xf32, #tpu.memory_space<vmem>>, vector<1x256x128xf32>
    %get3A_3 = vector.shape_cast %get3A_2 : vector<1x256x128xf32> to vector<256x128xf32>
    %get3A_4 = arith.constant 1 : index
    %get3A_5 = arith.constant 0 : index
    %get3A_6 = arith.constant 0 : index
    %get3A_7 = vector.load %arg3[%get3A_4, %get3A_5, %get3A_6] : memref<2x256x128xf32, #tpu.memory_space<vmem>>, vector<1x256x128xf32>
    %get3A_8 = vector.shape_cast %get3A_7 : vector<1x256x128xf32> to vector<256x128xf32>
    %add3A = arith.addf %get3A_3, %get3A_8 : vector<256x128xf32>
    %add3A_9 = arith.constant 1.000000e+00 : f32
    %add3A_10 = vector.broadcast %add3A_9 : f32 to vector<256x128xf32>
    %add3A_11 = arith.addf %add3A, %add3A_10 : vector<256x128xf32>
    %iota3A = tpu.iota {dimensions = array<i32: 0>} : vector<256x128xi32>
    %eq3A = arith.constant 0 : i32
    %eq3A_12 = vector.broadcast %eq3A : i32 to vector<256x128xi32>
    %eq3A_13 = arith.cmpi eq, %iota3A, %eq3A_12 : vector<256x128xi32>
    %iota3A_14 = tpu.iota {dimensions = array<i32: 1>} : vector<256x128xi32>
    %lt3A = arith.constant 16 : i32
    %lt3A_15 = vector.broadcast %lt3A : i32 to vector<256x128xi32>
    %lt3A_16 = arith.cmpi slt, %iota3A_14, %lt3A_15 : vector<256x128xi32>
    %and3A = arith.andi %eq3A_13, %lt3A_16 : vector<256x128xi1>
    %eq3A_17 = arith.constant 0 : i32
    %eq3A_18 = arith.cmpi eq, %arg0, %eq3A_17 : i32
    %and3A_19 = vector.broadcast %eq3A_18 : i1 to vector<256x128xi1>
    %and3A_20 = arith.andi %and3A, %and3A_19 : vector<256x128xi1>
    %jit3A = arith.constant 7.680000e+03 : f32
    %jit3A_21 = arith.constant 0.000000e+00 : f32
    %broadcast_in_dim3A = vector.broadcast %jit3A : f32 to vector<256x128xf32>
    %broadcast_in_dim3A_22 = vector.broadcast %jit3A_21 : f32 to vector<256x128xf32>
    %select_n3A = arith.select %and3A_20, %broadcast_in_dim3A, %broadcast_in_dim3A_22 : vector<256x128xi1>, vector<256x128xf32>
    %sub3A = arith.subf %add3A_11, %select_n3A : vector<256x128xf32>
    %rsqrt3A = math.rsqrt %sub3A : vector<256x128xf32>
    %iota3A_23 = tpu.iota {dimensions = array<i32: 0>} : vector<256x128xi32>
    %eq3A_24 = arith.constant 0 : i32
    %eq3A_25 = vector.broadcast %eq3A_24 : i32 to vector<256x128xi32>
    %eq3A_26 = arith.cmpi eq, %iota3A_23, %eq3A_25 : vector<256x128xi32>
    %iota3A_27 = tpu.iota {dimensions = array<i32: 1>} : vector<256x128xi32>
    %lt3A_28 = arith.constant 16 : i32
    %lt3A_29 = vector.broadcast %lt3A_28 : i32 to vector<256x128xi32>
    %lt3A_30 = arith.cmpi slt, %iota3A_27, %lt3A_29 : vector<256x128xi32>
    %and3A_31 = arith.andi %eq3A_26, %lt3A_30 : vector<256x128xi1>
    %eq3A_32 = arith.constant 0 : i32
    %eq3A_33 = arith.cmpi eq, %arg0, %eq3A_32 : i32
    %and3A_34 = vector.broadcast %eq3A_33 : i1 to vector<256x128xi1>
    %and3A_35 = arith.andi %and3A_31, %and3A_34 : vector<256x128xi1>
    %jit3A_36 = arith.constant 7.680000e+03 : f32
    %jit3A_37 = arith.constant 0.000000e+00 : f32
    %broadcast_in_dim3A_38 = vector.broadcast %jit3A_36 : f32 to vector<256x128xf32>
    %broadcast_in_dim3A_39 = vector.broadcast %jit3A_37 : f32 to vector<256x128xf32>
    %select_n3A_40 = arith.select %and3A_35, %broadcast_in_dim3A_38, %broadcast_in_dim3A_39 : vector<256x128xi1>, vector<256x128xf32>
    %sub3A_41 = arith.constant 1.000000e+00 : f32
    %sub3A_42 = vector.broadcast %sub3A_41 : f32 to vector<256x128xf32>
    %sub3A_43 = arith.subf %sub3A_42, %select_n3A_40 : vector<256x128xf32>
    %get3A_44 = arith.constant 0 : index
    %get3A_45 = arith.constant 0 : index
    %get3A_46 = arith.constant 0 : index
    %get3A_47 = vector.load %arg1[%get3A_44, %get3A_45, %get3A_46] : memref<2x256x128xf32, #tpu.memory_space<vmem>>, vector<1x256x128xf32>
    %get3A_48 = vector.shape_cast %get3A_47 : vector<1x256x128xf32> to vector<256x128xf32>
    %get3A_49 = arith.constant 0 : index
    %get3A_50 = arith.constant 0 : index
    %get3A_51 = vector.load %arg2[%get3A_49, %get3A_50] : memref<256x128xf32, #tpu.memory_space<vmem>>, vector<256x128xf32>
    %mul3A = arith.mulf %get3A_51, %sub3A_43 : vector<256x128xf32>
    %add3A_52 = arith.addf %get3A_48, %mul3A : vector<256x128xf32>
    %get3A_53 = arith.constant 1 : index
    %get3A_54 = arith.constant 0 : index
    %get3A_55 = arith.constant 0 : index
    %get3A_56 = vector.load %arg1[%get3A_53, %get3A_54, %get3A_55] : memref<2x256x128xf32, #tpu.memory_space<vmem>>, vector<1x256x128xf32>
    %get3A_57 = vector.shape_cast %get3A_56 : vector<1x256x128xf32> to vector<256x128xf32>
    %add3A_58 = arith.addf %add3A_52, %get3A_57 : vector<256x128xf32>
    %mul3A_59 = arith.mulf %rsqrt3A, %add3A_58 : vector<256x128xf32>
    %get3A_60 = arith.constant 0 : index
    %get3A_61 = vector.load %arg4[%get3A_60] : memref<1xf32, #tpu.memory_space<vmem>>, vector<1xf32>
    %broadcast_in_dim3A_62 = vector.shape_cast %get3A_61 : vector<1xf32> to vector<1x1xf32>
    %add3A_63 = vector.broadcast %broadcast_in_dim3A_62 : vector<1x1xf32> to vector<256x128xf32>
    %add3A_64 = arith.addf %mul3A_59, %add3A_63 : vector<256x128xf32>
    %logistic3A = arith.negf %add3A_64 : vector<256x128xf32>
    %logistic3A_65 = math.exp %logistic3A : vector<256x128xf32>
    %logistic3A_66 = arith.constant 1.000000e+00 : f32
    %logistic3A_67 = vector.broadcast %logistic3A_66 : f32 to vector<256x128xf32>
    %logistic3A_68 = arith.addf %logistic3A_67, %logistic3A_65 : vector<256x128xf32>
    %logistic3A_69 = arith.divf %logistic3A_67, %logistic3A_68 : vector<256x128xf32>
    %swap3A = arith.constant 0 : index
    %swap3A_70 = arith.constant 0 : index
    %swap3A_71 = vector.load %arg5[%swap3A, %swap3A_70] : memref<256x128xf32, #tpu.memory_space<vmem>>, vector<256x128xf32>
    tpu.vector_store %arg5[%swap3A, %swap3A_70], %logistic3A_69 {strides = array<i32>} : memref<256x128xf32, #tpu.memory_space<vmem>>, vector<256x128xf32>,
    return
  }
  func.func @transform_0(%arg0: i32) -> (i32, i32, i32) {
    %c0_i32 = arith.constant 0 : i32
    %c0_i32_0 = arith.constant 0 : i32
    %c0_i32_1 = arith.constant 0 : i32
    return %c0_i32, %arg0, %c0_i32_0 : i32, i32, i32
  }
  func.func @transform_1(%arg0: i32) -> (i32, i32) {
    %c0_i32 = arith.constant 0 : i32
    %c0_i32_0 = arith.constant 0 : i32
    return %arg0, %c0_i32 : i32, i32
  }
  func.func @transform_2(%arg0: i32) -> (i32, i32, i32) {
    %c0_i32 = arith.constant 0 : i32
    %c0_i32_0 = arith.constant 0 : i32
    %c0_i32_1 = arith.constant 0 : i32
    return %c0_i32, %arg0, %c0_i32_0 : i32, i32, i32
  }
  func.func @transform_3(%arg0: i32) -> i32 {
    %c0_i32 = arith.constant 0 : i32
    %c0_i32_0 = arith.constant 0 : i32
    return %c0_i32 : i32
  }
  func.func @transform_4(%arg0: i32) -> (i32, i32) {
    %c0_i32 = arith.constant 0 : i32
    %c0_i32_0 = arith.constant 0 : i32
    return %arg0, %c0_i32 : i32, i32
  }
}

</mosaic_0001>

<sc_bundles>
// kernel: kernel.11.cloned.1.call-start
scs
__scs_entry_jumppad:
0x0: {  	(pc) =	sbr.rel $0x88, $3  }
0x1: {  	(tag) =	ssettag $0x0;
	lr =	simm.s32 $0x1  }
0x2: {  	[smem:$0x3F9B] =	sst lr;
	_ =	strace $0xD0000000  }
0x3: {  	_ = 	snop  }
0x4: {  	_ = 	snop  }
0x5: {  	_ = 	snop  }
0x6: {  	_ = 	snop  }
0x7: {  	_ = 	snop  }
__scs_overlays_trampoline_lowered:
0x8: {  	[smem:$0x3FAA] =	sst s0  }
0x9: {  	[smem:$0x3FAB] =	sst s1  }
0xa: {  	[smem:$0x3FAC] =	sst s2  }
0xb: {  	[smem:$0x3FAD] =	sst s3  }
0xc: {  	[smem:$0x3FAE] =	sst s4  }
0xd: {  	[smem:$0x3FAF] =	sst s5  }
0xe: {  	[smem:$0x3FB0] =	sst s6  }
0xf: {  	[smem:$0x3FB1] =	sst s7  }
0x10: {  	[smem:$0x3FB2] =	sst s8  }
0x11: {  	[smem:$0x3FB3] =	sst s9;
	s0 =	simm.s32 @!p0 $0x0  }
0x12: {  	s1 =	sld [smem:$0x3F99];
	s0 =	simm.s32 @p0 $0x1  }
0x13: {  	[smem:$0x3FB4] =	sst s0;
	s0 =	simm.s32 @!p1 $0x0  }
0x14: {  	s2 =	sld [smem:$0x3F98];
	s0 =	simm.s32 @p1 $0x1  }
0x15: {  	[smem:$0x3FB5] =	sst s0;
	s0 =	simm.s32 @!p2 $0x0  }
0x16: {  	s3 =	sld [smem:$0x3FDB];
	s0 =	simm.s32 @p2 $0x1  }
0x17: {  	s4 =	simm.s32 $0x1BF5;
	[smem:$0x3FB7] =	sst s0  }
0x18: {  	s0 =	sld [smem:$0x3F9A];
	_ =	swait.ge [sflag:s4], $0x0  }
0x19: {  	s7 =	sld [smem:$0x3F9B]  }
0x1a: {  	s8 =	sadd.s32 $0xFFFFE003, lr  }
0x1b: {  	s9 =	sadd.s32 $0xFFFFFEF7, lr;
	s5 =	simm.s32 $0xFFFFFFFF;
	p2 =	slt.u32 s8, $0xFFFFF086  }
0x1c: {  	p1 =	slt.u32 s9, $0xF7A;
	s5 =	simm.s32 @!p2 $0x0  }
0x1d: {  	s5 =	simm.s32 @p1 $0x1;
	p0 =	seq.s32 s7, s2  }
0x1e: {  	s7 =	smul.u32 @!p0 $0xF7A, s2;
	p2 =	seq.s32 @!p0 s5, $0x0  }
0x1f: {  	s9 =	smul.u32 $0xF7A, s1;
	s8 =	simm.s32 @!p0 $0x1BF5;
	p2 =	por !p2, p0  }
0x20: {  	[sflag:s8] =	ssyncset.s32 @!p0 $0xFFFFF086;
	s6 =	sadd.s32 @!p0 s3, s7;
	s7 =	simm.s32 @!p0 $0x108  }
0x21: {  	s3 =	sadd.s32 s3, s9;
	s6 =	sadd.s32 @!p0 $0x88, s6;
	s7 =	simm.s32 @p2 $0x1082  }
0x22: {  	[simem:s7], [sflag:s8] =	dma.local @!p0 [hbm:s6], $0xF7A  }
0x23: {  	s9 =	sor.u32 $0xD0000000, s2;
	s6 =	simm.s32 $0x108;
	_ =	swait.ge @!p0 [sflag:s8], $0x0  }
0x24: {  	s3 =	sadd.s32 $0x88, s3;
	s6 =	simm.s32 @!p1 $0x1082;
	[sflag:s4] =	ssyncset.s32 $0xFFFFF086  }
0x25: {  	[simem:s6], [sflag:s4] =	dma.local [hbm:s3], $0xF7A  }
0x26: {  	[smem:$0x3F9B] =	sst s1;
	(tag) =	ssettag s2;
	_ =	strace s9  }
0x27: {  	s1 =	sld [smem:$0x3FAB]  }
0x28: {  	s2 =	sld [smem:$0x3FAC]  }
0x29: {  	s4 =	sld [smem:$0x3FAE]  }
0x2a: {  	p0 =	seq.s32 s5, $0x0;
	s5 =	sld [smem:$0x3FAF]  }
0x2b: {  	s6 =	sld [smem:$0x3FB0]  }
0x2c: {  	s7 =	sld [smem:$0x3FB1]  }
0x2d: {  	s3 =	simm.s32 $0x108;
	s8 =	sld [smem:$0x3FB2]  }
0x2e: {  	s3 =	simm.s32 @!p0 $0x1082;
	s9 =	sld [smem:$0x3FB3]  }
0x2f: {  	lr =	sadd.s32 s0, s3;
	s0 =	sld [smem:$0x3FAA]  }
0x30: {  	s3 =	sld [smem:$0x3FAD]  }
0x31: {  	[smem:$0x3FB6] =	sst s10  }
0x32: {  	s10 =	sld [smem:$0x3FB4];
	_ =	sdelay $0x3  }
0x33: {  	p0 =	seq.s32 s10, $0x1;
	s10 =	sld [smem:$0x3FB6];
	_ =	sdelay $0x3  }
0x34: {  	[smem:$0x3FB6] =	sst s10  }
0x35: {  	s10 =	sld [smem:$0x3FB5];
	_ =	sdelay $0x3  }
0x36: {  	p1 =	seq.s32 s10, $0x1;
	s10 =	sld [smem:$0x3FB6];
	_ =	sdelay $0x3  }
0x37: {  	[smem:$0x3FB6] =	sst s10  }
0x38: {  	s10 =	sld [smem:$0x3FB7]  }
0x39: {  	_ = 	snop;
	(pc) =	sbr.ind lr, $3  }
0x3a: {  	_ = 	snop  }
0x3b: {  	_ = 	snop  }
0x3c: {  	p2 =	seq.s32 s10, $0x1;
	s10 =	sld [smem:$0x3FB6]  }
0x3d: {  	_ =	shalt  }
0x3e: {  	_ =	shalt  }
0x3f: {  	_ =	shalt  }
0x40: {  	_ =	shalt  }
0x41: {  	_ =	shalt  }
0x42: {  	_ =	shalt  }
0x43: {  	_ =	shalt  }
0x44: {  	_ =	shalt  }
0x45: {  	_ =	shalt  }
0x46: {  	_ =	shalt  }
0x47: {  	_ =	shalt  }
0x48: {  	_ =	shalt  }
0x49: {  	_ =	shalt  }
0x4a: {  	_ =	shalt  }
0x4b: {  	_ =	shalt  }
0x4c: {  	_ =	shalt  }
0x4d: {  	_ =	shalt  }
0x4e: {  	_ =	shalt  }
0x4f: {  	_ =	shalt  }
0x50: {  	_ =	shalt  }
0x51: {  	_ =	shalt  }
0x52: {  	_ =	shalt  }
0x53: {  	_ =	shalt  }
0x54: {  	_ =	shalt  }
0x55: {  	_ =	shalt  }
0x56: {  	_ =	shalt  }
0x57: {  	_ =	shalt  }
0x58: {  	_ =	shalt  }
0x59: {  	_ =	shalt  }
0x5a: {  	_ =	shalt  }
0x5b: {  	_ =	shalt  }
0x5c: {  	_ =	shalt  }
0x5d: {  	_ =	shalt  }
0x5e: {  	_ =	shalt  }
0x5f: {  	_ =	shalt  }
0x60: {  	_ =	shalt  }
0x61: {  	_ =	shalt  }
0x62: {  	_ =	shalt  }
0x63: {  	_ =	shalt  }
0x64: {  	_ =	shalt  }
0x65: {  	_ =	shalt  }
0x66: {  	_ =	shalt  }
0x67: {  	_ =	shalt  }
0x68: {  	_ =	shalt  }
0x69: {  	_ =	shalt  }
0x6a: {  	_ =	shalt  }
0x6b: {  	_ =	shalt  }
0x6c: {  	_ =	shalt  }
0x6d: {  	_ =	shalt  }
0x6e: {  	_ =	shalt  }
0x6f: {  	_ =	shalt  }
0x70: {  	_ =	shalt  }
0x71: {  	_ =	shalt  }
0x72: {  	_ =	shalt  }
0x73: {  	_ =	shalt  }
0x74: {  	_ =	shalt  }
0x75: {  	_ =	shalt  }
0x76: {  	_ =	shalt  }
0x77: {  	_ =	shalt  }
0x78: {  	_ =	shalt  }
0x79: {  	_ =	shalt  }
0x7a: {  	_ =	shalt  }
0x7b: {  	_ =	shalt  }
0x7c: {  	_ =	shalt  }
0x7d: {  	_ =	shalt  }
0x7e: {  	_ =	shalt  }
0x7f: {  	_ =	shalt  }
0x80: {  	_ =	shalt  }
0x81: {  	_ =	shalt  }
0x82: {  	_ =	shalt  }
0x83: {  	_ =	shalt  }
0x84: {  	_ =	shalt  }
0x85: {  	_ =	shalt  }
0x86: {  	_ =	shalt  }
0x87: {  	_ =	shalt  }
.Lfunc_end0:
.L_simem_size_0:
called_computation.1_lowered:
.L_overlay_start_0:
0x88: {  	s2 =	sld [smem:$0x3FD9]  }
0x89: {  	s3 =	sld [smem:$0x3FFE];
	_ =	sdelay $0x1  }
0x8a: {  	s1 =	srdreg.scid  }
0x8b: {  	s0 =	sand.u32 $0x1, s1  }
0x8c: {  	s16 =	sshll.u32 s0, $0xA;
	s2 =	sadd.s32 s3, s2  }
0x8d: {  	s2 =	sadd.s32 s2, s16  }
0x8e: {  	[smem:$0x3FC2] =	sst s2  }
0x8f: {  	_ = 	snop  }
0x90: {  	(tm) =	ssettm $0x1  }
0x91: {  	s17 =	sld [smem:$0x3FFB];
	_ =	sdelay $0x3  }
0x92: {  	_ =	strace s17  }
0x93: {  	s2 =	sld [smem:$0x3FFC];
	_ =	sdelay $0x3  }
0x94: {  	_ =	strace s2  }
0x95: {  	s2 =	sld [smem:$0x3FFD];
	_ =	sdelay $0x3  }
0x96: {  	_ =	strace s2  }
0x97: {  	_ =	strace $0x8FFFFFFF  }
0x98: {  	s18 =	sld [smem:$0x3FDB];
	_ =	sdelay $0x1  }
0x99: {  	s19 =	simm.s32 $_scs_section_size  }
0x9a: {  	s4 =	simm.s32 $_size__tile_overlayer_lowered;
	s5 =	simm.s32 $_tile_overlayer_lowered  }
0x9b: {  	s22 =	simm.s32 $0x1BFF;
	s21 =	sshll.u32 s5, $0x1;
	s2 =	sadd.s32 s19, s18  }
0x9c: {  	s6 =	simm.s32 $0x0;
	s20 =	sshll.u32 s4, $0x1;
	s4 =	sadd.s32 s21, s2  }
0x9d: {  	[timem:s6], [sflag:s22] =	dma.local [hbm:s4], s20  }
0x9e: {  	_ =	swait.ge [sflag:s22], s20  }
0x9f: {  	s3 =	ssub.s32 $0x0, s20;
	[sflag:s22] =	ssyncset.done $0x0  }
0xa0: {  	[sflag:s22] =	ssyncadd.s32 s3;
	_ =	sdelay $0x1  }
0xa1: {  	s23 =	simm.s32 $0x1B8B  }
0xa2: {  	_ =	swait.ge [sflag:s23], $0x1  }
0xa3: {  	[sflag:s23] =	ssyncset.done $0x0  }
0xa4: {  	s25 =	simm.s32 $0x1B8E;
	s24 =	sld [smem:$0x3FFE];
	[sflag:s23] =	ssyncadd.s32 $0xFFFFFFFF  }
0xa5: {  	s26 =	simm.s32 $execute0_lowered;
	[smem:$0x3FD2] =	sst s25  }
0xa6: {  	s4 =	sshll.u32 s26, $0x1;
	_ =	strace $0x80000049;
	[dreg:$0x1] =	wrdreg $0xFFFFFFFF  }
0xa7: {  	s28 =	simm.s32 $_size_execute0_lowered;
	s2 =	sadd.s32 s2, s4;
	[dreg:$0x0] =	wrdreg $0x0  }
0xa8: {  	s4 =	sshll.u32 s28, $0x1;
	[dreg:$0x2] =	wrdreg s2  }
0xa9: {  	[dreg:$0x3] =	wrdreg s4  }
0xaa: {  	[dreg:$0x4] =	wrdreg $0xC0  }
0xab: {  	_ =	task [dreg:s6], $0x5FFFF  }
0xac: {  	[dreg:$0x1] =	wrdreg $0xFFFFFFFF  }
0xad: {  	[dreg:$0x0] =	wrdreg $0x60  }
0xae: {  	[dreg:$0x2] =	wrdreg s24  }
0xaf: {  	[dreg:$0x3] =	wrdreg $0xB0000  }
0xb0: {  	[dreg:$0x4] =	wrdreg $0x150000  }
0xb1: {  	[dreg:$0x5] =	wrdreg $0x9  }
0xb2: {  	_ =	task.clear_ibuf [dreg:s6], $0x6FFFF;
	_ =	strace $0x90000049  }
0xb3: {  	s29 =	simm.s32 $0x9;
	_ =	strace $0x8000004B  }
0xb4: {  	_ =	swait.ge [sflag:s29], $0x1  }
0xb5: {  	[sflag:s29] =	ssyncadd.s32 $0xFFFFFFFF  }
0xb6: {  	_ =	strace $0x9000004B  }
0xb7: {  	_ =	sfence  }
0xb8: {  	s30 =	sld [smem:$0x0];
	_ =	sdelay $0x2  }
0xb9: {  	s31 =	sshll.u32 s1, $0xD;
	s1 =	sshrl.u32 s1, $0x2  }
0xba: {  	s3 =	sand.u32 $0x4000, s31;
	s1 =	sadd.s32 s1, s30  }
0xbb: {  	s0 =	sor.u32 s3, s0;
	s1 =	sshll.u32 s1, $0x11  }
0xbc: {  	s0 =	sor.u32 s1, s0  }
0xbd: {  	s0 =	sadd.s32 $0x8F2B, s0  }
0xbe: {  	[sflag:s0] =	ssyncadd.remote.s32 $0x1  }
0xbf: {  	_ =	sfence.sel $0xFFFF  }
0xc0: {  	[dreg:$0x0] =	wrdreg $0xFFFFFFFF;
	(pc) =	sbr.abs _section_cstart, $3  }
0xc1: {  	[dreg:$0x1] =	wrdreg $0xFFFFFFFF  }
0xc2: {  	_ =	task.clear_ibuf [dreg:s6], $0x2FFFF;
	_ =	strace $0x9FFFFFFF  }
0xc3: {  	(tm) =	ssettm $0x7FFFFFFF  }
tec
execute0_lowered:
.L_overlay_start_1:
0x0: {  	(tag) =	ssettag $0x1  }
0x1: {  	s0 =	rddreg [dreg:$0x0]  }
0x2: {  	s2 =	rddreg [dreg:$0x1]  }
0x3: {  	s3 =	rddreg [dreg:$0x2]  }
0x4: {  	s1 =	stileid.u32;
	s4 =	srdreg.scid;
	s19 =	simm.s32 $0x9000  }
0x5: {  	s20 =	simm.s32 $0x3;
	s21 =	simm.s32 $0x1;
	s22 =	simm.s32 $0x2  }
0x6: {  	s23 =	simm.s32 $0x80;
	s24 =	simm.s32 $0x5000;
	s26 =	simm.s32 $0x7000  }
0x7: {  	s29 =	simm.s32 $0x4F00;
	s30 =	simm.s32 $0x4F80;
	s12 =	smul.u32 $0xA000, s1  }
0x8: {  	s5 =	sand.u32 $0x1, s4;
	s6 =	sshll.u32 s1, $0x1;
	s10 =	smul.u32 $0x28000, s1  }
0x9: {  	s4 =	simm.s32 $0x0;
	s6 =	sor.u32 s5, s6;
	s7 =	smul.u32 $0xA0000, s5  }
0xa: {  	[smem:$0x7FF] =	sst s4;
	s5 =	ssub.s32 $0x2, s5;
	s8 =	sshrl.u32 s12, $0x3  }
0xb: {  	s6 =	smul.u32 $0x2800, s6;
	_ =	strace $0x8000004A;
	s28 =	sshrl.u32 s5, $0x1  }
0xc: {  	s17 =	sadd.s32 s12, s2;
	s10 =	sshrl.u32 s10, $0x2;
	s31 =	sadd.s32 s12, s3  }
0xd: {  	s8 =	sadd.s32 s8, s0;
	s7 =	sadd.s32 s12, s7;
	s13 =	ssub.s32 s5, s28  }
0xe: {  	s5 =	sshll.u32 s1, $0x6;
	s10 =	sadd.s32 s10, s3;
	s17 =	sshrl.u32 s17, $0x3  }
0xf: {  	s25 =	sshrl.u32 s31, $0x3;
	s6 =	sshrl.u32 s6, $0x3;
	s7 =	sshrl.u32 s7, $0x3  }
0x10: {  	s12 =	smax.u32 s13, $0x1;
	s13 =	sadd.s32 $0x2000, s10;
	s14 =	sadd.s32 $0x4000, s10  }
0x11: {  	s15 =	sadd.s32 $0x6000, s10;
	s16 =	sadd.s32 $0x8000, s10;
	s9 =	sadd.s32 s6, s0  }
0x12: {  	s0 =	sadd.s32 s7, s0;
	s6 =	sadd.s32 $0x34A00, s8;
	s7 =	sor.u32 $0x1C01, s5  }
0x13: {  	v0 =	vimm.f32 $0.0e+00;
	s8 =	sadd.s32 $0x20A00, s9;
	s9 =	sadd.s32 $0x2AA00, s9;
	s11 =	sadd.s32 $0x48A00, s0  }
.LBB2_1:
0x14: {  	s0 =	simm.s32 $0x100;
	s31 =	simm.s32 $0x0  }
.LBB2_2:
0x15: {  	p0 =	sne.s32 s0, $0x7F00;
	[tilespmem:s31+$0x9030] =	vst v0;
	s1 =	smov.u32 s0;
	s0 =	sadd.s32 $0x100, s0  }
.Ltmp0:
0x16: {  	[tilespmem:s31+$0x9020] =	vst v0;
	(pc) =	sbr.rel @p0 .LBB2_2-.Ltmp0, $3  }
0x17: {  	[tilespmem:s31+$0x9000] =	vst v0  }
0x18: {  	[tilespmem:s31+$0x9010] =	vst v0;
	_ =	sdelay $0x1  }
0x19: {  	s31 =	sshra.s32 s1, $0x2  }
0x1a: {  	[tilespmem:s31+$0x9030] =	vst v0  }
0x1b: {  	[tilespmem:s31+$0x9020] =	vst v0  }
0x1c: {  	[tilespmem:s31+$0x9000] =	vst v0  }
0x1d: {  	[tilespmem:s31+$0x9010] =	vst v0;
	s0 =	simm.s32 $0x0  }
0x1e: {  	[spmem:s17], [sflag:s7] =	dma.local [hbm:s6], $0x1400  }
0x1f: {  	[tilespmem:s0], [sflag:$0x2] =	stream.linear.gather [hbm4b:s8+s0], $0x2800, $0x38;
	[tilespmem:$0x1F000] =	vst v63  }
0x20: {  	s1 =	simm.s32 $0x2800  }
0x21: {  	[tilespmem:s1], [sflag:$0x2] =	stream.linear.gather [hbm4b:s9+s0], $0x2800, $0x38;
	[tilespmem:$0x1F000] =	vst v63  }
0x22: {  	_ = 	snop  }
0x23: {  	[spmem:s10] =	stream.linear.scatter [tilespmem:s19], [sflag:$0x3], $0x2000, $0x38;
	[tilespmem:$0x1F000] =	vst v63  }
0x24: {  	_ =	swait.ge [sflag:s20], $0x2000  }
0x25: {  	[sflag:s20] =	ssyncset.done $0x0  }
0x26: {  	[sflag:s20] =	ssyncadd.s32 $0xFFFFE000  }
0x27: {  	[spmem:s13] =	stream.linear.scatter [tilespmem:s19], [sflag:$0x3], $0x2000, $0x38;
	[tilespmem:$0x1F000] =	vst v63  }
0x28: {  	_ =	swait.ge [sflag:s20], $0x2000  }
0x29: {  	[sflag:s20] =	ssyncset.done $0x0  }
0x2a: {  	[sflag:s20] =	ssyncadd.s32 $0xFFFFE000  }
0x2b: {  	[spmem:s14] =	stream.linear.scatter [tilespmem:s19], [sflag:$0x3], $0x2000, $0x38;
	[tilespmem:$0x1F000] =	vst v63  }
0x2c: {  	_ =	swait.ge [sflag:s20], $0x2000  }
0x2d: {  	[sflag:s20] =	ssyncset.done $0x0  }
0x2e: {  	[sflag:s20] =	ssyncadd.s32 $0xFFFFE000  }
0x2f: {  	[spmem:s15] =	stream.linear.scatter [tilespmem:s19], [sflag:$0x3], $0x2000, $0x38;
	[tilespmem:$0x1F000] =	vst v63  }
0x30: {  	_ =	swait.ge [sflag:s20], $0x2000  }
0x31: {  	[sflag:s20] =	ssyncset.done $0x0  }
0x32: {  	[sflag:s20] =	ssyncadd.s32 $0xFFFFE000  }
0x33: {  	[spmem:s16] =	stream.linear.scatter [tilespmem:s19], [sflag:$0x3], $0x2000, $0x38;
	[tilespmem:$0x1F000] =	vst v63  }
0x34: {  	_ =	swait.ge [sflag:s20], $0x2000  }
0x35: {  	[sflag:s20] =	ssyncset.done $0x0  }
0x36: {  	[sflag:s20] =	ssyncadd.s32 $0xFFFFE000  }
0x37: {  	_ =	swait.ge [sflag:s21], $0x1400  }
0x38: {  	[sflag:s21] =	ssyncset.done $0x0  }
0x39: {  	[sflag:s21] =	ssyncadd.s32 $0xFFFFEC00  }
0x3a: {  	_ =	swait.ge [sflag:s22], $0x2800  }
0x3b: {  	[sflag:s22] =	ssyncset.done $0x0  }
0x3c: {  	[sflag:s22] =	ssyncadd.s32 $0xFFFFD800  }
0x3d: {  	_ =	swait.ge [sflag:s22], $0x2800  }
0x3e: {  	[sflag:s22] =	ssyncset.done $0x0  }
0x3f: {  	[sflag:s22] =	ssyncadd.s32 $0xFFFFD800  }
0x40: {  	[bflag:$0x0] =	sbarrier.arrive $0xFFFF  }
0x41: {  	[tilespmem:s24], [sflag:$0x1] =	stream.indirect.gather [spmem:s2], $0x40, s0, s23, $0xb8;
	[tilespmem:$0x1F000] =	vst v63  }
0x42: {  	s28 =	simm.s32 $0x80  }
0x43: {  	[tilespmem:s26], [sflag:$0x2] =	stream.indirect.gather [spmem:s2], $0x40, s28, s23, $0xb8;
	[tilespmem:$0x1F000] =	vst v63  }
0x44: {  	_ =	swait.ge [sflag:s21], $0x2000  }
0x45: {  	[sflag:s21] =	ssyncset.done $0x0  }
0x46: {  	s1 =	simm.s32 $0x2800;
	[sflag:s21] =	ssyncadd.s32 $0xFFFFE000  }
0x47: {  	[spmem:s3] =	stream.indirect.scatter.add.f32 [tilespmem:s24], [sflag:$0x3], $0x40, s1, s23, $0xb8;
	[tilespmem:$0x1F000] =	vst v63  }
0x48: {  	_ =	swait.ge [sflag:s20], $0x2000  }
0x49: {  	[sflag:s20] =	ssyncset.done $0x0  }
0x4a: {  	s18 =	simm.s32 $0x100;
	[sflag:s20] =	ssyncadd.s32 $0xFFFFE000  }
0x4b: {  	[tilespmem:s24], [sflag:$0x1] =	stream.indirect.gather [spmem:s2], $0x40, s18, s23, $0xb8;
	[tilespmem:$0x1F000] =	vst v63  }
0x4c: {  	_ =	swait.ge [sflag:s22], $0x2000  }
0x4d: {  	[sflag:s22] =	ssyncset.done $0x0  }
0x4e: {  	s28 =	simm.s32 $0x2880;
	[sflag:s22] =	ssyncadd.s32 $0xFFFFE000  }
0x4f: {  	[spmem:s3] =	stream.indirect.scatter.add.f32 [tilespmem:s26], [sflag:$0x3], $0x40, s28, s23, $0xb8;
	[tilespmem:$0x1F000] =	vst v63  }
0x50: {  	_ =	swait.ge [sflag:s20], $0x2000  }
0x51: {  	s31 =	simm.s32 $0x100;
	s0 =	simm.s32 $0x800;
	[sflag:s20] =	ssyncset.done $0x0  }
.LBB2_4:
0x52: {  	s1 =	sadd.s32 $0x80, s31  }
0x53: {  	[sflag:s20] =	ssyncadd.s32 $0xFFFFE000;
	s18 =	smov.u32 s0;
	s28 =	sadd.s32 $0x400, s0  }
0x54: {  	[tilespmem:s26], [sflag:$0x2] =	stream.indirect.gather [spmem:s2], $0x40, s1, s23, $0xb8;
	[tilespmem:$0x1F000] =	vst v63  }
0x55: {  	p0 =	sne.s32 s0, $0x9800;
	_ =	swait.ge [sflag:s21], $0x2000  }
0x56: {  	[sflag:s21] =	ssyncset.done $0x0  }
0x57: {  	s0 =	sadd.s32 $0x2800, s31;
	[sflag:s21] =	ssyncadd.s32 $0xFFFFE000  }
0x58: {  	[spmem:s3] =	stream.indirect.scatter.add.f32 [tilespmem:s24], [sflag:$0x3], $0x40, s0, s23, $0xb8;
	[tilespmem:$0x1F000] =	vst v63  }
0x59: {  	_ =	swait.ge [sflag:s20], $0x2000  }
0x5a: {  	[sflag:s20] =	ssyncset.done $0x0  }
0x5b: {  	s0 =	sadd.s32 $0x100, s31;
	[sflag:s20] =	ssyncadd.s32 $0xFFFFE000  }
0x5c: {  	[tilespmem:s24], [sflag:$0x1] =	stream.indirect.gather [spmem:s2], $0x40, s0, s23, $0xb8;
	[tilespmem:$0x1F000] =	vst v63  }
0x5d: {  	_ =	swait.ge [sflag:s22], $0x2000  }
.Ltmp1:
0x5e: {  	[sflag:s22] =	ssyncset.done $0x0;
	(pc) =	sbr.rel @p0 .LBB2_4-.Ltmp1, $4  }
0x5f: {  	s0 =	sadd.s32 $0x2880, s31;
	[sflag:s22] =	ssyncadd.s32 $0xFFFFE000  }
0x60: {  	[spmem:s3] =	stream.indirect.scatter.add.f32 [tilespmem:s26], [sflag:$0x3], $0x40, s0, s23, $0xb8;
	[tilespmem:$0x1F000] =	vst v63  }
0x61: {  	_ =	swait.ge [sflag:s20], $0x2000  }
0x62: {  	s31 =	sshra.s32 s18, $0x2;
	s0 =	smov.u32 s28;
	[sflag:s20] =	ssyncset.done $0x0  }
0x63: {  	s0 =	sadd.s32 $0x80, s31;
	[sflag:s20] =	ssyncadd.s32 $0xFFFFE000  }
0x64: {  	[tilespmem:s26], [sflag:$0x2] =	stream.indirect.gather [spmem:s2], $0x40, s0, s23, $0xb8;
	[tilespmem:$0x1F000] =	vst v63  }
0x65: {  	_ =	swait.ge [sflag:s21], $0x2000  }
0x66: {  	[sflag:s21] =	ssyncset.done $0x0  }
0x67: {  	s28 =	sadd.s32 $0x2800, s31;
	[sflag:s21] =	ssyncadd.s32 $0xFFFFE000  }
0x68: {  	[spmem:s3] =	stream.indirect.scatter.add.f32 [tilespmem:s24], [sflag:$0x3], $0x40, s28, s23, $0xb8;
	[tilespmem:$0x1F000] =	vst v63  }
0x69: {  	_ =	swait.ge [sflag:s20], $0x2000  }
0x6a: {  	[sflag:s20] =	ssyncset.done $0x0  }
0x6b: {  	s1 =	sadd.s32 $0x100, s31;
	[sflag:s20] =	ssyncadd.s32 $0xFFFFE000  }
0x6c: {  	[tilespmem:s24], [sflag:$0x1] =	stream.indirect.gather [spmem:s2], $0x40, s1, s23, $0xb8;
	[tilespmem:$0x1F000] =	vst v63  }
0x6d: {  	_ =	swait.ge [sflag:s22], $0x2000  }
0x6e: {  	[sflag:s22] =	ssyncset.done $0x0  }
0x6f: {  	s18 =	sadd.s32 $0x2880, s31;
	[sflag:s22] =	ssyncadd.s32 $0xFFFFE000  }
0x70: {  	[spmem:s3] =	stream.indirect.scatter.add.f32 [tilespmem:s26], [sflag:$0x3], $0x40, s18, s23, $0xb8;
	[tilespmem:$0x1F000] =	vst v63  }
0x71: {  	_ =	swait.ge [sflag:s20], $0x2000  }
0x72: {  	[sflag:s20] =	ssyncset.done $0x0  }
0x73: {  	s28 =	simm.s32 $0x2780;
	[sflag:s20] =	ssyncadd.s32 $0xFFFFE000  }
0x74: {  	[tilespmem:s26], [sflag:$0x2] =	stream.indirect.gather [spmem:s2], $0x40, s28, s23, $0xb8;
	[tilespmem:$0x1F000] =	vst v63  }
0x75: {  	_ =	swait.ge [sflag:s21], $0x2000  }
0x76: {  	[sflag:s21] =	ssyncset.done $0x0  }
0x77: {  	[sflag:s21] =	ssyncadd.s32 $0xFFFFE000  }
0x78: {  	[spmem:s3] =	stream.indirect.scatter.add.f32 [tilespmem:s24], [sflag:$0x3], $0x40, s29, s23, $0xb8;
	[tilespmem:$0x1F000] =	vst v63  }
0x79: {  	_ =	swait.ge [sflag:s20], $0x2000  }
0x7a: {  	[sflag:s20] =	ssyncset.done $0x0  }
0x7b: {  	[sflag:s20] =	ssyncadd.s32 $0xFFFFE000  }
0x7c: {  	_ =	swait.ge [sflag:s22], $0x2000  }
0x7d: {  	[sflag:s22] =	ssyncset.done $0x0  }
0x7e: {  	[sflag:s22] =	ssyncadd.s32 $0xFFFFE000  }
0x7f: {  	[spmem:s3] =	stream.indirect.scatter.add.f32 [tilespmem:s26], [sflag:$0x3], $0x40, s30, s23, $0xb8;
	[tilespmem:$0x1F000] =	vst v63  }
0x80: {  	_ =	swait.ge [sflag:s20], $0x2000  }
0x81: {  	s4 =	sadd.s32 $0x1, s4;
	[sflag:s20] =	ssyncset.done $0x0  }
0x82: {  	p0 =	sne.s32 s4, s12;
	[sflag:s20] =	ssyncadd.s32 $0xFFFFE000  }
.Ltmp2:
0x83: {  	s31 =	sor.u32 $0x1C03, s5;
	[bflag:$0x0] =	sbarrier.arrive $0xFFFF;
	(pc) =	sbr.rel @p0 .LBB2_1-.Ltmp2, $4  }
0x84: {  	[hbm:s11], [sflag:s31] =	dma.local [spmem:s25], $0x1400  }
0x85: {  	_ =	swait.ge [sflag:s20], $0x1400  }
0x86: {  	[sflag:s20] =	ssyncset.done $0x0  }
0x87: {  	[sflag:s20] =	ssyncadd.s32 $0xFFFFEC00  }
0x88: {  	_ =	sfence.sel $0x180000  }
0x89: {  	[bflag:$0x0] =	sbarrier.arrive $0xFFFF  }
0x8a: {  	_ =	strace $0x9000004A  }
0x8b: {  	s0 =	stileid.u32;
	[bflag:$0x2] =	sbarrier.arrive $0xFFFF  }
0x8c: {  	p0 =	sne.s32 s0, $0x0;
	s0 =	rddreg [dreg:$0x3]  }
0x8d: {  	s0 =	sadd.s32 @!p0 $0x100000, s0  }
0x8e: {  	[sflag:s0] =	ssyncadd.tile.s32 @!p0 $0x1;
	_ =	shalt  }
.Lfunc_end2:
_tile_overlayer_lowered:
.L_overlay_start_2:
0x8f: {  	(tag) =	ssettag $0x2  }
0x90: {  	s0 =	rddreg [dreg:$0x0];
	s2 =	stileid.u32  }
0x91: {  	s1 =	rddreg [dreg:$0x1];
	p0 =	sne.s32 s2, $0x0  }
0x92: {  	s3 =	rddreg [dreg:$0x2];
	[bflag:$0x3] =	sbarrier.arrive $0xFFFF;
	s2 =	simm.s32 @!p0 $0x1C03  }
0x93: {  	[timem:s3], [sflag:s2] =	dma.local @!p0 [hbm:s0], s1  }
0x94: {  	s0 =	simm.s32 @!p0 $0x3  }
0x95: {  	_ =	swait.ge @!p0 [sflag:s0], s1  }
0x96: {  	s1 =	ssub.s32 @!p0 $0x0, s1;
	[sflag:s0] =	ssyncset.done @!p0 $0x0  }
0x97: {  	[sflag:s0] =	ssyncadd.s32 @!p0 s1  }
0x98: {  	[bflag:$0x3] =	sbarrier.arrive $0xFFFF  }
0x99: {  	_ =	shalt  }

// kernel: kernel.14.cloned.1.call-start
scs
__scs_entry_jumppad:
0x0: {  	(pc) =	sbr.rel $0x88, $3  }
0x1: {  	(tag) =	ssettag $0x0;
	lr =	simm.s32 $0x1  }
0x2: {  	[smem:$0x3F9B] =	sst lr;
	_ =	strace $0xD0000000  }
0x3: {  	_ = 	snop  }
0x4: {  	_ = 	snop  }
0x5: {  	_ = 	snop  }
0x6: {  	_ = 	snop  }
0x7: {  	_ = 	snop  }
__scs_overlays_trampoline_lowered:
0x8: {  	[smem:$0x3FAA] =	sst s0  }
0x9: {  	[smem:$0x3FAB] =	sst s1  }
0xa: {  	[smem:$0x3FAC] =	sst s2  }
0xb: {  	[smem:$0x3FAD] =	sst s3  }
0xc: {  	[smem:$0x3FAE] =	sst s4  }
0xd: {  	[smem:$0x3FAF] =	sst s5  }
0xe: {  	[smem:$0x3FB0] =	sst s6  }
0xf: {  	[smem:$0x3FB1] =	sst s7  }
0x10: {  	[smem:$0x3FB2] =	sst s8  }
0x11: {  	[smem:$0x3FB3] =	sst s9;
	s0 =	simm.s32 @!p0 $0x0  }
0x12: {  	s1 =	sld [smem:$0x3F99];
	s0 =	simm.s32 @p0 $0x1  }
0x13: {  	[smem:$0x3FB4] =	sst s0;
	s0 =	simm.s32 @!p1 $0x0  }
0x14: {  	s2 =	sld [smem:$0x3F98];
	s0 =	simm.s32 @p1 $0x1  }
0x15: {  	[smem:$0x3FB5] =	sst s0;
	s0 =	simm.s32 @!p2 $0x0  }
0x16: {  	s3 =	sld [smem:$0x3FDB];
	s0 =	simm.s32 @p2 $0x1  }
0x17: {  	s4 =	simm.s32 $0x1BF5;
	[smem:$0x3FB7] =	sst s0  }
0x18: {  	s0 =	sld [smem:$0x3F9A];
	_ =	swait.ge [sflag:s4], $0x0  }
0x19: {  	s7 =	sld [smem:$0x3F9B]  }
0x1a: {  	s8 =	sadd.s32 $0xFFFFE003, lr  }
0x1b: {  	s9 =	sadd.s32 $0xFFFFFEF7, lr;
	s5 =	simm.s32 $0xFFFFFFFF;
	p2 =	slt.u32 s8, $0xFFFFF086  }
0x1c: {  	p1 =	slt.u32 s9, $0xF7A;
	s5 =	simm.s32 @!p2 $0x0  }
0x1d: {  	s5 =	simm.s32 @p1 $0x1;
	p0 =	seq.s32 s7, s2  }
0x1e: {  	s7 =	smul.u32 @!p0 $0xF7A, s2;
	p2 =	seq.s32 @!p0 s5, $0x0  }
0x1f: {  	s9 =	smul.u32 $0xF7A, s1;
	s8 =	simm.s32 @!p0 $0x1BF5;
	p2 =	por !p2, p0  }
0x20: {  	[sflag:s8] =	ssyncset.s32 @!p0 $0xFFFFF086;
	s6 =	sadd.s32 @!p0 s3, s7;
	s7 =	simm.s32 @!p0 $0x108  }
0x21: {  	s3 =	sadd.s32 s3, s9;
	s6 =	sadd.s32 @!p0 $0x88, s6;
	s7 =	simm.s32 @p2 $0x1082  }
0x22: {  	[simem:s7], [sflag:s8] =	dma.local @!p0 [hbm:s6], $0xF7A  }
0x23: {  	s9 =	sor.u32 $0xD0000000, s2;
	s6 =	simm.s32 $0x108;
	_ =	swait.ge @!p0 [sflag:s8], $0x0  }
0x24: {  	s3 =	sadd.s32 $0x88, s3;
	s6 =	simm.s32 @!p1 $0x1082;
	[sflag:s4] =	ssyncset.s32 $0xFFFFF086  }
0x25: {  	[simem:s6], [sflag:s4] =	dma.local [hbm:s3], $0xF7A  }
0x26: {  	[smem:$0x3F9B] =	sst s1;
	(tag) =	ssettag s2;
	_ =	strace s9  }
0x27: {  	s1 =	sld [smem:$0x3FAB]  }
0x28: {  	s2 =	sld [smem:$0x3FAC]  }
0x29: {  	s4 =	sld [smem:$0x3FAE]  }
0x2a: {  	p0 =	seq.s32 s5, $0x0;
	s5 =	sld [smem:$0x3FAF]  }
0x2b: {  	s6 =	sld [smem:$0x3FB0]  }
0x2c: {  	s7 =	sld [smem:$0x3FB1]  }
0x2d: {  	s3 =	simm.s32 $0x108;
	s8 =	sld [smem:$0x3FB2]  }
0x2e: {  	s3 =	simm.s32 @!p0 $0x1082;
	s9 =	sld [smem:$0x3FB3]  }
0x2f: {  	lr =	sadd.s32 s0, s3;
	s0 =	sld [smem:$0x3FAA]  }
0x30: {  	s3 =	sld [smem:$0x3FAD]  }
0x31: {  	[smem:$0x3FB6] =	sst s10  }
0x32: {  	s10 =	sld [smem:$0x3FB4];
	_ =	sdelay $0x3  }
0x33: {  	p0 =	seq.s32 s10, $0x1;
	s10 =	sld [smem:$0x3FB6];
	_ =	sdelay $0x3  }
0x34: {  	[smem:$0x3FB6] =	sst s10  }
0x35: {  	s10 =	sld [smem:$0x3FB5];
	_ =	sdelay $0x3  }
0x36: {  	p1 =	seq.s32 s10, $0x1;
	s10 =	sld [smem:$0x3FB6];
	_ =	sdelay $0x3  }
0x37: {  	[smem:$0x3FB6] =	sst s10  }
0x38: {  	s10 =	sld [smem:$0x3FB7]  }
0x39: {  	_ = 	snop;
	(pc) =	sbr.ind lr, $3  }
0x3a: {  	_ = 	snop  }
0x3b: {  	_ = 	snop  }
0x3c: {  	p2 =	seq.s32 s10, $0x1;
	s10 =	sld [smem:$0x3FB6]  }
0x3d: {  	_ =	shalt  }
0x3e: {  	_ =	shalt  }
0x3f: {  	_ =	shalt  }
0x40: {  	_ =	shalt  }
0x41: {  	_ =	shalt  }
0x42: {  	_ =	shalt  }
0x43: {  	_ =	shalt  }
0x44: {  	_ =	shalt  }
0x45: {  	_ =	shalt  }
0x46: {  	_ =	shalt  }
0x47: {  	_ =	shalt  }
0x48: {  	_ =	shalt  }
0x49: {  	_ =	shalt  }
0x4a: {  	_ =	shalt  }
0x4b: {  	_ =	shalt  }
0x4c: {  	_ =	shalt  }
0x4d: {  	_ =	shalt  }
0x4e: {  	_ =	shalt  }
0x4f: {  	_ =	shalt  }
0x50: {  	_ =	shalt  }
0x51: {  	_ =	shalt  }
0x52: {  	_ =	shalt  }
0x53: {  	_ =	shalt  }
0x54: {  	_ =	shalt  }
0x55: {  	_ =	shalt  }
0x56: {  	_ =	shalt  }
0x57: {  	_ =	shalt  }
0x58: {  	_ =	shalt  }
0x59: {  	_ =	shalt  }
0x5a: {  	_ =	shalt  }
0x5b: {  	_ =	shalt  }
0x5c: {  	_ =	shalt  }
0x5d: {  	_ =	shalt  }
0x5e: {  	_ =	shalt  }
0x5f: {  	_ =	shalt  }
0x60: {  	_ =	shalt  }
0x61: {  	_ =	shalt  }
0x62: {  	_ =	shalt  }
0x63: {  	_ =	shalt  }
0x64: {  	_ =	shalt  }
0x65: {  	_ =	shalt  }
0x66: {  	_ =	shalt  }
0x67: {  	_ =	shalt  }
0x68: {  	_ =	shalt  }
0x69: {  	_ =	shalt  }
0x6a: {  	_ =	shalt  }
0x6b: {  	_ =	shalt  }
0x6c: {  	_ =	shalt  }
0x6d: {  	_ =	shalt  }
0x6e: {  	_ =	shalt  }
0x6f: {  	_ =	shalt  }
0x70: {  	_ =	shalt  }
0x71: {  	_ =	shalt  }
0x72: {  	_ =	shalt  }
0x73: {  	_ =	shalt  }
0x74: {  	_ =	shalt  }
0x75: {  	_ =	shalt  }
0x76: {  	_ =	shalt  }
0x77: {  	_ =	shalt  }
0x78: {  	_ =	shalt  }
0x79: {  	_ =	shalt  }
0x7a: {  	_ =	shalt  }
0x7b: {  	_ =	shalt  }
0x7c: {  	_ =	shalt  }
0x7d: {  	_ =	shalt  }
0x7e: {  	_ =	shalt  }
0x7f: {  	_ =	shalt  }
0x80: {  	_ =	shalt  }
0x81: {  	_ =	shalt  }
0x82: {  	_ =	shalt  }
0x83: {  	_ =	shalt  }
0x84: {  	_ =	shalt  }
0x85: {  	_ =	shalt  }
0x86: {  	_ =	shalt  }
0x87: {  	_ =	shalt  }
.Lfunc_end0:
.L_simem_size_0:
called_computation.2_lowered:
.L_overlay_start_0:
0x88: {  	s2 =	sld [smem:$0x3FD9]  }
0x89: {  	s3 =	sld [smem:$0x3FFE];
	_ =	sdelay $0x1  }
0x8a: {  	s1 =	srdreg.scid  }
0x8b: {  	s0 =	sand.u32 $0x1, s1  }
0x8c: {  	s16 =	sshll.u32 s0, $0xA;
	s2 =	sadd.s32 s3, s2  }
0x8d: {  	s2 =	sadd.s32 s2, s16  }
0x8e: {  	[smem:$0x3FC2] =	sst s2  }
0x8f: {  	_ = 	snop  }
0x90: {  	(tm) =	ssettm $0x1  }
0x91: {  	s17 =	sld [smem:$0x3FFB];
	_ =	sdelay $0x3  }
0x92: {  	_ =	strace s17  }
0x93: {  	s2 =	sld [smem:$0x3FFC];
	_ =	sdelay $0x3  }
0x94: {  	_ =	strace s2  }
0x95: {  	s2 =	sld [smem:$0x3FFD];
	_ =	sdelay $0x3  }
0x96: {  	_ =	strace s2  }
0x97: {  	_ =	strace $0x8FFFFFFF  }
0x98: {  	s18 =	sld [smem:$0x3FDB];
	_ =	sdelay $0x1  }
0x99: {  	s19 =	simm.s32 $_scs_section_size  }
0x9a: {  	s4 =	simm.s32 $_size__tile_overlayer_lowered;
	s5 =	simm.s32 $_tile_overlayer_lowered  }
0x9b: {  	s22 =	simm.s32 $0x1BFF;
	s21 =	sshll.u32 s5, $0x1;
	s2 =	sadd.s32 s19, s18  }
0x9c: {  	s6 =	simm.s32 $0x0;
	s20 =	sshll.u32 s4, $0x1;
	s4 =	sadd.s32 s21, s2  }
0x9d: {  	[timem:s6], [sflag:s22] =	dma.local [hbm:s4], s20  }
0x9e: {  	_ =	swait.ge [sflag:s22], s20  }
0x9f: {  	s3 =	ssub.s32 $0x0, s20;
	[sflag:s22] =	ssyncset.done $0x0  }
0xa0: {  	[sflag:s22] =	ssyncadd.s32 s3;
	_ =	sdelay $0x1  }
0xa1: {  	s23 =	simm.s32 $0x1B8B  }
0xa2: {  	_ =	swait.ge [sflag:s23], $0x1  }
0xa3: {  	[sflag:s23] =	ssyncset.done $0x0  }
0xa4: {  	s25 =	simm.s32 $0x1B8E;
	s24 =	sld [smem:$0x3FFE];
	[sflag:s23] =	ssyncadd.s32 $0xFFFFFFFF  }
0xa5: {  	s26 =	simm.s32 $execute0_lowered;
	[smem:$0x3FD2] =	sst s25  }
0xa6: {  	s4 =	sshll.u32 s26, $0x1;
	_ =	strace $0x8000004C;
	[dreg:$0x1] =	wrdreg $0xFFFFFFFF  }
0xa7: {  	s28 =	simm.s32 $_size_execute0_lowered;
	s2 =	sadd.s32 s2, s4;
	[dreg:$0x0] =	wrdreg $0x0  }
0xa8: {  	s4 =	sshll.u32 s28, $0x1;
	[dreg:$0x2] =	wrdreg s2  }
0xa9: {  	[dreg:$0x3] =	wrdreg s4  }
0xaa: {  	[dreg:$0x4] =	wrdreg $0xC0  }
0xab: {  	_ =	task [dreg:s6], $0x5FFFF  }
0xac: {  	[dreg:$0x1] =	wrdreg $0xFFFFFFFF  }
0xad: {  	[dreg:$0x0] =	wrdreg $0x60  }
0xae: {  	[dreg:$0x2] =	wrdreg s24  }
0xaf: {  	[dreg:$0x3] =	wrdreg $0x68000  }
0xb0: {  	[dreg:$0x4] =	wrdreg $0x90000  }
0xb1: {  	[dreg:$0x5] =	wrdreg $0x9  }
0xb2: {  	_ =	task.clear_ibuf [dreg:s6], $0x6FFFF;
	_ =	strace $0x9000004C  }
0xb3: {  	s29 =	simm.s32 $0x9;
	_ =	strace $0x8000004E  }
0xb4: {  	_ =	swait.ge [sflag:s29], $0x1  }
0xb5: {  	[sflag:s29] =	ssyncadd.s32 $0xFFFFFFFF  }
0xb6: {  	_ =	strace $0x9000004E  }
0xb7: {  	_ =	sfence  }
0xb8: {  	s30 =	sld [smem:$0x0];
	_ =	sdelay $0x2  }
0xb9: {  	s31 =	sshll.u32 s1, $0xD;
	s1 =	sshrl.u32 s1, $0x2  }
0xba: {  	s3 =	sand.u32 $0x4000, s31;
	s1 =	sadd.s32 s1, s30  }
0xbb: {  	s0 =	sor.u32 s3, s0;
	s1 =	sshll.u32 s1, $0x11  }
0xbc: {  	s0 =	sor.u32 s1, s0  }
0xbd: {  	s0 =	sadd.s32 $0x8F2B, s0  }
0xbe: {  	[sflag:s0] =	ssyncadd.remote.s32 $0x1  }
0xbf: {  	_ =	sfence.sel $0xFFFF  }
0xc0: {  	[dreg:$0x0] =	wrdreg $0xFFFFFFFF;
	(pc) =	sbr.abs _section_cstart, $3  }
0xc1: {  	[dreg:$0x1] =	wrdreg $0xFFFFFFFF  }
0xc2: {  	_ =	task.clear_ibuf [dreg:s6], $0x2FFFF;
	_ =	strace $0x9FFFFFFF  }
0xc3: {  	(tm) =	ssettm $0x7FFFFFFF  }
tec
execute0_lowered:
.L_overlay_start_1:
0x0: {  	(tag) =	ssettag $0x1  }
0x1: {  	s0 =	rddreg [dreg:$0x0]  }
0x2: {  	s2 =	rddreg [dreg:$0x1]  }
0x3: {  	s3 =	rddreg [dreg:$0x2]  }
0x4: {  	s1 =	stileid.u32;
	s4 =	srdreg.scid;
	s19 =	simm.s32 $0x6000  }
0x5: {  	s20 =	simm.s32 $0x3;
	s21 =	simm.s32 $0x1;
	s22 =	simm.s32 $0x2  }
0x6: {  	s23 =	simm.s32 $0x80;
	s24 =	simm.s32 $0x5000;
	s26 =	simm.s32 $0x5800  }
0x7: {  	s29 =	simm.s32 $0x4F00;
	s30 =	simm.s32 $0x4F80;
	s12 =	smul.u32 $0x2800, s1  }
0x8: {  	s5 =	sand.u32 $0x1, s4;
	s6 =	sshll.u32 s1, $0x1;
	s10 =	smul.u32 $0xA000, s1  }
0x9: {  	s4 =	simm.s32 $0x0;
	s6 =	sor.u32 s5, s6;
	s7 =	smul.u32 $0x28000, s5  }
0xa: {  	[smem:$0x7FF] =	sst s4;
	s5 =	ssub.s32 $0x2, s5;
	s8 =	sshrl.u32 s12, $0x3  }
0xb: {  	s6 =	smul.u32 $0x2800, s6;
	_ =	strace $0x8000004D;
	s28 =	sshrl.u32 s5, $0x1  }
0xc: {  	s17 =	sadd.s32 s12, s2;
	s10 =	sshrl.u32 s10, $0x2;
	s31 =	sadd.s32 s12, s3  }
0xd: {  	s8 =	sadd.s32 s8, s0;
	s7 =	sadd.s32 s12, s7;
	s13 =	ssub.s32 s5, s28  }
0xe: {  	s5 =	sshll.u32 s1, $0x6;
	s10 =	sadd.s32 s10, s3;
	s17 =	sshrl.u32 s17, $0x3  }
0xf: {  	s25 =	sshrl.u32 s31, $0x3;
	s6 =	sshrl.u32 s6, $0x3;
	s7 =	sshrl.u32 s7, $0x3  }
0x10: {  	s12 =	smax.u32 s13, $0x1;
	s13 =	sadd.s32 $0x800, s10;
	s14 =	sadd.s32 $0x1000, s10  }
0x11: {  	s15 =	sadd.s32 $0x1800, s10;
	s16 =	sadd.s32 $0x2000, s10;
	s9 =	sadd.s32 s6, s0  }
0x12: {  	s0 =	sadd.s32 s7, s0;
	s6 =	sadd.s32 $0x16A00, s8;
	s7 =	sor.u32 $0x1C01, s5  }
0x13: {  	v0 =	vimm.f32 $0.0e+00;
	s8 =	sadd.s32 $0x2A00, s9;
	s9 =	sadd.s32 $0xCA00, s9;
	s11 =	sadd.s32 $0x1BA00, s0  }
.LBB2_1:
0x14: {  	s31 =	simm.s32 $0x40;
	s0 =	simm.s32 $0x0  }
.LBB2_2:
0x15: {  	p0 =	sne.s32 s31, $0x1FC0;
	[tilespmem:s0+$0x6000] =	vst v0;
	s0 =	smov.u32 s31;
	s31 =	sadd.s32 $0x40, s31  }
.Ltmp0:
0x16: {  	(pc) =	sbr.rel @p0 .LBB2_2-.Ltmp0, $2  }
0x17: {  	_ =	sdelay $0x2  }
0x18: {  	s0 =	sshra.s32 s0, $0x2  }
0x19: {  	[tilespmem:s0+$0x6000] =	vst v0;
	s18 =	simm.s32 $0x0  }
0x1a: {  	[spmem:s17], [sflag:s7] =	dma.local [hbm:s6], $0x500  }
0x1b: {  	[tilespmem:s18], [sflag:$0x2] =	stream.linear.gather [hbm4b:s8+s18], $0x2800, $0x38;
	[tilespmem:$0xB800] =	vst v63  }
0x1c: {  	s1 =	simm.s32 $0x2800  }
0x1d: {  	[tilespmem:s1], [sflag:$0x2] =	stream.linear.gather [hbm4b:s9+s18], $0x2800, $0x38;
	[tilespmem:$0xB800] =	vst v63  }
0x1e: {  	_ = 	snop  }
0x1f: {  	[spmem:s10] =	stream.linear.scatter [tilespmem:s19], [sflag:$0x3], $0x800, $0x38;
	[tilespmem:$0xB800] =	vst v63  }
0x20: {  	_ =	swait.ge [sflag:s20], $0x800  }
0x21: {  	[sflag:s20] =	ssyncset.done $0x0  }
0x22: {  	[sflag:s20] =	ssyncadd.s32 $0xFFFFF800  }
0x23: {  	[spmem:s13] =	stream.linear.scatter [tilespmem:s19], [sflag:$0x3], $0x800, $0x38;
	[tilespmem:$0xB800] =	vst v63  }
0x24: {  	_ =	swait.ge [sflag:s20], $0x800  }
0x25: {  	[sflag:s20] =	ssyncset.done $0x0  }
0x26: {  	[sflag:s20] =	ssyncadd.s32 $0xFFFFF800  }
0x27: {  	[spmem:s14] =	stream.linear.scatter [tilespmem:s19], [sflag:$0x3], $0x800, $0x38;
	[tilespmem:$0xB800] =	vst v63  }
0x28: {  	_ =	swait.ge [sflag:s20], $0x800  }
0x29: {  	[sflag:s20] =	ssyncset.done $0x0  }
0x2a: {  	[sflag:s20] =	ssyncadd.s32 $0xFFFFF800  }
0x2b: {  	[spmem:s15] =	stream.linear.scatter [tilespmem:s19], [sflag:$0x3], $0x800, $0x38;
	[tilespmem:$0xB800] =	vst v63  }
0x2c: {  	_ =	swait.ge [sflag:s20], $0x800  }
0x2d: {  	[sflag:s20] =	ssyncset.done $0x0  }
0x2e: {  	[sflag:s20] =	ssyncadd.s32 $0xFFFFF800  }
0x2f: {  	[spmem:s16] =	stream.linear.scatter [tilespmem:s19], [sflag:$0x3], $0x800, $0x38;
	[tilespmem:$0xB800] =	vst v63  }
0x30: {  	_ =	swait.ge [sflag:s20], $0x800  }
0x31: {  	[sflag:s20] =	ssyncset.done $0x0  }
0x32: {  	[sflag:s20] =	ssyncadd.s32 $0xFFFFF800  }
0x33: {  	_ =	swait.ge [sflag:s21], $0x500  }
0x34: {  	[sflag:s21] =	ssyncset.done $0x0  }
0x35: {  	[sflag:s21] =	ssyncadd.s32 $0xFFFFFB00  }
0x36: {  	_ =	swait.ge [sflag:s22], $0x2800  }
0x37: {  	[sflag:s22] =	ssyncset.done $0x0  }
0x38: {  	[sflag:s22] =	ssyncadd.s32 $0xFFFFD800  }
0x39: {  	_ =	swait.ge [sflag:s22], $0x2800  }
0x3a: {  	[sflag:s22] =	ssyncset.done $0x0  }
0x3b: {  	[sflag:s22] =	ssyncadd.s32 $0xFFFFD800  }
0x3c: {  	[bflag:$0x0] =	sbarrier.arrive $0xFFFF  }
0x3d: {  	[tilespmem:s24], [sflag:$0x1] =	stream.indirect.gather [spmem:s2], $0x10, s18, s23, $0xb8;
	[tilespmem:$0xB800] =	vst v63  }
0x3e: {  	s28 =	simm.s32 $0x80  }
0x3f: {  	[tilespmem:s26], [sflag:$0x2] =	stream.indirect.gather [spmem:s2], $0x10, s28, s23, $0xb8;
	[tilespmem:$0xB800] =	vst v63  }
0x40: {  	_ =	swait.ge [sflag:s21], $0x800  }
0x41: {  	[sflag:s21] =	ssyncset.done $0x0  }
0x42: {  	s1 =	simm.s32 $0x2800;
	[sflag:s21] =	ssyncadd.s32 $0xFFFFF800  }
0x43: {  	[spmem:s3] =	stream.indirect.scatter.add.f32 [tilespmem:s24], [sflag:$0x3], $0x10, s1, s23, $0xb8;
	[tilespmem:$0xB800] =	vst v63  }
0x44: {  	_ =	swait.ge [sflag:s20], $0x800  }
0x45: {  	[sflag:s20] =	ssyncset.done $0x0  }
0x46: {  	s18 =	simm.s32 $0x100;
	[sflag:s20] =	ssyncadd.s32 $0xFFFFF800  }
0x47: {  	[tilespmem:s24], [sflag:$0x1] =	stream.indirect.gather [spmem:s2], $0x10, s18, s23, $0xb8;
	[tilespmem:$0xB800] =	vst v63  }
0x48: {  	_ =	swait.ge [sflag:s22], $0x800  }
0x49: {  	[sflag:s22] =	ssyncset.done $0x0  }
0x4a: {  	s28 =	simm.s32 $0x2880;
	[sflag:s22] =	ssyncadd.s32 $0xFFFFF800  }
0x4b: {  	[spmem:s3] =	stream.indirect.scatter.add.f32 [tilespmem:s26], [sflag:$0x3], $0x10, s28, s23, $0xb8;
	[tilespmem:$0xB800] =	vst v63  }
0x4c: {  	_ =	swait.ge [sflag:s20], $0x800  }
0x4d: {  	s0 =	simm.s32 $0x800;
	s31 =	simm.s32 $0x100;
	[sflag:s20] =	ssyncset.done $0x0  }
.LBB2_4:
0x4e: {  	s1 =	sadd.s32 $0x80, s31  }
0x4f: {  	[sflag:s20] =	ssyncadd.s32 $0xFFFFF800;
	s18 =	smov.u32 s0;
	s28 =	sadd.s32 $0x400, s0  }
0x50: {  	[tilespmem:s26], [sflag:$0x2] =	stream.indirect.gather [spmem:s2], $0x10, s1, s23, $0xb8;
	[tilespmem:$0xB800] =	vst v63  }
0x51: {  	p0 =	sne.s32 s0, $0x9800;
	_ =	swait.ge [sflag:s21], $0x800  }
0x52: {  	[sflag:s21] =	ssyncset.done $0x0  }
0x53: {  	s0 =	sadd.s32 $0x2800, s31;
	[sflag:s21] =	ssyncadd.s32 $0xFFFFF800  }
0x54: {  	[spmem:s3] =	stream.indirect.scatter.add.f32 [tilespmem:s24], [sflag:$0x3], $0x10, s0, s23, $0xb8;
	[tilespmem:$0xB800] =	vst v63  }
0x55: {  	_ =	swait.ge [sflag:s20], $0x800  }
0x56: {  	[sflag:s20] =	ssyncset.done $0x0  }
0x57: {  	s0 =	sadd.s32 $0x100, s31;
	[sflag:s20] =	ssyncadd.s32 $0xFFFFF800  }
0x58: {  	[tilespmem:s24], [sflag:$0x1] =	stream.indirect.gather [spmem:s2], $0x10, s0, s23, $0xb8;
	[tilespmem:$0xB800] =	vst v63  }
0x59: {  	_ =	swait.ge [sflag:s22], $0x800  }
.Ltmp1:
0x5a: {  	[sflag:s22] =	ssyncset.done $0x0;
	(pc) =	sbr.rel @p0 .LBB2_4-.Ltmp1, $4  }
0x5b: {  	s0 =	sadd.s32 $0x2880, s31;
	[sflag:s22] =	ssyncadd.s32 $0xFFFFF800  }
0x5c: {  	[spmem:s3] =	stream.indirect.scatter.add.f32 [tilespmem:s26], [sflag:$0x3], $0x10, s0, s23, $0xb8;
	[tilespmem:$0xB800] =	vst v63  }
0x5d: {  	_ =	swait.ge [sflag:s20], $0x800  }
0x5e: {  	s31 =	sshra.s32 s18, $0x2;
	s0 =	smov.u32 s28;
	[sflag:s20] =	ssyncset.done $0x0  }
0x5f: {  	s0 =	sadd.s32 $0x80, s31;
	[sflag:s20] =	ssyncadd.s32 $0xFFFFF800  }
0x60: {  	[tilespmem:s26], [sflag:$0x2] =	stream.indirect.gather [spmem:s2], $0x10, s0, s23, $0xb8;
	[tilespmem:$0xB800] =	vst v63  }
0x61: {  	_ =	swait.ge [sflag:s21], $0x800  }
0x62: {  	[sflag:s21] =	ssyncset.done $0x0  }
0x63: {  	s28 =	sadd.s32 $0x2800, s31;
	[sflag:s21] =	ssyncadd.s32 $0xFFFFF800  }
0x64: {  	[spmem:s3] =	stream.indirect.scatter.add.f32 [tilespmem:s24], [sflag:$0x3], $0x10, s28, s23, $0xb8;
	[tilespmem:$0xB800] =	vst v63  }
0x65: {  	_ =	swait.ge [sflag:s20], $0x800  }
0x66: {  	[sflag:s20] =	ssyncset.done $0x0  }
0x67: {  	s1 =	sadd.s32 $0x100, s31;
	[sflag:s20] =	ssyncadd.s32 $0xFFFFF800  }
0x68: {  	[tilespmem:s24], [sflag:$0x1] =	stream.indirect.gather [spmem:s2], $0x10, s1, s23, $0xb8;
	[tilespmem:$0xB800] =	vst v63  }
0x69: {  	_ =	swait.ge [sflag:s22], $0x800  }
0x6a: {  	[sflag:s22] =	ssyncset.done $0x0  }
0x6b: {  	s18 =	sadd.s32 $0x2880, s31;
	[sflag:s22] =	ssyncadd.s32 $0xFFFFF800  }
0x6c: {  	[spmem:s3] =	stream.indirect.scatter.add.f32 [tilespmem:s26], [sflag:$0x3], $0x10, s18, s23, $0xb8;
	[tilespmem:$0xB800] =	vst v63  }
0x6d: {  	_ =	swait.ge [sflag:s20], $0x800  }
0x6e: {  	[sflag:s20] =	ssyncset.done $0x0  }
0x6f: {  	s28 =	simm.s32 $0x2780;
	[sflag:s20] =	ssyncadd.s32 $0xFFFFF800  }
0x70: {  	[tilespmem:s26], [sflag:$0x2] =	stream.indirect.gather [spmem:s2], $0x10, s28, s23, $0xb8;
	[tilespmem:$0xB800] =	vst v63  }
0x71: {  	_ =	swait.ge [sflag:s21], $0x800  }
0x72: {  	[sflag:s21] =	ssyncset.done $0x0  }
0x73: {  	[sflag:s21] =	ssyncadd.s32 $0xFFFFF800  }
0x74: {  	[spmem:s3] =	stream.indirect.scatter.add.f32 [tilespmem:s24], [sflag:$0x3], $0x10, s29, s23, $0xb8;
	[tilespmem:$0xB800] =	vst v63  }
0x75: {  	_ =	swait.ge [sflag:s20], $0x800  }
0x76: {  	[sflag:s20] =	ssyncset.done $0x0  }
0x77: {  	[sflag:s20] =	ssyncadd.s32 $0xFFFFF800  }
0x78: {  	_ =	swait.ge [sflag:s22], $0x800  }
0x79: {  	[sflag:s22] =	ssyncset.done $0x0  }
0x7a: {  	[sflag:s22] =	ssyncadd.s32 $0xFFFFF800  }
0x7b: {  	[spmem:s3] =	stream.indirect.scatter.add.f32 [tilespmem:s26], [sflag:$0x3], $0x10, s30, s23, $0xb8;
	[tilespmem:$0xB800] =	vst v63  }
0x7c: {  	_ =	swait.ge [sflag:s20], $0x800  }
0x7d: {  	s4 =	sadd.s32 $0x1, s4;
	[sflag:s20] =	ssyncset.done $0x0  }
0x7e: {  	p0 =	sne.s32 s4, s12;
	[sflag:s20] =	ssyncadd.s32 $0xFFFFF800  }
.Ltmp2:
0x7f: {  	s31 =	sor.u32 $0x1C03, s5;
	[bflag:$0x0] =	sbarrier.arrive $0xFFFF;
	(pc) =	sbr.rel @p0 .LBB2_1-.Ltmp2, $4  }
0x80: {  	[hbm:s11], [sflag:s31] =	dma.local [spmem:s25], $0x500  }
0x81: {  	_ =	swait.ge [sflag:s20], $0x500  }
0x82: {  	[sflag:s20] =	ssyncset.done $0x0  }
0x83: {  	[sflag:s20] =	ssyncadd.s32 $0xFFFFFB00  }
0x84: {  	_ =	sfence.sel $0x180000  }
0x85: {  	[bflag:$0x0] =	sbarrier.arrive $0xFFFF  }
0x86: {  	_ =	strace $0x9000004D  }
0x87: {  	s0 =	stileid.u32;
	[bflag:$0x2] =	sbarrier.arrive $0xFFFF  }
0x88: {  	p0 =	sne.s32 s0, $0x0;
	s0 =	rddreg [dreg:$0x3]  }
0x89: {  	s0 =	sadd.s32 @!p0 $0x100000, s0  }
0x8a: {  	[sflag:s0] =	ssyncadd.tile.s32 @!p0 $0x1;
	_ =	shalt  }
.Lfunc_end2:
_tile_overlayer_lowered:
.L_overlay_start_2:
0x8b: {  	(tag) =	ssettag $0x2  }
0x8c: {  	s0 =	rddreg [dreg:$0x0];
	s2 =	stileid.u32  }
0x8d: {  	s1 =	rddreg [dreg:$0x1];
	p0 =	sne.s32 s2, $0x0  }
0x8e: {  	s3 =	rddreg [dreg:$0x2];
	[bflag:$0x3] =	sbarrier.arrive $0xFFFF;
	s2 =	simm.s32 @!p0 $0x1C03  }
0x8f: {  	[timem:s3], [sflag:s2] =	dma.local @!p0 [hbm:s0], s1  }
0x90: {  	s0 =	simm.s32 @!p0 $0x3  }
0x91: {  	_ =	swait.ge @!p0 [sflag:s0], s1  }
0x92: {  	s1 =	ssub.s32 @!p0 $0x0, s1;
	[sflag:s0] =	ssyncset.done @!p0 $0x0  }
0x93: {  	[sflag:s0] =	ssyncadd.s32 @!p0 s1  }
0x94: {  	[bflag:$0x3] =	sbarrier.arrive $0xFFFF  }
0x95: {  	_ =	shalt  }

// kernel: kernel.8.cloned.1.call-start
scs
__scs_entry_jumppad:
0x0: {  	(pc) =	sbr.rel $0x88, $3  }
0x1: {  	(tag) =	ssettag $0x0;
	lr =	simm.s32 $0x1  }
0x2: {  	[smem:$0x3F9B] =	sst lr;
	_ =	strace $0xD0000000  }
0x3: {  	_ = 	snop  }
0x4: {  	_ = 	snop  }
0x5: {  	_ = 	snop  }
0x6: {  	_ = 	snop  }
0x7: {  	_ = 	snop  }
__scs_overlays_trampoline_lowered:
0x8: {  	[smem:$0x3FAA] =	sst s0  }
0x9: {  	[smem:$0x3FAB] =	sst s1  }
0xa: {  	[smem:$0x3FAC] =	sst s2  }
0xb: {  	[smem:$0x3FAD] =	sst s3  }
0xc: {  	[smem:$0x3FAE] =	sst s4  }
0xd: {  	[smem:$0x3FAF] =	sst s5  }
0xe: {  	[smem:$0x3FB0] =	sst s6  }
0xf: {  	[smem:$0x3FB1] =	sst s7  }
0x10: {  	[smem:$0x3FB2] =	sst s8  }
0x11: {  	[smem:$0x3FB3] =	sst s9;
	s0 =	simm.s32 @!p0 $0x0  }
0x12: {  	s1 =	sld [smem:$0x3F99];
	s0 =	simm.s32 @p0 $0x1  }
0x13: {  	[smem:$0x3FB4] =	sst s0;
	s0 =	simm.s32 @!p1 $0x0  }
0x14: {  	s2 =	sld [smem:$0x3F98];
	s0 =	simm.s32 @p1 $0x1  }
0x15: {  	[smem:$0x3FB5] =	sst s0;
	s0 =	simm.s32 @!p2 $0x0  }
0x16: {  	s3 =	sld [smem:$0x3FDB];
	s0 =	simm.s32 @p2 $0x1  }
0x17: {  	s4 =	simm.s32 $0x1BF5;
	[smem:$0x3FB7] =	sst s0  }
0x18: {  	s0 =	sld [smem:$0x3F9A];
	_ =	swait.ge [sflag:s4], $0x0  }
0x19: {  	s7 =	sld [smem:$0x3F9B]  }
0x1a: {  	s8 =	sadd.s32 $0xFFFFE003, lr  }
0x1b: {  	s9 =	sadd.s32 $0xFFFFFEF7, lr;
	s5 =	simm.s32 $0xFFFFFFFF;
	p2 =	slt.u32 s8, $0xFFFFF086  }
0x1c: {  	p1 =	slt.u32 s9, $0xF7A;
	s5 =	simm.s32 @!p2 $0x0  }
0x1d: {  	s5 =	simm.s32 @p1 $0x1;
	p0 =	seq.s32 s7, s2  }
0x1e: {  	s7 =	smul.u32 @!p0 $0xF7A, s2;
	p2 =	seq.s32 @!p0 s5, $0x0  }
0x1f: {  	s9 =	smul.u32 $0xF7A, s1;
	s8 =	simm.s32 @!p0 $0x1BF5;
	p2 =	por !p2, p0  }
0x20: {  	[sflag:s8] =	ssyncset.s32 @!p0 $0xFFFFF086;
	s6 =	sadd.s32 @!p0 s3, s7;
	s7 =	simm.s32 @!p0 $0x108  }
0x21: {  	s3 =	sadd.s32 s3, s9;
	s6 =	sadd.s32 @!p0 $0x88, s6;
	s7 =	simm.s32 @p2 $0x1082  }
0x22: {  	[simem:s7], [sflag:s8] =	dma.local @!p0 [hbm:s6], $0xF7A  }
0x23: {  	s9 =	sor.u32 $0xD0000000, s2;
	s6 =	simm.s32 $0x108;
	_ =	swait.ge @!p0 [sflag:s8], $0x0  }
0x24: {  	s3 =	sadd.s32 $0x88, s3;
	s6 =	simm.s32 @!p1 $0x1082;
	[sflag:s4] =	ssyncset.s32 $0xFFFFF086  }
0x25: {  	[simem:s6], [sflag:s4] =	dma.local [hbm:s3], $0xF7A  }
0x26: {  	[smem:$0x3F9B] =	sst s1;
	(tag) =	ssettag s2;
	_ =	strace s9  }
0x27: {  	s1 =	sld [smem:$0x3FAB]  }
0x28: {  	s2 =	sld [smem:$0x3FAC]  }
0x29: {  	s4 =	sld [smem:$0x3FAE]  }
0x2a: {  	p0 =	seq.s32 s5, $0x0;
	s5 =	sld [smem:$0x3FAF]  }
0x2b: {  	s6 =	sld [smem:$0x3FB0]  }
0x2c: {  	s7 =	sld [smem:$0x3FB1]  }
0x2d: {  	s3 =	simm.s32 $0x108;
	s8 =	sld [smem:$0x3FB2]  }
0x2e: {  	s3 =	simm.s32 @!p0 $0x1082;
	s9 =	sld [smem:$0x3FB3]  }
0x2f: {  	lr =	sadd.s32 s0, s3;
	s0 =	sld [smem:$0x3FAA]  }
0x30: {  	s3 =	sld [smem:$0x3FAD]  }
0x31: {  	[smem:$0x3FB6] =	sst s10  }
0x32: {  	s10 =	sld [smem:$0x3FB4];
	_ =	sdelay $0x3  }
0x33: {  	p0 =	seq.s32 s10, $0x1;
	s10 =	sld [smem:$0x3FB6];
	_ =	sdelay $0x3  }
0x34: {  	[smem:$0x3FB6] =	sst s10  }
0x35: {  	s10 =	sld [smem:$0x3FB5];
	_ =	sdelay $0x3  }
0x36: {  	p1 =	seq.s32 s10, $0x1;
	s10 =	sld [smem:$0x3FB6];
	_ =	sdelay $0x3  }
0x37: {  	[smem:$0x3FB6] =	sst s10  }
0x38: {  	s10 =	sld [smem:$0x3FB7]  }
0x39: {  	_ = 	snop;
	(pc) =	sbr.ind lr, $3  }
0x3a: {  	_ = 	snop  }
0x3b: {  	_ = 	snop  }
0x3c: {  	p2 =	seq.s32 s10, $0x1;
	s10 =	sld [smem:$0x3FB6]  }
0x3d: {  	_ =	shalt  }
0x3e: {  	_ =	shalt  }
0x3f: {  	_ =	shalt  }
0x40: {  	_ =	shalt  }
0x41: {  	_ =	shalt  }
0x42: {  	_ =	shalt  }
0x43: {  	_ =	shalt  }
0x44: {  	_ =	shalt  }
0x45: {  	_ =	shalt  }
0x46: {  	_ =	shalt  }
0x47: {  	_ =	shalt  }
0x48: {  	_ =	shalt  }
0x49: {  	_ =	shalt  }
0x4a: {  	_ =	shalt  }
0x4b: {  	_ =	shalt  }
0x4c: {  	_ =	shalt  }
0x4d: {  	_ =	shalt  }
0x4e: {  	_ =	shalt  }
0x4f: {  	_ =	shalt  }
0x50: {  	_ =	shalt  }
0x51: {  	_ =	shalt  }
0x52: {  	_ =	shalt  }
0x53: {  	_ =	shalt  }
0x54: {  	_ =	shalt  }
0x55: {  	_ =	shalt  }
0x56: {  	_ =	shalt  }
0x57: {  	_ =	shalt  }
0x58: {  	_ =	shalt  }
0x59: {  	_ =	shalt  }
0x5a: {  	_ =	shalt  }
0x5b: {  	_ =	shalt  }
0x5c: {  	_ =	shalt  }
0x5d: {  	_ =	shalt  }
0x5e: {  	_ =	shalt  }
0x5f: {  	_ =	shalt  }
0x60: {  	_ =	shalt  }
0x61: {  	_ =	shalt  }
0x62: {  	_ =	shalt  }
0x63: {  	_ =	shalt  }
0x64: {  	_ =	shalt  }
0x65: {  	_ =	shalt  }
0x66: {  	_ =	shalt  }
0x67: {  	_ =	shalt  }
0x68: {  	_ =	shalt  }
0x69: {  	_ =	shalt  }
0x6a: {  	_ =	shalt  }
0x6b: {  	_ =	shalt  }
0x6c: {  	_ =	shalt  }
0x6d: {  	_ =	shalt  }
0x6e: {  	_ =	shalt  }
0x6f: {  	_ =	shalt  }
0x70: {  	_ =	shalt  }
0x71: {  	_ =	shalt  }
0x72: {  	_ =	shalt  }
0x73: {  	_ =	shalt  }
0x74: {  	_ =	shalt  }
0x75: {  	_ =	shalt  }
0x76: {  	_ =	shalt  }
0x77: {  	_ =	shalt  }
0x78: {  	_ =	shalt  }
0x79: {  	_ =	shalt  }
0x7a: {  	_ =	shalt  }
0x7b: {  	_ =	shalt  }
0x7c: {  	_ =	shalt  }
0x7d: {  	_ =	shalt  }
0x7e: {  	_ =	shalt  }
0x7f: {  	_ =	shalt  }
0x80: {  	_ =	shalt  }
0x81: {  	_ =	shalt  }
0x82: {  	_ =	shalt  }
0x83: {  	_ =	shalt  }
0x84: {  	_ =	shalt  }
0x85: {  	_ =	shalt  }
0x86: {  	_ =	shalt  }
0x87: {  	_ =	shalt  }
.Lfunc_end0:
.L_simem_size_0:
called_computation_lowered:
.L_overlay_start_0:
0x88: {  	s2 =	sld [smem:$0x3FD9]  }
0x89: {  	s3 =	sld [smem:$0x3FFE];
	_ =	sdelay $0x1  }
0x8a: {  	s1 =	srdreg.scid  }
0x8b: {  	s0 =	sand.u32 $0x1, s1  }
0x8c: {  	s16 =	sshll.u32 s0, $0xA;
	s2 =	sadd.s32 s3, s2  }
0x8d: {  	s2 =	sadd.s32 s2, s16  }
0x8e: {  	[smem:$0x3FC2] =	sst s2  }
0x8f: {  	_ = 	snop  }
0x90: {  	(tm) =	ssettm $0x1  }
0x91: {  	s17 =	sld [smem:$0x3FFB];
	_ =	sdelay $0x3  }
0x92: {  	_ =	strace s17  }
0x93: {  	s2 =	sld [smem:$0x3FFC];
	_ =	sdelay $0x3  }
0x94: {  	_ =	strace s2  }
0x95: {  	s2 =	sld [smem:$0x3FFD];
	_ =	sdelay $0x3  }
0x96: {  	_ =	strace s2  }
0x97: {  	_ =	strace $0x8FFFFFFF  }
0x98: {  	s18 =	sld [smem:$0x3FDB];
	_ =	sdelay $0x1  }
0x99: {  	s19 =	simm.s32 $_scs_section_size  }
0x9a: {  	s4 =	simm.s32 $_size__tile_overlayer_lowered;
	s5 =	simm.s32 $_tile_overlayer_lowered  }
0x9b: {  	s22 =	simm.s32 $0x1BFF;
	s21 =	sshll.u32 s5, $0x1;
	s2 =	sadd.s32 s19, s18  }
0x9c: {  	s6 =	simm.s32 $0x0;
	s20 =	sshll.u32 s4, $0x1;
	s4 =	sadd.s32 s21, s2  }
0x9d: {  	[timem:s6], [sflag:s22] =	dma.local [hbm:s4], s20  }
0x9e: {  	_ =	swait.ge [sflag:s22], s20  }
0x9f: {  	s3 =	ssub.s32 $0x0, s20;
	[sflag:s22] =	ssyncset.done $0x0  }
0xa0: {  	[sflag:s22] =	ssyncadd.s32 s3;
	_ =	sdelay $0x1  }
0xa1: {  	s23 =	simm.s32 $0x1B8B  }
0xa2: {  	_ =	swait.ge [sflag:s23], $0x1  }
0xa3: {  	[sflag:s23] =	ssyncset.done $0x0  }
0xa4: {  	s25 =	simm.s32 $0x1B8E;
	s24 =	sld [smem:$0x3FFE];
	[sflag:s23] =	ssyncadd.s32 $0xFFFFFFFF  }
0xa5: {  	s26 =	simm.s32 $execute0_lowered;
	[smem:$0x3FD2] =	sst s25  }
0xa6: {  	s4 =	sshll.u32 s26, $0x1;
	_ =	strace $0x80000046;
	[dreg:$0x1] =	wrdreg $0xFFFFFFFF  }
0xa7: {  	s28 =	simm.s32 $_size_execute0_lowered;
	s2 =	sadd.s32 s2, s4;
	[dreg:$0x0] =	wrdreg $0x0  }
0xa8: {  	s4 =	sshll.u32 s28, $0x1;
	[dreg:$0x2] =	wrdreg s2  }
0xa9: {  	[dreg:$0x3] =	wrdreg s4  }
0xaa: {  	[dreg:$0x4] =	wrdreg $0xC0  }
0xab: {  	_ =	task [dreg:s6], $0x5FFFF  }
0xac: {  	[dreg:$0x1] =	wrdreg $0xFFFFFFFF  }
0xad: {  	[dreg:$0x0] =	wrdreg $0x60  }
0xae: {  	[dreg:$0x2] =	wrdreg s24  }
0xaf: {  	[dreg:$0x3] =	wrdreg $0x38000  }
0xb0: {  	[dreg:$0x4] =	wrdreg $0x9  }
0xb1: {  	_ =	task.clear_ibuf [dreg:s6], $0x5FFFF;
	_ =	strace $0x90000046  }
0xb2: {  	s29 =	simm.s32 $0x9;
	_ =	strace $0x80000048  }
0xb3: {  	_ =	swait.ge [sflag:s29], $0x1  }
0xb4: {  	[sflag:s29] =	ssyncadd.s32 $0xFFFFFFFF  }
0xb5: {  	_ =	strace $0x90000048  }
0xb6: {  	_ =	sfence  }
0xb7: {  	s30 =	sld [smem:$0x0];
	_ =	sdelay $0x2  }
0xb8: {  	s31 =	sshll.u32 s1, $0xD;
	s1 =	sshrl.u32 s1, $0x2  }
0xb9: {  	s3 =	sand.u32 $0x4000, s31;
	s1 =	sadd.s32 s1, s30  }
0xba: {  	s0 =	sor.u32 s3, s0;
	s1 =	sshll.u32 s1, $0x11  }
0xbb: {  	s0 =	sor.u32 s1, s0  }
0xbc: {  	s0 =	sadd.s32 $0x8F2B, s0  }
0xbd: {  	[sflag:s0] =	ssyncadd.remote.s32 $0x1  }
0xbe: {  	_ =	sfence.sel $0xFFFF  }
0xbf: {  	[dreg:$0x0] =	wrdreg $0xFFFFFFFF;
	(pc) =	sbr.abs _section_cstart, $3  }
0xc0: {  	[dreg:$0x1] =	wrdreg $0xFFFFFFFF  }
0xc1: {  	_ =	task.clear_ibuf [dreg:s6], $0x2FFFF;
	_ =	strace $0x9FFFFFFF  }
0xc2: {  	(tm) =	ssettm $0x7FFFFFFF  }
0xc3: {  	_ =	shalt  }
tec
execute0_lowered:
.L_overlay_start_1:
0x0: {  	(tag) =	ssettag $0x1  }
0x1: {  	s4 =	rddreg [dreg:$0x0]  }
0x2: {  	s2 =	rddreg [dreg:$0x1]  }
0x3: {  	s0 =	srdreg.scid;
	s1 =	rddreg [dreg:$0x2];
	s3 =	simm.s32 $0x0  }
0x4: {  	s12 =	simm.s32 $0x3000;
	s13 =	simm.s32 $0x2;
	s14 =	simm.s32 $0x1  }
0x5: {  	s15 =	simm.s32 $0x80;
	s5 =	sand.u32 $0x1, s0;
	s0 =	stileid.u32  }
0x6: {  	s16 =	simm.s32 $0x2800;
	[smem:$0x7FF] =	sst s3;
	s6 =	smul.u32 $0x28000, s5  }
0x7: {  	s7 =	smul.u32 $0x2800, s0;
	s8 =	sshll.u32 s0, $0x1;
	_ =	strace $0x80000047  }
0x8: {  	s9 =	smul.u32 $0xA000, s0;
	s17 =	sshll.u32 s0, $0x6;
	s8 =	sor.u32 s5, s8  }
0x9: {  	s5 =	ssub.s32 $0x2, s5;
	s17 =	sor.u32 $0x1C02, s17;
	s6 =	sadd.s32 s7, s6  }
0xa: {  	s8 =	smul.u32 $0x2800, s8;
	s10 =	sshrl.u32 s5, $0x1;
	s30 =	sshrl.u32 s9, $0x2  }
0xb: {  	s18 =	sadd.s32 s7, s2;
	s6 =	sshrl.u32 s6, $0x3;
	s31 =	ssub.s32 s5, s10  }
0xc: {  	s5 =	sadd.s32 s30, s2;
	s18 =	sshrl.u32 s18, $0x3;
	s6 =	sadd.s32 s6, s4  }
0xd: {  	s8 =	sshrl.u32 s8, $0x3;
	s7 =	smax.u32 s31, $0x1;
	s9 =	sadd.s32 $0x1000, s5  }
0xe: {  	s10 =	sadd.s32 $0x1800, s5;
	s11 =	sadd.s32 $0x2000, s5;
	s4 =	sadd.s32 s4, s8  }
0xf: {  	v0 =	vimm.f32 $1.000000000e+00;
	v1 =	vimm.f32 $0.0e+00;
	s6 =	sadd.s32 $0x16A00, s6;
	s8 =	sadd.s32 $0x800, s5;
	s4 =	sadd.s32 $0xCA00, s4  }
.LBB2_1:
0x10: {  	s19 =	simm.s32 $0x0  }
.LBB2_2:
0x11: {  	p0 =	sne.s32 s19, $0x1FC0  }
.Ltmp0:
0x12: {  	_ = 	snop;
	(pc) =	sbr.rel @p0 .LBB2_2-.Ltmp0, $3  }
0x13: {  	_ =	sdelay $0x1  }
0x14: {  	s20 =	sshra.s32 s19, $0x2  }
0x15: {  	s19 =	sadd.s32 $0x40, s19;
	[tilespmem:s20+$0x2800] =	vst v0  }
0x16: {  	s19 =	simm.s32 $0x40;
	s20 =	simm.s32 $0x0  }
.LBB2_4:
0x17: {  	p0 =	sne.s32 s19, $0x1FC0;
	[tilespmem:s20+$0x3000] =	vst v1;
	s20 =	smov.u32 s19;
	s19 =	sadd.s32 $0x40, s19  }
.Ltmp1:
0x18: {  	(pc) =	sbr.rel @p0 .LBB2_4-.Ltmp1, $2  }
0x19: {  	_ =	sdelay $0x2  }
0x1a: {  	s20 =	sshra.s32 s20, $0x2  }
0x1b: {  	[tilespmem:s20+$0x3000] =	vst v1;
	s19 =	simm.s32 $0x0  }
0x1c: {  	[tilespmem:s19], [sflag:$0x1] =	stream.linear.gather [hbm4b:s4+s19], $0x2800, $0x38;
	[tilespmem:$0x6000] =	vst v63  }
0x1d: {  	_ = 	snop  }
0x1e: {  	[spmem:s5] =	stream.linear.scatter [tilespmem:s12], [sflag:$0x2], $0x800, $0x38;
	[tilespmem:$0x6000] =	vst v63  }
0x1f: {  	_ =	swait.ge [sflag:s13], $0x800  }
0x20: {  	[sflag:s13] =	ssyncset.done $0x0  }
0x21: {  	[sflag:s13] =	ssyncadd.s32 $0xFFFFF800  }
0x22: {  	[spmem:s8] =	stream.linear.scatter [tilespmem:s12], [sflag:$0x2], $0x800, $0x38;
	[tilespmem:$0x6000] =	vst v63  }
0x23: {  	_ =	swait.ge [sflag:s13], $0x800  }
0x24: {  	[sflag:s13] =	ssyncset.done $0x0  }
0x25: {  	[sflag:s13] =	ssyncadd.s32 $0xFFFFF800  }
0x26: {  	[spmem:s9] =	stream.linear.scatter [tilespmem:s12], [sflag:$0x2], $0x800, $0x38;
	[tilespmem:$0x6000] =	vst v63  }
0x27: {  	_ =	swait.ge [sflag:s13], $0x800  }
0x28: {  	[sflag:s13] =	ssyncset.done $0x0  }
0x29: {  	[sflag:s13] =	ssyncadd.s32 $0xFFFFF800  }
0x2a: {  	[spmem:s10] =	stream.linear.scatter [tilespmem:s12], [sflag:$0x2], $0x800, $0x38;
	[tilespmem:$0x6000] =	vst v63  }
0x2b: {  	_ =	swait.ge [sflag:s13], $0x800  }
0x2c: {  	[sflag:s13] =	ssyncset.done $0x0  }
0x2d: {  	[sflag:s13] =	ssyncadd.s32 $0xFFFFF800  }
0x2e: {  	[spmem:s11] =	stream.linear.scatter [tilespmem:s12], [sflag:$0x2], $0x800, $0x38;
	[tilespmem:$0x6000] =	vst v63  }
0x2f: {  	_ =	swait.ge [sflag:s13], $0x800  }
0x30: {  	[sflag:s13] =	ssyncset.done $0x0  }
0x31: {  	[sflag:s13] =	ssyncadd.s32 $0xFFFFF800  }
0x32: {  	_ =	swait.ge [sflag:s14], $0x2800  }
0x33: {  	[sflag:s14] =	ssyncset.done $0x0  }
0x34: {  	[sflag:s14] =	ssyncadd.s32 $0xFFFFD800  }
0x35: {  	s23 =	simm.s32 $0x0;
	[bflag:$0x0] =	sbarrier.arrive $0xFFFF  }
0x36: {  	[spmem:s2] =	stream.indirect.scatter.add.f32 [tilespmem:s16], [sflag:$0x1], $0x10, s23, s15, $0xb8;
	[tilespmem:$0x6000] =	vst v63  }
0x37: {  	s24 =	simm.s32 $0x80  }
0x38: {  	[spmem:s2] =	stream.indirect.scatter.add.f32 [tilespmem:s16], [sflag:$0x1], $0x10, s24, s15, $0xb8;
	[tilespmem:$0x6000] =	vst v63  }
0x39: {  	s25 =	simm.s32 $0x100  }
0x3a: {  	[spmem:s2] =	stream.indirect.scatter.add.f32 [tilespmem:s16], [sflag:$0x1], $0x10, s25, s15, $0xb8;
	[tilespmem:$0x6000] =	vst v63  }
0x3b: {  	s26 =	simm.s32 $0x180  }
0x3c: {  	[spmem:s2] =	stream.indirect.scatter.add.f32 [tilespmem:s16], [sflag:$0x1], $0x10, s26, s15, $0xb8;
	[tilespmem:$0x6000] =	vst v63  }
0x3d: {  	s28 =	simm.s32 $0x200  }
0x3e: {  	[spmem:s2] =	stream.indirect.scatter.add.f32 [tilespmem:s16], [sflag:$0x1], $0x10, s28, s15, $0xb8;
	[tilespmem:$0x6000] =	vst v63  }
0x3f: {  	s29 =	simm.s32 $0x280  }
0x40: {  	[spmem:s2] =	stream.indirect.scatter.add.f32 [tilespmem:s16], [sflag:$0x1], $0x10, s29, s15, $0xb8;
	[tilespmem:$0x6000] =	vst v63  }
0x41: {  	s30 =	simm.s32 $0x300  }
0x42: {  	[spmem:s2] =	stream.indirect.scatter.add.f32 [tilespmem:s16], [sflag:$0x1], $0x10, s30, s15, $0xb8;
	[tilespmem:$0x6000] =	vst v63  }
0x43: {  	s31 =	simm.s32 $0x380  }
0x44: {  	[spmem:s2] =	stream.indirect.scatter.add.f32 [tilespmem:s16], [sflag:$0x1], $0x10, s31, s15, $0xb8;
	[tilespmem:$0x6000] =	vst v63  }
0x45: {  	_ =	swait.ge [sflag:s14], $0x800  }
0x46: {  	[sflag:s14] =	ssyncset.done $0x0  }
0x47: {  	[sflag:s14] =	ssyncadd.s32 $0xFFFFF800  }
0x48: {  	_ =	swait.ge [sflag:s14], $0x800  }
0x49: {  	[sflag:s14] =	ssyncset.done $0x0  }
0x4a: {  	[sflag:s14] =	ssyncadd.s32 $0xFFFFF800  }
0x4b: {  	_ =	swait.ge [sflag:s14], $0x800  }
0x4c: {  	[sflag:s14] =	ssyncset.done $0x0  }
0x4d: {  	[sflag:s14] =	ssyncadd.s32 $0xFFFFF800  }
0x4e: {  	_ =	swait.ge [sflag:s14], $0x800  }
0x4f: {  	[sflag:s14] =	ssyncset.done $0x0  }
0x50: {  	[sflag:s14] =	ssyncadd.s32 $0xFFFFF800  }
0x51: {  	_ =	swait.ge [sflag:s14], $0x800  }
0x52: {  	[sflag:s14] =	ssyncset.done $0x0  }
0x53: {  	[sflag:s14] =	ssyncadd.s32 $0xFFFFF800  }
0x54: {  	_ =	swait.ge [sflag:s14], $0x800  }
0x55: {  	[sflag:s14] =	ssyncset.done $0x0  }
0x56: {  	[sflag:s14] =	ssyncadd.s32 $0xFFFFF800  }
0x57: {  	_ =	swait.ge [sflag:s14], $0x800  }
0x58: {  	[sflag:s14] =	ssyncset.done $0x0  }
0x59: {  	[sflag:s14] =	ssyncadd.s32 $0xFFFFF800  }
0x5a: {  	_ =	swait.ge [sflag:s14], $0x800  }
0x5b: {  	s21 =	simm.s32 $0x2000;
	s19 =	simm.s32 $0x1000;
	[sflag:s14] =	ssyncset.done $0x0  }
.LBB2_6:
0x5c: {  	s22 =	sshra.s32 s19, $0x2  }
0x5d: {  	[sflag:s14] =	ssyncadd.s32 $0xFFFFF800;
	s19 =	smov.u32 s21;
	s20 =	sadd.s32 $0x1000, s21  }
0x5e: {  	[spmem:s2] =	stream.indirect.scatter.add.f32 [tilespmem:s16], [sflag:$0x1], $0x10, s22, s15, $0xb8;
	[tilespmem:$0x6000] =	vst v63  }
0x5f: {  	p0 =	sne.s32 s21, $0x9000;
	s21 =	sadd.s32 $0x80, s22  }
0x60: {  	[spmem:s2] =	stream.indirect.scatter.add.f32 [tilespmem:s16], [sflag:$0x1], $0x10, s21, s15, $0xb8;
	[tilespmem:$0x6000] =	vst v63  }
0x61: {  	s21 =	sadd.s32 $0x100, s22  }
0x62: {  	[spmem:s2] =	stream.indirect.scatter.add.f32 [tilespmem:s16], [sflag:$0x1], $0x10, s21, s15, $0xb8;
	[tilespmem:$0x6000] =	vst v63  }
0x63: {  	s21 =	sadd.s32 $0x180, s22  }
0x64: {  	[spmem:s2] =	stream.indirect.scatter.add.f32 [tilespmem:s16], [sflag:$0x1], $0x10, s21, s15, $0xb8;
	[tilespmem:$0x6000] =	vst v63  }
0x65: {  	s21 =	sadd.s32 $0x200, s22  }
0x66: {  	[spmem:s2] =	stream.indirect.scatter.add.f32 [tilespmem:s16], [sflag:$0x1], $0x10, s21, s15, $0xb8;
	[tilespmem:$0x6000] =	vst v63  }
0x67: {  	s21 =	sadd.s32 $0x280, s22  }
0x68: {  	[spmem:s2] =	stream.indirect.scatter.add.f32 [tilespmem:s16], [sflag:$0x1], $0x10, s21, s15, $0xb8;
	[tilespmem:$0x6000] =	vst v63  }
0x69: {  	s21 =	sadd.s32 $0x300, s22  }
0x6a: {  	[spmem:s2] =	stream.indirect.scatter.add.f32 [tilespmem:s16], [sflag:$0x1], $0x10, s21, s15, $0xb8;
	[tilespmem:$0x6000] =	vst v63  }
0x6b: {  	s21 =	sadd.s32 $0x380, s22  }
0x6c: {  	[spmem:s2] =	stream.indirect.scatter.add.f32 [tilespmem:s16], [sflag:$0x1], $0x10, s21, s15, $0xb8;
	[tilespmem:$0x6000] =	vst v63  }
0x6d: {  	_ =	swait.ge [sflag:s14], $0x800  }
0x6e: {  	[sflag:s14] =	ssyncset.done $0x0  }
0x6f: {  	[sflag:s14] =	ssyncadd.s32 $0xFFFFF800  }
0x70: {  	_ =	swait.ge [sflag:s14], $0x800  }
0x71: {  	[sflag:s14] =	ssyncset.done $0x0  }
0x72: {  	[sflag:s14] =	ssyncadd.s32 $0xFFFFF800  }
0x73: {  	_ =	swait.ge [sflag:s14], $0x800  }
0x74: {  	[sflag:s14] =	ssyncset.done $0x0  }
0x75: {  	[sflag:s14] =	ssyncadd.s32 $0xFFFFF800  }
0x76: {  	_ =	swait.ge [sflag:s14], $0x800  }
0x77: {  	[sflag:s14] =	ssyncset.done $0x0  }
0x78: {  	[sflag:s14] =	ssyncadd.s32 $0xFFFFF800  }
0x79: {  	_ =	swait.ge [sflag:s14], $0x800  }
0x7a: {  	[sflag:s14] =	ssyncset.done $0x0  }
0x7b: {  	[sflag:s14] =	ssyncadd.s32 $0xFFFFF800  }
0x7c: {  	_ =	swait.ge [sflag:s14], $0x800  }
0x7d: {  	[sflag:s14] =	ssyncset.done $0x0  }
0x7e: {  	[sflag:s14] =	ssyncadd.s32 $0xFFFFF800  }
.Ltmp2:
0x7f: {  	_ =	swait.ge [sflag:s14], $0x800;
	(pc) =	sbr.rel @p0 .LBB2_6-.Ltmp2, $4  }
0x80: {  	[sflag:s14] =	ssyncset.done $0x0  }
0x81: {  	[sflag:s14] =	ssyncadd.s32 $0xFFFFF800  }
0x82: {  	_ =	swait.ge [sflag:s14], $0x800  }
0x83: {  	s21 =	smov.u32 s20;
	[sflag:s14] =	ssyncset.done $0x0  }
0x84: {  	s19 =	sshra.s32 s19, $0x2;
	[sflag:s14] =	ssyncadd.s32 $0xFFFFF800  }
0x85: {  	[spmem:s2] =	stream.indirect.scatter.add.f32 [tilespmem:s16], [sflag:$0x1], $0x10, s19, s15, $0xb8;
	[tilespmem:$0x6000] =	vst v63  }
0x86: {  	s20 =	sadd.s32 $0x80, s19  }
0x87: {  	[spmem:s2] =	stream.indirect.scatter.add.f32 [tilespmem:s16], [sflag:$0x1], $0x10, s20, s15, $0xb8;
	[tilespmem:$0x6000] =	vst v63  }
0x88: {  	s26 =	sadd.s32 $0x100, s19  }
0x89: {  	[spmem:s2] =	stream.indirect.scatter.add.f32 [tilespmem:s16], [sflag:$0x1], $0x10, s26, s15, $0xb8;
	[tilespmem:$0x6000] =	vst v63  }
0x8a: {  	s28 =	sadd.s32 $0x180, s19  }
0x8b: {  	[spmem:s2] =	stream.indirect.scatter.add.f32 [tilespmem:s16], [sflag:$0x1], $0x10, s28, s15, $0xb8;
	[tilespmem:$0x6000] =	vst v63  }
0x8c: {  	s29 =	sadd.s32 $0x200, s19  }
0x8d: {  	[spmem:s2] =	stream.indirect.scatter.add.f32 [tilespmem:s16], [sflag:$0x1], $0x10, s29, s15, $0xb8;
	[tilespmem:$0x6000] =	vst v63  }
0x8e: {  	s30 =	sadd.s32 $0x280, s19  }
0x8f: {  	[spmem:s2] =	stream.indirect.scatter.add.f32 [tilespmem:s16], [sflag:$0x1], $0x10, s30, s15, $0xb8;
	[tilespmem:$0x6000] =	vst v63  }
0x90: {  	s31 =	sadd.s32 $0x300, s19  }
0x91: {  	[spmem:s2] =	stream.indirect.scatter.add.f32 [tilespmem:s16], [sflag:$0x1], $0x10, s31, s15, $0xb8;
	[tilespmem:$0x6000] =	vst v63  }
0x92: {  	s19 =	sadd.s32 $0x380, s19  }
0x93: {  	[spmem:s2] =	stream.indirect.scatter.add.f32 [tilespmem:s16], [sflag:$0x1], $0x10, s19, s15, $0xb8;
	[tilespmem:$0x6000] =	vst v63  }
0x94: {  	_ =	swait.ge [sflag:s14], $0x800  }
0x95: {  	[sflag:s14] =	ssyncset.done $0x0  }
0x96: {  	[sflag:s14] =	ssyncadd.s32 $0xFFFFF800  }
0x97: {  	_ =	swait.ge [sflag:s14], $0x800  }
0x98: {  	[sflag:s14] =	ssyncset.done $0x0  }
0x99: {  	[sflag:s14] =	ssyncadd.s32 $0xFFFFF800  }
0x9a: {  	_ =	swait.ge [sflag:s14], $0x800  }
0x9b: {  	[sflag:s14] =	ssyncset.done $0x0  }
0x9c: {  	[sflag:s14] =	ssyncadd.s32 $0xFFFFF800  }
0x9d: {  	_ =	swait.ge [sflag:s14], $0x800  }
0x9e: {  	[sflag:s14] =	ssyncset.done $0x0  }
0x9f: {  	[sflag:s14] =	ssyncadd.s32 $0xFFFFF800  }
0xa0: {  	_ =	swait.ge [sflag:s14], $0x800  }
0xa1: {  	[sflag:s14] =	ssyncset.done $0x0  }
0xa2: {  	[sflag:s14] =	ssyncadd.s32 $0xFFFFF800  }
0xa3: {  	_ =	swait.ge [sflag:s14], $0x800  }
0xa4: {  	[sflag:s14] =	ssyncset.done $0x0  }
0xa5: {  	[sflag:s14] =	ssyncadd.s32 $0xFFFFF800  }
0xa6: {  	_ =	swait.ge [sflag:s14], $0x800  }
0xa7: {  	[sflag:s14] =	ssyncset.done $0x0  }
0xa8: {  	[sflag:s14] =	ssyncadd.s32 $0xFFFFF800  }
0xa9: {  	_ =	swait.ge [sflag:s14], $0x800  }
0xaa: {  	s3 =	sadd.s32 $0x1, s3;
	[sflag:s14] =	ssyncset.done $0x0  }
0xab: {  	p0 =	sne.s32 s3, s7;
	[sflag:s14] =	ssyncadd.s32 $0xFFFFF800  }
.Ltmp3:
0xac: {  	[bflag:$0x0] =	sbarrier.arrive $0xFFFF;
	(pc) =	sbr.rel @p0 .LBB2_1-.Ltmp3, $4  }
0xad: {  	[hbm:s6], [sflag:s17] =	dma.local [spmem:s18], $0x500  }
0xae: {  	_ =	swait.ge [sflag:s13], $0x500  }
0xaf: {  	[sflag:s13] =	ssyncset.done $0x0  }
0xb0: {  	[sflag:s13] =	ssyncadd.s32 $0xFFFFFB00  }
0xb1: {  	_ =	sfence.sel $0x180000  }
0xb2: {  	[bflag:$0x0] =	sbarrier.arrive $0xFFFF  }
0xb3: {  	p0 =	sne.s32 s0, $0x0;
	_ =	strace $0x90000047  }
0xb4: {  	s0 =	sadd.s32 @!p0 $0x100000, s1;
	[bflag:$0x2] =	sbarrier.arrive $0xFFFF  }
0xb5: {  	[sflag:s0] =	ssyncadd.tile.s32 @!p0 $0x1;
	_ =	shalt  }
.Lfunc_end2:
_tile_overlayer_lowered:
.L_overlay_start_2:
0xb6: {  	(tag) =	ssettag $0x2  }
0xb7: {  	s0 =	rddreg [dreg:$0x0];
	s2 =	stileid.u32  }
0xb8: {  	s1 =	rddreg [dreg:$0x1];
	p0 =	sne.s32 s2, $0x0  }
0xb9: {  	s3 =	rddreg [dreg:$0x2];
	[bflag:$0x3] =	sbarrier.arrive $0xFFFF;
	s2 =	simm.s32 @!p0 $0x1C02  }
0xba: {  	[timem:s3], [sflag:s2] =	dma.local @!p0 [hbm:s0], s1  }
0xbb: {  	s0 =	simm.s32 @!p0 $0x2  }
0xbc: {  	_ =	swait.ge @!p0 [sflag:s0], s1  }
0xbd: {  	s1 =	ssub.s32 @!p0 $0x0, s1;
	[sflag:s0] =	ssyncset.done @!p0 $0x0  }
0xbe: {  	[sflag:s0] =	ssyncadd.s32 @!p0 s1  }
0xbf: {  	[bflag:$0x3] =	sbarrier.arrive $0xFFFF  }
0xc0: {  	_ =	shalt  }

</sc_bundles>
